<compile_context>
chip_gen: v7x
topology: tpu7x:2x2x1
jax: 0.10.2.dev20260603
libtpu: 0.0.44.dev20260713+nightly
codegen_flags: <defaults>
</compile_context>

<pallas_src>
import jax
import jax.numpy as jnp
from jax import lax
from jax.experimental import pallas as pl
from jax.experimental.pallas import tpu as pltpu
from jax.experimental.pallas import tpu_sc as plsc


def _routing_sc(logits_hbm, out_hbm, lt_vmem, c_vmem):
    nc = 2
    wid = lax.axis_index("s") * nc + lax.axis_index("c")
    num_experts, _, tokens = logits_hbm.shape
    tpb = 16
    base = wid * tpb

    @pl.when(wid < tokens // tpb)
    def _work():
        for e in range(num_experts):
            pltpu.sync_copy(
                logits_hbm.at[e, 0, pl.ds(base, tpb)], lt_vmem.at[e]
            )
        fneg = jnp.full((16,), jnp.finfo(jnp.float32).min, jnp.float32)
        ineg = jnp.full((16,), -1, jnp.int32)
        one = jnp.full((16,), 1, jnp.int32)
        zero = jnp.full((16,), 0, jnp.int32)
        m1, i1, m2, i2 = fneg, ineg, fneg, ineg
        for e in range(num_experts):
            le = lt_vmem[e]
            ev = jnp.full((16,), e, jnp.int32)
            b1 = jnp.where(le > m1, one, zero)
            b2 = jnp.where(le > m2, one, zero) * (one - b1)
            m2 = jnp.where(b1 > zero, m1, jnp.where(b2 > zero, le, m2))
            i2 = jnp.where(b1 > zero, i1, jnp.where(b2 > zero, ev, i2))
            m1 = jnp.where(b1 > zero, le, m1)
            i1 = jnp.where(b1 > zero, ev, i1)
        r = jnp.exp(m2 - m1)
        w1 = 1.0 / (1.0 + r)
        w2 = r / (1.0 + r)
        for e in range(num_experts):
            ev = jnp.full((16,), e, jnp.int32)
            c_vmem[e] = jnp.where(i1 == ev, w1, 0.0) + jnp.where(i2 == ev, w2, 0.0)
        for e in range(num_experts):
            pltpu.sync_copy(
                c_vmem.at[e], out_hbm.at[e, 0, pl.ds(base, tpb)]
            )


def _routing_coeff(router_logits):
    tokens, num_experts = router_logits.shape
    logits_t = router_logits.T.reshape(num_experts, 1, tokens)
    run = pl.kernel(
        _routing_sc,
        out_type=jax.ShapeDtypeStruct((num_experts, 1, tokens), jnp.float32),
        mesh=plsc.VectorSubcoreMesh(core_axis_name="c", subcore_axis_name="s"),
        scratch_types=[
            pltpu.VMEM((num_experts, 16), jnp.float32),
            pltpu.VMEM((num_experts, 16), jnp.float32),
        ],
    )
    return run(logits_t)


def _moe_kernel(x_ref, cin_ref, w13_ref, w2_ref, out_ref):
    e = pl.program_id(0)

    @pl.when(e == 0)
    def _init():
        out_ref[...] = jnp.zeros_like(out_ref)

    x = x_ref[...]
    w13 = w13_ref[0]
    w2m = w2_ref[0]
    inter = w2m.shape[1]
    gate_up = jax.lax.dot_general(
        x, w13, (((1,), (1,)), ((), ())), preferred_element_type=jnp.float32
    )
    gate = gate_up[:, :inter]
    up = gate_up[:, inter:]
    h = gate * jax.nn.sigmoid(gate) * up
    y = jax.lax.dot_general(
        h, w2m, (((1,), (1,)), ((), ())), preferred_element_type=jnp.float32
    )
    coeff = cin_ref[0].reshape(y.shape[0], 1)
    out_ref[...] += coeff * y


def kernel(hidden_states, router_logits, w13_weight, w2_weight):
    tokens, hidden = hidden_states.shape
    num_experts = w13_weight.shape[0]
    inter = w2_weight.shape[2]
    coeff = _routing_coeff(router_logits)
    return pl.pallas_call(
        _moe_kernel,
        grid=(num_experts,),
        in_specs=[
            pl.BlockSpec((tokens, hidden), lambda e: (0, 0)),
            pl.BlockSpec((1, 1, tokens), lambda e: (e, 0, 0)),
            pl.BlockSpec((1, 2 * inter, hidden), lambda e: (e, 0, 0)),
            pl.BlockSpec((1, hidden, inter), lambda e: (e, 0, 0)),
        ],
        out_specs=pl.BlockSpec((tokens, hidden), lambda e: (0, 0)),
        out_shape=jax.ShapeDtypeStruct((tokens, hidden), jnp.float32),
    )(hidden_states, coeff, w13_weight, w2_weight)

# --- scband reference (transcript-rebuilt; emitter-appended) ---
"""Pipeline reference for scband-fused-mo-e-55482387530504 (READ-ONLY COPY).

The authoritative reference and input builder live on the scoring server;
editing this copy changes nothing except your own understanding.
"""

import jax, jax.numpy as jnp
import numpy as np

NUM_EXPERTS = 16
TOP_K = 2
HIDDEN = 1024
INTERMEDIATE = 1024
TOKENS = 256


def setup_inputs(seed: int = 0) -> dict:
    key = jax.random.key(seed)
    k1, k2, k3, k4 = jax.random.split(key, 4)
    hidden_states = jax.random.normal(k1, (TOKENS, HIDDEN), dtype=jnp.float32)
    router_logits = jax.random.normal(k2, (TOKENS, NUM_EXPERTS), dtype=jnp.float32)
    # Expert weights per FusedMoE.create_weights:
    #   w13_weight: [E, 2*I, H] (merged gate_proj + up_proj)
    #   w2_weight:  [E, H, I]   (down_proj)
    w13_weight = jax.random.normal(k3, (NUM_EXPERTS, 2 * INTERMEDIATE, HIDDEN), dtype=jnp.float32) * 0.02
    w2_weight = jax.random.normal(k4, (NUM_EXPERTS, HIDDEN, INTERMEDIATE), dtype=jnp.float32) * 0.02
    return {
        "hidden_states": hidden_states,
        "router_logits": router_logits,
        "w13_weight": w13_weight,
        "w2_weight": w2_weight,
    }


def _fused_moe(hidden_states, router_logits, w13_weight, w2_weight, top_k=TOP_K, renormalize=True):
    # Routing: softmax over experts, then top-k selection (fused_moe semantics)
    probs = jax.nn.softmax(router_logits.astype(jnp.float32), axis=-1)
    topk_w, topk_idx = jax.lax.top_k(probs, top_k)  # [T, k]
    if renormalize:
        topk_w = topk_w / jnp.sum(topk_w, axis=-1, keepdims=True)
    num_experts = w13_weight.shape[0]
    inter = w2_weight.shape[2]
    out = jnp.zeros_like(hidden_states)
    for e in range(num_experts):
        # combine weight for this expert per token (0 if not routed here)
        coeff = jnp.sum(jnp.where(topk_idx == e, topk_w, 0.0), axis=-1)  # [T]
        gate_up = hidden_states @ w13_weight[e].T  # [T, 2I]
        gate = gate_up[:, :inter]
        up = gate_up[:, inter:]
        h = jax.nn.silu(gate) * up  # SiLU-and-mul as in fused_moe kernel
        y = h @ w2_weight[e].T  # [T, H]
        out = out + coeff[:, None] * y
    return out


def reference(hidden_states, router_logits, w13_weight, w2_weight):
    return _fused_moe(hidden_states, router_logits, w13_weight, w2_weight)

if __name__ == "__main__":
    import jax
    _d = setup_inputs()
    print(jax.jit(kernel)(*tuple(_d.values())))

</pallas_src>

<mosaic_0001>
#map = affine_map<(d0, d1) -> (0, 0, 0)>
module attributes {stable_mosaic.version = 14 : i64} {
  func.func @_routing_sc(%arg0: i32, %arg1: i32, %arg2: memref<16x1x256xf32, #tpu.memory_space<hbm>>, %arg3: memref<16x1x256xf32, #tpu.memory_space<hbm>>, %arg4: memref<16x16xf32, #tpu.memory_space<vmem>>, %arg5: memref<16x16xf32, #tpu.memory_space<vmem>>) attributes {dimension_semantics = [#tpu.dimension_semantics<core_parallel>, #tpu.dimension_semantics<subcore_parallel>], iteration_bounds = array<i64: 2, 16>, scalar_prefetch = 0 : i64, scratch_operands = 2 : i64, tpu.core_type = #tpu.core_type<sc_vector_subcore>, window_params = [{transform_indices = #map}, {transform_indices = #map}]} {
    %mul3A = arith.constant 2 : i32
    %mul3A_0 = arith.muli %arg1, %mul3A : i32
    %add3A = arith.addi %mul3A_0, %arg0 : i32
    %mul3A_1 = arith.constant 16 : i32
    %mul3A_2 = arith.muli %add3A, %mul3A_1 : i32
    %lt3A = arith.constant 16 : i32
    %lt3A_3 = arith.cmpi slt, %add3A, %lt3A : i32
    %convert_element_type3A = arith.extui %lt3A_3 : i1 to i32
    %cond3A = arith.constant 0 : i32
    %cond3A_4 = arith.cmpi ne, %convert_element_type3A, %cond3A : i32
    scf.if %cond3A_4 {
      %run_scoped3A = arith.constant 0 : i32
      %run_scoped3A_5 = arith.constant 0 : i32
      %run_scoped3A_6 = arith.constant 0 : i32
      "tpu.region"() ({
        %run_scoped3A_782 = tpu.sem_alloc : memref<!tpu.dma_semaphore, #tpu.memory_space<semaphore_mem>>
        %dma_start3A = arith.constant 0 : i32
        %dma_start3A_783 = tpu.memref_slice %arg4[%run_scoped3A_6, %dma_start3A] : memref<16x16xf32, #tpu.memory_space<vmem>> -> memref<1x16xf32, #tpu.memory_space<vmem>>
        %dma_start3A_784 = tpu.memref_squeeze %dma_start3A_783 : memref<1x16xf32, #tpu.memory_space<vmem>> -> memref<16xf32, #tpu.memory_space<vmem>>
        %dma_start3A_785 = tpu.memref_slice %arg2[%run_scoped3A, %run_scoped3A_5, %mul3A_2] : memref<16x1x256xf32, #tpu.memory_space<hbm>> -> memref<1x1x16xf32, #tpu.memory_space<hbm>>
        %dma_start3A_786 = tpu.memref_squeeze %dma_start3A_785 : memref<1x1x16xf32, #tpu.memory_space<hbm>> -> memref<16xf32, #tpu.memory_space<hbm>>
        %dma_start3A_787 = arith.constant 0 : i32
        %dma_start3A_788 = tpu.memref_slice %arg4[%run_scoped3A_6, %dma_start3A_787] : memref<16x16xf32, #tpu.memory_space<vmem>> -> memref<1x16xf32, #tpu.memory_space<vmem>>
        %dma_start3A_789 = tpu.memref_squeeze %dma_start3A_788 : memref<1x16xf32, #tpu.memory_space<vmem>> -> memref<16xf32, #tpu.memory_space<vmem>>
        %dma_start3A_790 = tpu.memref_slice %arg2[%run_scoped3A, %run_scoped3A_5, %mul3A_2] : memref<16x1x256xf32, #tpu.memory_space<hbm>> -> memref<1x1x16xf32, #tpu.memory_space<hbm>>
        %dma_start3A_791 = tpu.memref_squeeze %dma_start3A_790 : memref<1x1x16xf32, #tpu.memory_space<hbm>> -> memref<16xf32, #tpu.memory_space<hbm>>
        tpu.enqueue_dma source(%dma_start3A_791 : memref<16xf32, #tpu.memory_space<hbm>>) target(%dma_start3A_789 : memref<16xf32, #tpu.memory_space<vmem>>) target_semaphore(%run_scoped3A_782 : memref<!tpu.dma_semaphore, #tpu.memory_space<semaphore_mem>>)
        %dma_wait3A = arith.constant 0 : i32
        %dma_wait3A_792 = tpu.memref_slice %arg4[%run_scoped3A_6, %dma_wait3A] : memref<16x16xf32, #tpu.memory_space<vmem>> -> memref<1x16xf32, #tpu.memory_space<vmem>>
        %dma_wait3A_793 = tpu.memref_squeeze %dma_wait3A_792 : memref<1x16xf32, #tpu.memory_space<vmem>> -> memref<16xf32, #tpu.memory_space<vmem>>
        %dma_wait3A_794 = tpu.memref_slice %arg2[%run_scoped3A, %run_scoped3A_5, %mul3A_2] : memref<16x1x256xf32, #tpu.memory_space<hbm>> -> memref<1x1x16xf32, #tpu.memory_space<hbm>>
        %dma_wait3A_795 = tpu.memref_squeeze %dma_wait3A_794 : memref<1x1x16xf32, #tpu.memory_space<hbm>> -> memref<16xf32, #tpu.memory_space<hbm>>
        %dma_wait3A_796 = arith.constant 0 : i32
        %dma_wait3A_797 = tpu.memref_slice %arg4[%run_scoped3A_6, %dma_wait3A_796] : memref<16x16xf32, #tpu.memory_space<vmem>> -> memref<1x16xf32, #tpu.memory_space<vmem>>
        %dma_wait3A_798 = tpu.memref_squeeze %dma_wait3A_797 : memref<1x16xf32, #tpu.memory_space<vmem>> -> memref<16xf32, #tpu.memory_space<vmem>>
        %dma_wait3A_799 = tpu.memref_slice %arg2[%run_scoped3A, %run_scoped3A_5, %mul3A_2] : memref<16x1x256xf32, #tpu.memory_space<hbm>> -> memref<1x1x16xf32, #tpu.memory_space<hbm>>
        %dma_wait3A_800 = tpu.memref_squeeze %dma_wait3A_799 : memref<1x1x16xf32, #tpu.memory_space<hbm>> -> memref<16xf32, #tpu.memory_space<hbm>>
        tpu.wait_dma2 semaphore(%run_scoped3A_782 : memref<!tpu.dma_semaphore, #tpu.memory_space<semaphore_mem>>) src(%dma_wait3A_800 : memref<16xf32, #tpu.memory_space<hbm>>) dst(%dma_wait3A_798 : memref<16xf32, #tpu.memory_space<vmem>>)
        tpu.yield
      }) : () -> ()
      %run_scoped3A_7 = arith.constant 1 : i32
      %run_scoped3A_8 = arith.constant 0 : i32
      %run_scoped3A_9 = arith.constant 1 : i32
      "tpu.region"() ({
        %run_scoped3A_782 = tpu.sem_alloc : memref<!tpu.dma_semaphore, #tpu.memory_space<semaphore_mem>>
        %dma_start3A = arith.constant 0 : i32
        %dma_start3A_783 = tpu.memref_slice %arg4[%run_scoped3A_9, %dma_start3A] : memref<16x16xf32, #tpu.memory_space<vmem>> -> memref<1x16xf32, #tpu.memory_space<vmem>>
        %dma_start3A_784 = tpu.memref_squeeze %dma_start3A_783 : memref<1x16xf32, #tpu.memory_space<vmem>> -> memref<16xf32, #tpu.memory_space<vmem>>
        %dma_start3A_785 = tpu.memref_slice %arg2[%run_scoped3A_7, %run_scoped3A_8, %mul3A_2] : memref<16x1x256xf32, #tpu.memory_space<hbm>> -> memref<1x1x16xf32, #tpu.memory_space<hbm>>
        %dma_start3A_786 = tpu.memref_squeeze %dma_start3A_785 : memref<1x1x16xf32, #tpu.memory_space<hbm>> -> memref<16xf32, #tpu.memory_space<hbm>>
        %dma_start3A_787 = arith.constant 0 : i32
        %dma_start3A_788 = tpu.memref_slice %arg4[%run_scoped3A_9, %dma_start3A_787] : memref<16x16xf32, #tpu.memory_space<vmem>> -> memref<1x16xf32, #tpu.memory_space<vmem>>
        %dma_start3A_789 = tpu.memref_squeeze %dma_start3A_788 : memref<1x16xf32, #tpu.memory_space<vmem>> -> memref<16xf32, #tpu.memory_space<vmem>>
        %dma_start3A_790 = tpu.memref_slice %arg2[%run_scoped3A_7, %run_scoped3A_8, %mul3A_2] : memref<16x1x256xf32, #tpu.memory_space<hbm>> -> memref<1x1x16xf32, #tpu.memory_space<hbm>>
        %dma_start3A_791 = tpu.memref_squeeze %dma_start3A_790 : memref<1x1x16xf32, #tpu.memory_space<hbm>> -> memref<16xf32, #tpu.memory_space<hbm>>
        tpu.enqueue_dma source(%dma_start3A_791 : memref<16xf32, #tpu.memory_space<hbm>>) target(%dma_start3A_789 : memref<16xf32, #tpu.memory_space<vmem>>) target_semaphore(%run_scoped3A_782 : memref<!tpu.dma_semaphore, #tpu.memory_space<semaphore_mem>>)
        %dma_wait3A = arith.constant 0 : i32
        %dma_wait3A_792 = tpu.memref_slice %arg4[%run_scoped3A_9, %dma_wait3A] : memref<16x16xf32, #tpu.memory_space<vmem>> -> memref<1x16xf32, #tpu.memory_space<vmem>>
        %dma_wait3A_793 = tpu.memref_squeeze %dma_wait3A_792 : memref<1x16xf32, #tpu.memory_space<vmem>> -> memref<16xf32, #tpu.memory_space<vmem>>
        %dma_wait3A_794 = tpu.memref_slice %arg2[%run_scoped3A_7, %run_scoped3A_8, %mul3A_2] : memref<16x1x256xf32, #tpu.memory_space<hbm>> -> memref<1x1x16xf32, #tpu.memory_space<hbm>>
        %dma_wait3A_795 = tpu.memref_squeeze %dma_wait3A_794 : memref<1x1x16xf32, #tpu.memory_space<hbm>> -> memref<16xf32, #tpu.memory_space<hbm>>
        %dma_wait3A_796 = arith.constant 0 : i32
        %dma_wait3A_797 = tpu.memref_slice %arg4[%run_scoped3A_9, %dma_wait3A_796] : memref<16x16xf32, #tpu.memory_space<vmem>> -> memref<1x16xf32, #tpu.memory_space<vmem>>
        %dma_wait3A_798 = tpu.memref_squeeze %dma_wait3A_797 : memref<1x16xf32, #tpu.memory_space<vmem>> -> memref<16xf32, #tpu.memory_space<vmem>>
        %dma_wait3A_799 = tpu.memref_slice %arg2[%run_scoped3A_7, %run_scoped3A_8, %mul3A_2] : memref<16x1x256xf32, #tpu.memory_space<hbm>> -> memref<1x1x16xf32, #tpu.memory_space<hbm>>
        %dma_wait3A_800 = tpu.memref_squeeze %dma_wait3A_799 : memref<1x1x16xf32, #tpu.memory_space<hbm>> -> memref<16xf32, #tpu.memory_space<hbm>>
        tpu.wait_dma2 semaphore(%run_scoped3A_782 : memref<!tpu.dma_semaphore, #tpu.memory_space<semaphore_mem>>) src(%dma_wait3A_800 : memref<16xf32, #tpu.memory_space<hbm>>) dst(%dma_wait3A_798 : memref<16xf32, #tpu.memory_space<vmem>>)
        tpu.yield
      }) : () -> ()
      %run_scoped3A_10 = arith.constant 2 : i32
      %run_scoped3A_11 = arith.constant 0 : i32
      %run_scoped3A_12 = arith.constant 2 : i32
      "tpu.region"() ({
        %run_scoped3A_782 = tpu.sem_alloc : memref<!tpu.dma_semaphore, #tpu.memory_space<semaphore_mem>>
        %dma_start3A = arith.constant 0 : i32
        %dma_start3A_783 = tpu.memref_slice %arg4[%run_scoped3A_12, %dma_start3A] : memref<16x16xf32, #tpu.memory_space<vmem>> -> memref<1x16xf32, #tpu.memory_space<vmem>>
        %dma_start3A_784 = tpu.memref_squeeze %dma_start3A_783 : memref<1x16xf32, #tpu.memory_space<vmem>> -> memref<16xf32, #tpu.memory_space<vmem>>
        %dma_start3A_785 = tpu.memref_slice %arg2[%run_scoped3A_10, %run_scoped3A_11, %mul3A_2] : memref<16x1x256xf32, #tpu.memory_space<hbm>> -> memref<1x1x16xf32, #tpu.memory_space<hbm>>
        %dma_start3A_786 = tpu.memref_squeeze %dma_start3A_785 : memref<1x1x16xf32, #tpu.memory_space<hbm>> -> memref<16xf32, #tpu.memory_space<hbm>>
        %dma_start3A_787 = arith.constant 0 : i32
        %dma_start3A_788 = tpu.memref_slice %arg4[%run_scoped3A_12, %dma_start3A_787] : memref<16x16xf32, #tpu.memory_space<vmem>> -> memref<1x16xf32, #tpu.memory_space<vmem>>
        %dma_start3A_789 = tpu.memref_squeeze %dma_start3A_788 : memref<1x16xf32, #tpu.memory_space<vmem>> -> memref<16xf32, #tpu.memory_space<vmem>>
        %dma_start3A_790 = tpu.memref_slice %arg2[%run_scoped3A_10, %run_scoped3A_11, %mul3A_2] : memref<16x1x256xf32, #tpu.memory_space<hbm>> -> memref<1x1x16xf32, #tpu.memory_space<hbm>>
        %dma_start3A_791 = tpu.memref_squeeze %dma_start3A_790 : memref<1x1x16xf32, #tpu.memory_space<hbm>> -> memref<16xf32, #tpu.memory_space<hbm>>
        tpu.enqueue_dma source(%dma_start3A_791 : memref<16xf32, #tpu.memory_space<hbm>>) target(%dma_start3A_789 : memref<16xf32, #tpu.memory_space<vmem>>) target_semaphore(%run_scoped3A_782 : memref<!tpu.dma_semaphore, #tpu.memory_space<semaphore_mem>>)
        %dma_wait3A = arith.constant 0 : i32
        %dma_wait3A_792 = tpu.memref_slice %arg4[%run_scoped3A_12, %dma_wait3A] : memref<16x16xf32, #tpu.memory_space<vmem>> -> memref<1x16xf32, #tpu.memory_space<vmem>>
        %dma_wait3A_793 = tpu.memref_squeeze %dma_wait3A_792 : memref<1x16xf32, #tpu.memory_space<vmem>> -> memref<16xf32, #tpu.memory_space<vmem>>
        %dma_wait3A_794 = tpu.memref_slice %arg2[%run_scoped3A_10, %run_scoped3A_11, %mul3A_2] : memref<16x1x256xf32, #tpu.memory_space<hbm>> -> memref<1x1x16xf32, #tpu.memory_space<hbm>>
        %dma_wait3A_795 = tpu.memref_squeeze %dma_wait3A_794 : memref<1x1x16xf32, #tpu.memory_space<hbm>> -> memref<16xf32, #tpu.memory_space<hbm>>
        %dma_wait3A_796 = arith.constant 0 : i32
        %dma_wait3A_797 = tpu.memref_slice %arg4[%run_scoped3A_12, %dma_wait3A_796] : memref<16x16xf32, #tpu.memory_space<vmem>> -> memref<1x16xf32, #tpu.memory_space<vmem>>
        %dma_wait3A_798 = tpu.memref_squeeze %dma_wait3A_797 : memref<1x16xf32, #tpu.memory_space<vmem>> -> memref<16xf32, #tpu.memory_space<vmem>>
        %dma_wait3A_799 = tpu.memref_slice %arg2[%run_scoped3A_10, %run_scoped3A_11, %mul3A_2] : memref<16x1x256xf32, #tpu.memory_space<hbm>> -> memref<1x1x16xf32, #tpu.memory_space<hbm>>
        %dma_wait3A_800 = tpu.memref_squeeze %dma_wait3A_799 : memref<1x1x16xf32, #tpu.memory_space<hbm>> -> memref<16xf32, #tpu.memory_space<hbm>>
        tpu.wait_dma2 semaphore(%run_scoped3A_782 : memref<!tpu.dma_semaphore, #tpu.memory_space<semaphore_mem>>) src(%dma_wait3A_800 : memref<16xf32, #tpu.memory_space<hbm>>) dst(%dma_wait3A_798 : memref<16xf32, #tpu.memory_space<vmem>>)
        tpu.yield
      }) : () -> ()
      %run_scoped3A_13 = arith.constant 3 : i32
      %run_scoped3A_14 = arith.constant 0 : i32
      %run_scoped3A_15 = arith.constant 3 : i32
      "tpu.region"() ({
        %run_scoped3A_782 = tpu.sem_alloc : memref<!tpu.dma_semaphore, #tpu.memory_space<semaphore_mem>>
        %dma_start3A = arith.constant 0 : i32
        %dma_start3A_783 = tpu.memref_slice %arg4[%run_scoped3A_15, %dma_start3A] : memref<16x16xf32, #tpu.memory_space<vmem>> -> memref<1x16xf32, #tpu.memory_space<vmem>>
        %dma_start3A_784 = tpu.memref_squeeze %dma_start3A_783 : memref<1x16xf32, #tpu.memory_space<vmem>> -> memref<16xf32, #tpu.memory_space<vmem>>
        %dma_start3A_785 = tpu.memref_slice %arg2[%run_scoped3A_13, %run_scoped3A_14, %mul3A_2] : memref<16x1x256xf32, #tpu.memory_space<hbm>> -> memref<1x1x16xf32, #tpu.memory_space<hbm>>
        %dma_start3A_786 = tpu.memref_squeeze %dma_start3A_785 : memref<1x1x16xf32, #tpu.memory_space<hbm>> -> memref<16xf32, #tpu.memory_space<hbm>>
        %dma_start3A_787 = arith.constant 0 : i32
        %dma_start3A_788 = tpu.memref_slice %arg4[%run_scoped3A_15, %dma_start3A_787] : memref<16x16xf32, #tpu.memory_space<vmem>> -> memref<1x16xf32, #tpu.memory_space<vmem>>
        %dma_start3A_789 = tpu.memref_squeeze %dma_start3A_788 : memref<1x16xf32, #tpu.memory_space<vmem>> -> memref<16xf32, #tpu.memory_space<vmem>>
        %dma_start3A_790 = tpu.memref_slice %arg2[%run_scoped3A_13, %run_scoped3A_14, %mul3A_2] : memref<16x1x256xf32, #tpu.memory_space<hbm>> -> memref<1x1x16xf32, #tpu.memory_space<hbm>>
        %dma_start3A_791 = tpu.memref_squeeze %dma_start3A_790 : memref<1x1x16xf32, #tpu.memory_space<hbm>> -> memref<16xf32, #tpu.memory_space<hbm>>
        tpu.enqueue_dma source(%dma_start3A_791 : memref<16xf32, #tpu.memory_space<hbm>>) target(%dma_start3A_789 : memref<16xf32, #tpu.memory_space<vmem>>) target_semaphore(%run_scoped3A_782 : memref<!tpu.dma_semaphore, #tpu.memory_space<semaphore_mem>>)
        %dma_wait3A = arith.constant 0 : i32
        %dma_wait3A_792 = tpu.memref_slice %arg4[%run_scoped3A_15, %dma_wait3A] : memref<16x16xf32, #tpu.memory_space<vmem>> -> memref<1x16xf32, #tpu.memory_space<vmem>>
        %dma_wait3A_793 = tpu.memref_squeeze %dma_wait3A_792 : memref<1x16xf32, #tpu.memory_space<vmem>> -> memref<16xf32, #tpu.memory_space<vmem>>
        %dma_wait3A_794 = tpu.memref_slice %arg2[%run_scoped3A_13, %run_scoped3A_14, %mul3A_2] : memref<16x1x256xf32, #tpu.memory_space<hbm>> -> memref<1x1x16xf32, #tpu.memory_space<hbm>>
        %dma_wait3A_795 = tpu.memref_squeeze %dma_wait3A_794 : memref<1x1x16xf32, #tpu.memory_space<hbm>> -> memref<16xf32, #tpu.memory_space<hbm>>
        %dma_wait3A_796 = arith.constant 0 : i32
        %dma_wait3A_797 = tpu.memref_slice %arg4[%run_scoped3A_15, %dma_wait3A_796] : memref<16x16xf32, #tpu.memory_space<vmem>> -> memref<1x16xf32, #tpu.memory_space<vmem>>
        %dma_wait3A_798 = tpu.memref_squeeze %dma_wait3A_797 : memref<1x16xf32, #tpu.memory_space<vmem>> -> memref<16xf32, #tpu.memory_space<vmem>>
        %dma_wait3A_799 = tpu.memref_slice %arg2[%run_scoped3A_13, %run_scoped3A_14, %mul3A_2] : memref<16x1x256xf32, #tpu.memory_space<hbm>> -> memref<1x1x16xf32, #tpu.memory_space<hbm>>
        %dma_wait3A_800 = tpu.memref_squeeze %dma_wait3A_799 : memref<1x1x16xf32, #tpu.memory_space<hbm>> -> memref<16xf32, #tpu.memory_space<hbm>>
        tpu.wait_dma2 semaphore(%run_scoped3A_782 : memref<!tpu.dma_semaphore, #tpu.memory_space<semaphore_mem>>) src(%dma_wait3A_800 : memref<16xf32, #tpu.memory_space<hbm>>) dst(%dma_wait3A_798 : memref<16xf32, #tpu.memory_space<vmem>>)
        tpu.yield
      }) : () -> ()
      %run_scoped3A_16 = arith.constant 4 : i32
      %run_scoped3A_17 = arith.constant 0 : i32
      %run_scoped3A_18 = arith.constant 4 : i32
      "tpu.region"() ({
        %run_scoped3A_782 = tpu.sem_alloc : memref<!tpu.dma_semaphore, #tpu.memory_space<semaphore_mem>>
        %dma_start3A = arith.constant 0 : i32
        %dma_start3A_783 = tpu.memref_slice %arg4[%run_scoped3A_18, %dma_start3A] : memref<16x16xf32, #tpu.memory_space<vmem>> -> memref<1x16xf32, #tpu.memory_space<vmem>>
        %dma_start3A_784 = tpu.memref_squeeze %dma_start3A_783 : memref<1x16xf32, #tpu.memory_space<vmem>> -> memref<16xf32, #tpu.memory_space<vmem>>
        %dma_start3A_785 = tpu.memref_slice %arg2[%run_scoped3A_16, %run_scoped3A_17, %mul3A_2] : memref<16x1x256xf32, #tpu.memory_space<hbm>> -> memref<1x1x16xf32, #tpu.memory_space<hbm>>
        %dma_start3A_786 = tpu.memref_squeeze %dma_start3A_785 : memref<1x1x16xf32, #tpu.memory_space<hbm>> -> memref<16xf32, #tpu.memory_space<hbm>>
        %dma_start3A_787 = arith.constant 0 : i32
        %dma_start3A_788 = tpu.memref_slice %arg4[%run_scoped3A_18, %dma_start3A_787] : memref<16x16xf32, #tpu.memory_space<vmem>> -> memref<1x16xf32, #tpu.memory_space<vmem>>
        %dma_start3A_789 = tpu.memref_squeeze %dma_start3A_788 : memref<1x16xf32, #tpu.memory_space<vmem>> -> memref<16xf32, #tpu.memory_space<vmem>>
        %dma_start3A_790 = tpu.memref_slice %arg2[%run_scoped3A_16, %run_scoped3A_17, %mul3A_2] : memref<16x1x256xf32, #tpu.memory_space<hbm>> -> memref<1x1x16xf32, #tpu.memory_space<hbm>>
        %dma_start3A_791 = tpu.memref_squeeze %dma_start3A_790 : memref<1x1x16xf32, #tpu.memory_space<hbm>> -> memref<16xf32, #tpu.memory_space<hbm>>
        tpu.enqueue_dma source(%dma_start3A_791 : memref<16xf32, #tpu.memory_space<hbm>>) target(%dma_start3A_789 : memref<16xf32, #tpu.memory_space<vmem>>) target_semaphore(%run_scoped3A_782 : memref<!tpu.dma_semaphore, #tpu.memory_space<semaphore_mem>>)
        %dma_wait3A = arith.constant 0 : i32
        %dma_wait3A_792 = tpu.memref_slice %arg4[%run_scoped3A_18, %dma_wait3A] : memref<16x16xf32, #tpu.memory_space<vmem>> -> memref<1x16xf32, #tpu.memory_space<vmem>>
        %dma_wait3A_793 = tpu.memref_squeeze %dma_wait3A_792 : memref<1x16xf32, #tpu.memory_space<vmem>> -> memref<16xf32, #tpu.memory_space<vmem>>
        %dma_wait3A_794 = tpu.memref_slice %arg2[%run_scoped3A_16, %run_scoped3A_17, %mul3A_2] : memref<16x1x256xf32, #tpu.memory_space<hbm>> -> memref<1x1x16xf32, #tpu.memory_space<hbm>>
        %dma_wait3A_795 = tpu.memref_squeeze %dma_wait3A_794 : memref<1x1x16xf32, #tpu.memory_space<hbm>> -> memref<16xf32, #tpu.memory_space<hbm>>
        %dma_wait3A_796 = arith.constant 0 : i32
        %dma_wait3A_797 = tpu.memref_slice %arg4[%run_scoped3A_18, %dma_wait3A_796] : memref<16x16xf32, #tpu.memory_space<vmem>> -> memref<1x16xf32, #tpu.memory_space<vmem>>
        %dma_wait3A_798 = tpu.memref_squeeze %dma_wait3A_797 : memref<1x16xf32, #tpu.memory_space<vmem>> -> memref<16xf32, #tpu.memory_space<vmem>>
        %dma_wait3A_799 = tpu.memref_slice %arg2[%run_scoped3A_16, %run_scoped3A_17, %mul3A_2] : memref<16x1x256xf32, #tpu.memory_space<hbm>> -> memref<1x1x16xf32, #tpu.memory_space<hbm>>
        %dma_wait3A_800 = tpu.memref_squeeze %dma_wait3A_799 : memref<1x1x16xf32, #tpu.memory_space<hbm>> -> memref<16xf32, #tpu.memory_space<hbm>>
        tpu.wait_dma2 semaphore(%run_scoped3A_782 : memref<!tpu.dma_semaphore, #tpu.memory_space<semaphore_mem>>) src(%dma_wait3A_800 : memref<16xf32, #tpu.memory_space<hbm>>) dst(%dma_wait3A_798 : memref<16xf32, #tpu.memory_space<vmem>>)
        tpu.yield
      }) : () -> ()
      %run_scoped3A_19 = arith.constant 5 : i32
      %run_scoped3A_20 = arith.constant 0 : i32
      %run_scoped3A_21 = arith.constant 5 : i32
      "tpu.region"() ({
        %run_scoped3A_782 = tpu.sem_alloc : memref<!tpu.dma_semaphore, #tpu.memory_space<semaphore_mem>>
        %dma_start3A = arith.constant 0 : i32
        %dma_start3A_783 = tpu.memref_slice %arg4[%run_scoped3A_21, %dma_start3A] : memref<16x16xf32, #tpu.memory_space<vmem>> -> memref<1x16xf32, #tpu.memory_space<vmem>>
        %dma_start3A_784 = tpu.memref_squeeze %dma_start3A_783 : memref<1x16xf32, #tpu.memory_space<vmem>> -> memref<16xf32, #tpu.memory_space<vmem>>
        %dma_start3A_785 = tpu.memref_slice %arg2[%run_scoped3A_19, %run_scoped3A_20, %mul3A_2] : memref<16x1x256xf32, #tpu.memory_space<hbm>> -> memref<1x1x16xf32, #tpu.memory_space<hbm>>
        %dma_start3A_786 = tpu.memref_squeeze %dma_start3A_785 : memref<1x1x16xf32, #tpu.memory_space<hbm>> -> memref<16xf32, #tpu.memory_space<hbm>>
        %dma_start3A_787 = arith.constant 0 : i32
        %dma_start3A_788 = tpu.memref_slice %arg4[%run_scoped3A_21, %dma_start3A_787] : memref<16x16xf32, #tpu.memory_space<vmem>> -> memref<1x16xf32, #tpu.memory_space<vmem>>
        %dma_start3A_789 = tpu.memref_squeeze %dma_start3A_788 : memref<1x16xf32, #tpu.memory_space<vmem>> -> memref<16xf32, #tpu.memory_space<vmem>>
        %dma_start3A_790 = tpu.memref_slice %arg2[%run_scoped3A_19, %run_scoped3A_20, %mul3A_2] : memref<16x1x256xf32, #tpu.memory_space<hbm>> -> memref<1x1x16xf32, #tpu.memory_space<hbm>>
        %dma_start3A_791 = tpu.memref_squeeze %dma_start3A_790 : memref<1x1x16xf32, #tpu.memory_space<hbm>> -> memref<16xf32, #tpu.memory_space<hbm>>
        tpu.enqueue_dma source(%dma_start3A_791 : memref<16xf32, #tpu.memory_space<hbm>>) target(%dma_start3A_789 : memref<16xf32, #tpu.memory_space<vmem>>) target_semaphore(%run_scoped3A_782 : memref<!tpu.dma_semaphore, #tpu.memory_space<semaphore_mem>>)
        %dma_wait3A = arith.constant 0 : i32
        %dma_wait3A_792 = tpu.memref_slice %arg4[%run_scoped3A_21, %dma_wait3A] : memref<16x16xf32, #tpu.memory_space<vmem>> -> memref<1x16xf32, #tpu.memory_space<vmem>>
        %dma_wait3A_793 = tpu.memref_squeeze %dma_wait3A_792 : memref<1x16xf32, #tpu.memory_space<vmem>> -> memref<16xf32, #tpu.memory_space<vmem>>
        %dma_wait3A_794 = tpu.memref_slice %arg2[%run_scoped3A_19, %run_scoped3A_20, %mul3A_2] : memref<16x1x256xf32, #tpu.memory_space<hbm>> -> memref<1x1x16xf32, #tpu.memory_space<hbm>>
        %dma_wait3A_795 = tpu.memref_squeeze %dma_wait3A_794 : memref<1x1x16xf32, #tpu.memory_space<hbm>> -> memref<16xf32, #tpu.memory_space<hbm>>
        %dma_wait3A_796 = arith.constant 0 : i32
        %dma_wait3A_797 = tpu.memref_slice %arg4[%run_scoped3A_21, %dma_wait3A_796] : memref<16x16xf32, #tpu.memory_space<vmem>> -> memref<1x16xf32, #tpu.memory_space<vmem>>
        %dma_wait3A_798 = tpu.memref_squeeze %dma_wait3A_797 : memref<1x16xf32, #tpu.memory_space<vmem>> -> memref<16xf32, #tpu.memory_space<vmem>>
        %dma_wait3A_799 = tpu.memref_slice %arg2[%run_scoped3A_19, %run_scoped3A_20, %mul3A_2] : memref<16x1x256xf32, #tpu.memory_space<hbm>> -> memref<1x1x16xf32, #tpu.memory_space<hbm>>
        %dma_wait3A_800 = tpu.memref_squeeze %dma_wait3A_799 : memref<1x1x16xf32, #tpu.memory_space<hbm>> -> memref<16xf32, #tpu.memory_space<hbm>>
        tpu.wait_dma2 semaphore(%run_scoped3A_782 : memref<!tpu.dma_semaphore, #tpu.memory_space<semaphore_mem>>) src(%dma_wait3A_800 : memref<16xf32, #tpu.memory_space<hbm>>) dst(%dma_wait3A_798 : memref<16xf32, #tpu.memory_space<vmem>>)
        tpu.yield
      }) : () -> ()
      %run_scoped3A_22 = arith.constant 6 : i32
      %run_scoped3A_23 = arith.constant 0 : i32
      %run_scoped3A_24 = arith.constant 6 : i32
      "tpu.region"() ({
        %run_scoped3A_782 = tpu.sem_alloc : memref<!tpu.dma_semaphore, #tpu.memory_space<semaphore_mem>>
        %dma_start3A = arith.constant 0 : i32
        %dma_start3A_783 = tpu.memref_slice %arg4[%run_scoped3A_24, %dma_start3A] : memref<16x16xf32, #tpu.memory_space<vmem>> -> memref<1x16xf32, #tpu.memory_space<vmem>>
        %dma_start3A_784 = tpu.memref_squeeze %dma_start3A_783 : memref<1x16xf32, #tpu.memory_space<vmem>> -> memref<16xf32, #tpu.memory_space<vmem>>
        %dma_start3A_785 = tpu.memref_slice %arg2[%run_scoped3A_22, %run_scoped3A_23, %mul3A_2] : memref<16x1x256xf32, #tpu.memory_space<hbm>> -> memref<1x1x16xf32, #tpu.memory_space<hbm>>
        %dma_start3A_786 = tpu.memref_squeeze %dma_start3A_785 : memref<1x1x16xf32, #tpu.memory_space<hbm>> -> memref<16xf32, #tpu.memory_space<hbm>>
        %dma_start3A_787 = arith.constant 0 : i32
        %dma_start3A_788 = tpu.memref_slice %arg4[%run_scoped3A_24, %dma_start3A_787] : memref<16x16xf32, #tpu.memory_space<vmem>> -> memref<1x16xf32, #tpu.memory_space<vmem>>
        %dma_start3A_789 = tpu.memref_squeeze %dma_start3A_788 : memref<1x16xf32, #tpu.memory_space<vmem>> -> memref<16xf32, #tpu.memory_space<vmem>>
        %dma_start3A_790 = tpu.memref_slice %arg2[%run_scoped3A_22, %run_scoped3A_23, %mul3A_2] : memref<16x1x256xf32, #tpu.memory_space<hbm>> -> memref<1x1x16xf32, #tpu.memory_space<hbm>>
        %dma_start3A_791 = tpu.memref_squeeze %dma_start3A_790 : memref<1x1x16xf32, #tpu.memory_space<hbm>> -> memref<16xf32, #tpu.memory_space<hbm>>
        tpu.enqueue_dma source(%dma_start3A_791 : memref<16xf32, #tpu.memory_space<hbm>>) target(%dma_start3A_789 : memref<16xf32, #tpu.memory_space<vmem>>) target_semaphore(%run_scoped3A_782 : memref<!tpu.dma_semaphore, #tpu.memory_space<semaphore_mem>>)
        %dma_wait3A = arith.constant 0 : i32
        %dma_wait3A_792 = tpu.memref_slice %arg4[%run_scoped3A_24, %dma_wait3A] : memref<16x16xf32, #tpu.memory_space<vmem>> -> memref<1x16xf32, #tpu.memory_space<vmem>>
        %dma_wait3A_793 = tpu.memref_squeeze %dma_wait3A_792 : memref<1x16xf32, #tpu.memory_space<vmem>> -> memref<16xf32, #tpu.memory_space<vmem>>
        %dma_wait3A_794 = tpu.memref_slice %arg2[%run_scoped3A_22, %run_scoped3A_23, %mul3A_2] : memref<16x1x256xf32, #tpu.memory_space<hbm>> -> memref<1x1x16xf32, #tpu.memory_space<hbm>>
        %dma_wait3A_795 = tpu.memref_squeeze %dma_wait3A_794 : memref<1x1x16xf32, #tpu.memory_space<hbm>> -> memref<16xf32, #tpu.memory_space<hbm>>
        %dma_wait3A_796 = arith.constant 0 : i32
        %dma_wait3A_797 = tpu.memref_slice %arg4[%run_scoped3A_24, %dma_wait3A_796] : memref<16x16xf32, #tpu.memory_space<vmem>> -> memref<1x16xf32, #tpu.memory_space<vmem>>
        %dma_wait3A_798 = tpu.memref_squeeze %dma_wait3A_797 : memref<1x16xf32, #tpu.memory_space<vmem>> -> memref<16xf32, #tpu.memory_space<vmem>>
        %dma_wait3A_799 = tpu.memref_slice %arg2[%run_scoped3A_22, %run_scoped3A_23, %mul3A_2] : memref<16x1x256xf32, #tpu.memory_space<hbm>> -> memref<1x1x16xf32, #tpu.memory_space<hbm>>
        %dma_wait3A_800 = tpu.memref_squeeze %dma_wait3A_799 : memref<1x1x16xf32, #tpu.memory_space<hbm>> -> memref<16xf32, #tpu.memory_space<hbm>>
        tpu.wait_dma2 semaphore(%run_scoped3A_782 : memref<!tpu.dma_semaphore, #tpu.memory_space<semaphore_mem>>) src(%dma_wait3A_800 : memref<16xf32, #tpu.memory_space<hbm>>) dst(%dma_wait3A_798 : memref<16xf32, #tpu.memory_space<vmem>>)
        tpu.yield
      }) : () -> ()
      %run_scoped3A_25 = arith.constant 7 : i32
      %run_scoped3A_26 = arith.constant 0 : i32
      %run_scoped3A_27 = arith.constant 7 : i32
      "tpu.region"() ({
        %run_scoped3A_782 = tpu.sem_alloc : memref<!tpu.dma_semaphore, #tpu.memory_space<semaphore_mem>>
        %dma_start3A = arith.constant 0 : i32
        %dma_start3A_783 = tpu.memref_slice %arg4[%run_scoped3A_27, %dma_start3A] : memref<16x16xf32, #tpu.memory_space<vmem>> -> memref<1x16xf32, #tpu.memory_space<vmem>>
        %dma_start3A_784 = tpu.memref_squeeze %dma_start3A_783 : memref<1x16xf32, #tpu.memory_space<vmem>> -> memref<16xf32, #tpu.memory_space<vmem>>
        %dma_start3A_785 = tpu.memref_slice %arg2[%run_scoped3A_25, %run_scoped3A_26, %mul3A_2] : memref<16x1x256xf32, #tpu.memory_space<hbm>> -> memref<1x1x16xf32, #tpu.memory_space<hbm>>
        %dma_start3A_786 = tpu.memref_squeeze %dma_start3A_785 : memref<1x1x16xf32, #tpu.memory_space<hbm>> -> memref<16xf32, #tpu.memory_space<hbm>>
        %dma_start3A_787 = arith.constant 0 : i32
        %dma_start3A_788 = tpu.memref_slice %arg4[%run_scoped3A_27, %dma_start3A_787] : memref<16x16xf32, #tpu.memory_space<vmem>> -> memref<1x16xf32, #tpu.memory_space<vmem>>
        %dma_start3A_789 = tpu.memref_squeeze %dma_start3A_788 : memref<1x16xf32, #tpu.memory_space<vmem>> -> memref<16xf32, #tpu.memory_space<vmem>>
        %dma_start3A_790 = tpu.memref_slice %arg2[%run_scoped3A_25, %run_scoped3A_26, %mul3A_2] : memref<16x1x256xf32, #tpu.memory_space<hbm>> -> memref<1x1x16xf32, #tpu.memory_space<hbm>>
        %dma_start3A_791 = tpu.memref_squeeze %dma_start3A_790 : memref<1x1x16xf32, #tpu.memory_space<hbm>> -> memref<16xf32, #tpu.memory_space<hbm>>
        tpu.enqueue_dma source(%dma_start3A_791 : memref<16xf32, #tpu.memory_space<hbm>>) target(%dma_start3A_789 : memref<16xf32, #tpu.memory_space<vmem>>) target_semaphore(%run_scoped3A_782 : memref<!tpu.dma_semaphore, #tpu.memory_space<semaphore_mem>>)
        %dma_wait3A = arith.constant 0 : i32
        %dma_wait3A_792 = tpu.memref_slice %arg4[%run_scoped3A_27, %dma_wait3A] : memref<16x16xf32, #tpu.memory_space<vmem>> -> memref<1x16xf32, #tpu.memory_space<vmem>>
        %dma_wait3A_793 = tpu.memref_squeeze %dma_wait3A_792 : memref<1x16xf32, #tpu.memory_space<vmem>> -> memref<16xf32, #tpu.memory_space<vmem>>
        %dma_wait3A_794 = tpu.memref_slice %arg2[%run_scoped3A_25, %run_scoped3A_26, %mul3A_2] : memref<16x1x256xf32, #tpu.memory_space<hbm>> -> memref<1x1x16xf32, #tpu.memory_space<hbm>>
        %dma_wait3A_795 = tpu.memref_squeeze %dma_wait3A_794 : memref<1x1x16xf32, #tpu.memory_space<hbm>> -> memref<16xf32, #tpu.memory_space<hbm>>
        %dma_wait3A_796 = arith.constant 0 : i32
        %dma_wait3A_797 = tpu.memref_slice %arg4[%run_scoped3A_27, %dma_wait3A_796] : memref<16x16xf32, #tpu.memory_space<vmem>> -> memref<1x16xf32, #tpu.memory_space<vmem>>
        %dma_wait3A_798 = tpu.memref_squeeze %dma_wait3A_797 : memref<1x16xf32, #tpu.memory_space<vmem>> -> memref<16xf32, #tpu.memory_space<vmem>>
        %dma_wait3A_799 = tpu.memref_slice %arg2[%run_scoped3A_25, %run_scoped3A_26, %mul3A_2] : memref<16x1x256xf32, #tpu.memory_space<hbm>> -> memref<1x1x16xf32, #tpu.memory_space<hbm>>
        %dma_wait3A_800 = tpu.memref_squeeze %dma_wait3A_799 : memref<1x1x16xf32, #tpu.memory_space<hbm>> -> memref<16xf32, #tpu.memory_space<hbm>>
        tpu.wait_dma2 semaphore(%run_scoped3A_782 : memref<!tpu.dma_semaphore, #tpu.memory_space<semaphore_mem>>) src(%dma_wait3A_800 : memref<16xf32, #tpu.memory_space<hbm>>) dst(%dma_wait3A_798 : memref<16xf32, #tpu.memory_space<vmem>>)
        tpu.yield
      }) : () -> ()
      %run_scoped3A_28 = arith.constant 8 : i32
      %run_scoped3A_29 = arith.constant 0 : i32
      %run_scoped3A_30 = arith.constant 8 : i32
      "tpu.region"() ({
        %run_scoped3A_782 = tpu.sem_alloc : memref<!tpu.dma_semaphore, #tpu.memory_space<semaphore_mem>>
        %dma_start3A = arith.constant 0 : i32
        %dma_start3A_783 = tpu.memref_slice %arg4[%run_scoped3A_30, %dma_start3A] : memref<16x16xf32, #tpu.memory_space<vmem>> -> memref<1x16xf32, #tpu.memory_space<vmem>>
        %dma_start3A_784 = tpu.memref_squeeze %dma_start3A_783 : memref<1x16xf32, #tpu.memory_space<vmem>> -> memref<16xf32, #tpu.memory_space<vmem>>
        %dma_start3A_785 = tpu.memref_slice %arg2[%run_scoped3A_28, %run_scoped3A_29, %mul3A_2] : memref<16x1x256xf32, #tpu.memory_space<hbm>> -> memref<1x1x16xf32, #tpu.memory_space<hbm>>
        %dma_start3A_786 = tpu.memref_squeeze %dma_start3A_785 : memref<1x1x16xf32, #tpu.memory_space<hbm>> -> memref<16xf32, #tpu.memory_space<hbm>>
        %dma_start3A_787 = arith.constant 0 : i32
        %dma_start3A_788 = tpu.memref_slice %arg4[%run_scoped3A_30, %dma_start3A_787] : memref<16x16xf32, #tpu.memory_space<vmem>> -> memref<1x16xf32, #tpu.memory_space<vmem>>
        %dma_start3A_789 = tpu.memref_squeeze %dma_start3A_788 : memref<1x16xf32, #tpu.memory_space<vmem>> -> memref<16xf32, #tpu.memory_space<vmem>>
        %dma_start3A_790 = tpu.memref_slice %arg2[%run_scoped3A_28, %run_scoped3A_29, %mul3A_2] : memref<16x1x256xf32, #tpu.memory_space<hbm>> -> memref<1x1x16xf32, #tpu.memory_space<hbm>>
        %dma_start3A_791 = tpu.memref_squeeze %dma_start3A_790 : memref<1x1x16xf32, #tpu.memory_space<hbm>> -> memref<16xf32, #tpu.memory_space<hbm>>
        tpu.enqueue_dma source(%dma_start3A_791 : memref<16xf32, #tpu.memory_space<hbm>>) target(%dma_start3A_789 : memref<16xf32, #tpu.memory_space<vmem>>) target_semaphore(%run_scoped3A_782 : memref<!tpu.dma_semaphore, #tpu.memory_space<semaphore_mem>>)
        %dma_wait3A = arith.constant 0 : i32
        %dma_wait3A_792 = tpu.memref_slice %arg4[%run_scoped3A_30, %dma_wait3A] : memref<16x16xf32, #tpu.memory_space<vmem>> -> memref<1x16xf32, #tpu.memory_space<vmem>>
        %dma_wait3A_793 = tpu.memref_squeeze %dma_wait3A_792 : memref<1x16xf32, #tpu.memory_space<vmem>> -> memref<16xf32, #tpu.memory_space<vmem>>
        %dma_wait3A_794 = tpu.memref_slice %arg2[%run_scoped3A_28, %run_scoped3A_29, %mul3A_2] : memref<16x1x256xf32, #tpu.memory_space<hbm>> -> memref<1x1x16xf32, #tpu.memory_space<hbm>>
        %dma_wait3A_795 = tpu.memref_squeeze %dma_wait3A_794 : memref<1x1x16xf32, #tpu.memory_space<hbm>> -> memref<16xf32, #tpu.memory_space<hbm>>
        %dma_wait3A_796 = arith.constant 0 : i32
        %dma_wait3A_797 = tpu.memref_slice %arg4[%run_scoped3A_30, %dma_wait3A_796] : memref<16x16xf32, #tpu.memory_space<vmem>> -> memref<1x16xf32, #tpu.memory_space<vmem>>
        %dma_wait3A_798 = tpu.memref_squeeze %dma_wait3A_797 : memref<1x16xf32, #tpu.memory_space<vmem>> -> memref<16xf32, #tpu.memory_space<vmem>>
        %dma_wait3A_799 = tpu.memref_slice %arg2[%run_scoped3A_28, %run_scoped3A_29, %mul3A_2] : memref<16x1x256xf32, #tpu.memory_space<hbm>> -> memref<1x1x16xf32, #tpu.memory_space<hbm>>
        %dma_wait3A_800 = tpu.memref_squeeze %dma_wait3A_799 : memref<1x1x16xf32, #tpu.memory_space<hbm>> -> memref<16xf32, #tpu.memory_space<hbm>>
        tpu.wait_dma2 semaphore(%run_scoped3A_782 : memref<!tpu.dma_semaphore, #tpu.memory_space<semaphore_mem>>) src(%dma_wait3A_800 : memref<16xf32, #tpu.memory_space<hbm>>) dst(%dma_wait3A_798 : memref<16xf32, #tpu.memory_space<vmem>>)
        tpu.yield
      }) : () -> ()
      %run_scoped3A_31 = arith.constant 9 : i32
      %run_scoped3A_32 = arith.constant 0 : i32
      %run_scoped3A_33 = arith.constant 9 : i32
      "tpu.region"() ({
        %run_scoped3A_782 = tpu.sem_alloc : memref<!tpu.dma_semaphore, #tpu.memory_space<semaphore_mem>>
        %dma_start3A = arith.constant 0 : i32
        %dma_start3A_783 = tpu.memref_slice %arg4[%run_scoped3A_33, %dma_start3A] : memref<16x16xf32, #tpu.memory_space<vmem>> -> memref<1x16xf32, #tpu.memory_space<vmem>>
        %dma_start3A_784 = tpu.memref_squeeze %dma_start3A_783 : memref<1x16xf32, #tpu.memory_space<vmem>> -> memref<16xf32, #tpu.memory_space<vmem>>
        %dma_start3A_785 = tpu.memref_slice %arg2[%run_scoped3A_31, %run_scoped3A_32, %mul3A_2] : memref<16x1x256xf32, #tpu.memory_space<hbm>> -> memref<1x1x16xf32, #tpu.memory_space<hbm>>
        %dma_start3A_786 = tpu.memref_squeeze %dma_start3A_785 : memref<1x1x16xf32, #tpu.memory_space<hbm>> -> memref<16xf32, #tpu.memory_space<hbm>>
        %dma_start3A_787 = arith.constant 0 : i32
        %dma_start3A_788 = tpu.memref_slice %arg4[%run_scoped3A_33, %dma_start3A_787] : memref<16x16xf32, #tpu.memory_space<vmem>> -> memref<1x16xf32, #tpu.memory_space<vmem>>
        %dma_start3A_789 = tpu.memref_squeeze %dma_start3A_788 : memref<1x16xf32, #tpu.memory_space<vmem>> -> memref<16xf32, #tpu.memory_space<vmem>>
        %dma_start3A_790 = tpu.memref_slice %arg2[%run_scoped3A_31, %run_scoped3A_32, %mul3A_2] : memref<16x1x256xf32, #tpu.memory_space<hbm>> -> memref<1x1x16xf32, #tpu.memory_space<hbm>>
        %dma_start3A_791 = tpu.memref_squeeze %dma_start3A_790 : memref<1x1x16xf32, #tpu.memory_space<hbm>> -> memref<16xf32, #tpu.memory_space<hbm>>
        tpu.enqueue_dma source(%dma_start3A_791 : memref<16xf32, #tpu.memory_space<hbm>>) target(%dma_start3A_789 : memref<16xf32, #tpu.memory_space<vmem>>) target_semaphore(%run_scoped3A_782 : memref<!tpu.dma_semaphore, #tpu.memory_space<semaphore_mem>>)
        %dma_wait3A = arith.constant 0 : i32
        %dma_wait3A_792 = tpu.memref_slice %arg4[%run_scoped3A_33, %dma_wait3A] : memref<16x16xf32, #tpu.memory_space<vmem>> -> memref<1x16xf32, #tpu.memory_space<vmem>>
        %dma_wait3A_793 = tpu.memref_squeeze %dma_wait3A_792 : memref<1x16xf32, #tpu.memory_space<vmem>> -> memref<16xf32, #tpu.memory_space<vmem>>
        %dma_wait3A_794 = tpu.memref_slice %arg2[%run_scoped3A_31, %run_scoped3A_32, %mul3A_2] : memref<16x1x256xf32, #tpu.memory_space<hbm>> -> memref<1x1x16xf32, #tpu.memory_space<hbm>>
        %dma_wait3A_795 = tpu.memref_squeeze %dma_wait3A_794 : memref<1x1x16xf32, #tpu.memory_space<hbm>> -> memref<16xf32, #tpu.memory_space<hbm>>
        %dma_wait3A_796 = arith.constant 0 : i32
        %dma_wait3A_797 = tpu.memref_slice %arg4[%run_scoped3A_33, %dma_wait3A_796] : memref<16x16xf32, #tpu.memory_space<vmem>> -> memref<1x16xf32, #tpu.memory_space<vmem>>
        %dma_wait3A_798 = tpu.memref_squeeze %dma_wait3A_797 : memref<1x16xf32, #tpu.memory_space<vmem>> -> memref<16xf32, #tpu.memory_space<vmem>>
        %dma_wait3A_799 = tpu.memref_slice %arg2[%run_scoped3A_31, %run_scoped3A_32, %mul3A_2] : memref<16x1x256xf32, #tpu.memory_space<hbm>> -> memref<1x1x16xf32, #tpu.memory_space<hbm>>
        %dma_wait3A_800 = tpu.memref_squeeze %dma_wait3A_799 : memref<1x1x16xf32, #tpu.memory_space<hbm>> -> memref<16xf32, #tpu.memory_space<hbm>>
        tpu.wait_dma2 semaphore(%run_scoped3A_782 : memref<!tpu.dma_semaphore, #tpu.memory_space<semaphore_mem>>) src(%dma_wait3A_800 : memref<16xf32, #tpu.memory_space<hbm>>) dst(%dma_wait3A_798 : memref<16xf32, #tpu.memory_space<vmem>>)
        tpu.yield
      }) : () -> ()
      %run_scoped3A_34 = arith.constant 10 : i32
      %run_scoped3A_35 = arith.constant 0 : i32
      %run_scoped3A_36 = arith.constant 10 : i32
      "tpu.region"() ({
        %run_scoped3A_782 = tpu.sem_alloc : memref<!tpu.dma_semaphore, #tpu.memory_space<semaphore_mem>>
        %dma_start3A = arith.constant 0 : i32
        %dma_start3A_783 = tpu.memref_slice %arg4[%run_scoped3A_36, %dma_start3A] : memref<16x16xf32, #tpu.memory_space<vmem>> -> memref<1x16xf32, #tpu.memory_space<vmem>>
        %dma_start3A_784 = tpu.memref_squeeze %dma_start3A_783 : memref<1x16xf32, #tpu.memory_space<vmem>> -> memref<16xf32, #tpu.memory_space<vmem>>
        %dma_start3A_785 = tpu.memref_slice %arg2[%run_scoped3A_34, %run_scoped3A_35, %mul3A_2] : memref<16x1x256xf32, #tpu.memory_space<hbm>> -> memref<1x1x16xf32, #tpu.memory_space<hbm>>
        %dma_start3A_786 = tpu.memref_squeeze %dma_start3A_785 : memref<1x1x16xf32, #tpu.memory_space<hbm>> -> memref<16xf32, #tpu.memory_space<hbm>>
        %dma_start3A_787 = arith.constant 0 : i32
        %dma_start3A_788 = tpu.memref_slice %arg4[%run_scoped3A_36, %dma_start3A_787] : memref<16x16xf32, #tpu.memory_space<vmem>> -> memref<1x16xf32, #tpu.memory_space<vmem>>
        %dma_start3A_789 = tpu.memref_squeeze %dma_start3A_788 : memref<1x16xf32, #tpu.memory_space<vmem>> -> memref<16xf32, #tpu.memory_space<vmem>>
        %dma_start3A_790 = tpu.memref_slice %arg2[%run_scoped3A_34, %run_scoped3A_35, %mul3A_2] : memref<16x1x256xf32, #tpu.memory_space<hbm>> -> memref<1x1x16xf32, #tpu.memory_space<hbm>>
        %dma_start3A_791 = tpu.memref_squeeze %dma_start3A_790 : memref<1x1x16xf32, #tpu.memory_space<hbm>> -> memref<16xf32, #tpu.memory_space<hbm>>
        tpu.enqueue_dma source(%dma_start3A_791 : memref<16xf32, #tpu.memory_space<hbm>>) target(%dma_start3A_789 : memref<16xf32, #tpu.memory_space<vmem>>) target_semaphore(%run_scoped3A_782 : memref<!tpu.dma_semaphore, #tpu.memory_space<semaphore_mem>>)
        %dma_wait3A = arith.constant 0 : i32
        %dma_wait3A_792 = tpu.memref_slice %arg4[%run_scoped3A_36, %dma_wait3A] : memref<16x16xf32, #tpu.memory_space<vmem>> -> memref<1x16xf32, #tpu.memory_space<vmem>>
        %dma_wait3A_793 = tpu.memref_squeeze %dma_wait3A_792 : memref<1x16xf32, #tpu.memory_space<vmem>> -> memref<16xf32, #tpu.memory_space<vmem>>
        %dma_wait3A_794 = tpu.memref_slice %arg2[%run_scoped3A_34, %run_scoped3A_35, %mul3A_2] : memref<16x1x256xf32, #tpu.memory_space<hbm>> -> memref<1x1x16xf32, #tpu.memory_space<hbm>>
        %dma_wait3A_795 = tpu.memref_squeeze %dma_wait3A_794 : memref<1x1x16xf32, #tpu.memory_space<hbm>> -> memref<16xf32, #tpu.memory_space<hbm>>
        %dma_wait3A_796 = arith.constant 0 : i32
        %dma_wait3A_797 = tpu.memref_slice %arg4[%run_scoped3A_36, %dma_wait3A_796] : memref<16x16xf32, #tpu.memory_space<vmem>> -> memref<1x16xf32, #tpu.memory_space<vmem>>
        %dma_wait3A_798 = tpu.memref_squeeze %dma_wait3A_797 : memref<1x16xf32, #tpu.memory_space<vmem>> -> memref<16xf32, #tpu.memory_space<vmem>>
        %dma_wait3A_799 = tpu.memref_slice %arg2[%run_scoped3A_34, %run_scoped3A_35, %mul3A_2] : memref<16x1x256xf32, #tpu.memory_space<hbm>> -> memref<1x1x16xf32, #tpu.memory_space<hbm>>
        %dma_wait3A_800 = tpu.memref_squeeze %dma_wait3A_799 : memref<1x1x16xf32, #tpu.memory_space<hbm>> -> memref<16xf32, #tpu.memory_space<hbm>>
        tpu.wait_dma2 semaphore(%run_scoped3A_782 : memref<!tpu.dma_semaphore, #tpu.memory_space<semaphore_mem>>) src(%dma_wait3A_800 : memref<16xf32, #tpu.memory_space<hbm>>) dst(%dma_wait3A_798 : memref<16xf32, #tpu.memory_space<vmem>>)
        tpu.yield
      }) : () -> ()
      %run_scoped3A_37 = arith.constant 11 : i32
      %run_scoped3A_38 = arith.constant 0 : i32
      %run_scoped3A_39 = arith.constant 11 : i32
      "tpu.region"() ({
        %run_scoped3A_782 = tpu.sem_alloc : memref<!tpu.dma_semaphore, #tpu.memory_space<semaphore_mem>>
        %dma_start3A = arith.constant 0 : i32
        %dma_start3A_783 = tpu.memref_slice %arg4[%run_scoped3A_39, %dma_start3A] : memref<16x16xf32, #tpu.memory_space<vmem>> -> memref<1x16xf32, #tpu.memory_space<vmem>>
        %dma_start3A_784 = tpu.memref_squeeze %dma_start3A_783 : memref<1x16xf32, #tpu.memory_space<vmem>> -> memref<16xf32, #tpu.memory_space<vmem>>
        %dma_start3A_785 = tpu.memref_slice %arg2[%run_scoped3A_37, %run_scoped3A_38, %mul3A_2] : memref<16x1x256xf32, #tpu.memory_space<hbm>> -> memref<1x1x16xf32, #tpu.memory_space<hbm>>
        %dma_start3A_786 = tpu.memref_squeeze %dma_start3A_785 : memref<1x1x16xf32, #tpu.memory_space<hbm>> -> memref<16xf32, #tpu.memory_space<hbm>>
        %dma_start3A_787 = arith.constant 0 : i32
        %dma_start3A_788 = tpu.memref_slice %arg4[%run_scoped3A_39, %dma_start3A_787] : memref<16x16xf32, #tpu.memory_space<vmem>> -> memref<1x16xf32, #tpu.memory_space<vmem>>
        %dma_start3A_789 = tpu.memref_squeeze %dma_start3A_788 : memref<1x16xf32, #tpu.memory_space<vmem>> -> memref<16xf32, #tpu.memory_space<vmem>>
        %dma_start3A_790 = tpu.memref_slice %arg2[%run_scoped3A_37, %run_scoped3A_38, %mul3A_2] : memref<16x1x256xf32, #tpu.memory_space<hbm>> -> memref<1x1x16xf32, #tpu.memory_space<hbm>>
        %dma_start3A_791 = tpu.memref_squeeze %dma_start3A_790 : memref<1x1x16xf32, #tpu.memory_space<hbm>> -> memref<16xf32, #tpu.memory_space<hbm>>
        tpu.enqueue_dma source(%dma_start3A_791 : memref<16xf32, #tpu.memory_space<hbm>>) target(%dma_start3A_789 : memref<16xf32, #tpu.memory_space<vmem>>) target_semaphore(%run_scoped3A_782 : memref<!tpu.dma_semaphore, #tpu.memory_space<semaphore_mem>>)
        %dma_wait3A = arith.constant 0 : i32
        %dma_wait3A_792 = tpu.memref_slice %arg4[%run_scoped3A_39, %dma_wait3A] : memref<16x16xf32, #tpu.memory_space<vmem>> -> memref<1x16xf32, #tpu.memory_space<vmem>>
        %dma_wait3A_793 = tpu.memref_squeeze %dma_wait3A_792 : memref<1x16xf32, #tpu.memory_space<vmem>> -> memref<16xf32, #tpu.memory_space<vmem>>
        %dma_wait3A_794 = tpu.memref_slice %arg2[%run_scoped3A_37, %run_scoped3A_38, %mul3A_2] : memref<16x1x256xf32, #tpu.memory_space<hbm>> -> memref<1x1x16xf32, #tpu.memory_space<hbm>>
        %dma_wait3A_795 = tpu.memref_squeeze %dma_wait3A_794 : memref<1x1x16xf32, #tpu.memory_space<hbm>> -> memref<16xf32, #tpu.memory_space<hbm>>
        %dma_wait3A_796 = arith.constant 0 : i32
        %dma_wait3A_797 = tpu.memref_slice %arg4[%run_scoped3A_39, %dma_wait3A_796] : memref<16x16xf32, #tpu.memory_space<vmem>> -> memref<1x16xf32, #tpu.memory_space<vmem>>
        %dma_wait3A_798 = tpu.memref_squeeze %dma_wait3A_797 : memref<1x16xf32, #tpu.memory_space<vmem>> -> memref<16xf32, #tpu.memory_space<vmem>>
        %dma_wait3A_799 = tpu.memref_slice %arg2[%run_scoped3A_37, %run_scoped3A_38, %mul3A_2] : memref<16x1x256xf32, #tpu.memory_space<hbm>> -> memref<1x1x16xf32, #tpu.memory_space<hbm>>
        %dma_wait3A_800 = tpu.memref_squeeze %dma_wait3A_799 : memref<1x1x16xf32, #tpu.memory_space<hbm>> -> memref<16xf32, #tpu.memory_space<hbm>>
        tpu.wait_dma2 semaphore(%run_scoped3A_782 : memref<!tpu.dma_semaphore, #tpu.memory_space<semaphore_mem>>) src(%dma_wait3A_800 : memref<16xf32, #tpu.memory_space<hbm>>) dst(%dma_wait3A_798 : memref<16xf32, #tpu.memory_space<vmem>>)
        tpu.yield
      }) : () -> ()
      %run_scoped3A_40 = arith.constant 12 : i32
      %run_scoped3A_41 = arith.constant 0 : i32
      %run_scoped3A_42 = arith.constant 12 : i32
      "tpu.region"() ({
        %run_scoped3A_782 = tpu.sem_alloc : memref<!tpu.dma_semaphore, #tpu.memory_space<semaphore_mem>>
        %dma_start3A = arith.constant 0 : i32
        %dma_start3A_783 = tpu.memref_slice %arg4[%run_scoped3A_42, %dma_start3A] : memref<16x16xf32, #tpu.memory_space<vmem>> -> memref<1x16xf32, #tpu.memory_space<vmem>>
        %dma_start3A_784 = tpu.memref_squeeze %dma_start3A_783 : memref<1x16xf32, #tpu.memory_space<vmem>> -> memref<16xf32, #tpu.memory_space<vmem>>
        %dma_start3A_785 = tpu.memref_slice %arg2[%run_scoped3A_40, %run_scoped3A_41, %mul3A_2] : memref<16x1x256xf32, #tpu.memory_space<hbm>> -> memref<1x1x16xf32, #tpu.memory_space<hbm>>
        %dma_start3A_786 = tpu.memref_squeeze %dma_start3A_785 : memref<1x1x16xf32, #tpu.memory_space<hbm>> -> memref<16xf32, #tpu.memory_space<hbm>>
        %dma_start3A_787 = arith.constant 0 : i32
        %dma_start3A_788 = tpu.memref_slice %arg4[%run_scoped3A_42, %dma_start3A_787] : memref<16x16xf32, #tpu.memory_space<vmem>> -> memref<1x16xf32, #tpu.memory_space<vmem>>
        %dma_start3A_789 = tpu.memref_squeeze %dma_start3A_788 : memref<1x16xf32, #tpu.memory_space<vmem>> -> memref<16xf32, #tpu.memory_space<vmem>>
        %dma_start3A_790 = tpu.memref_slice %arg2[%run_scoped3A_40, %run_scoped3A_41, %mul3A_2] : memref<16x1x256xf32, #tpu.memory_space<hbm>> -> memref<1x1x16xf32, #tpu.memory_space<hbm>>
        %dma_start3A_791 = tpu.memref_squeeze %dma_start3A_790 : memref<1x1x16xf32, #tpu.memory_space<hbm>> -> memref<16xf32, #tpu.memory_space<hbm>>
        tpu.enqueue_dma source(%dma_start3A_791 : memref<16xf32, #tpu.memory_space<hbm>>) target(%dma_start3A_789 : memref<16xf32, #tpu.memory_space<vmem>>) target_semaphore(%run_scoped3A_782 : memref<!tpu.dma_semaphore, #tpu.memory_space<semaphore_mem>>)
        %dma_wait3A = arith.constant 0 : i32
        %dma_wait3A_792 = tpu.memref_slice %arg4[%run_scoped3A_42, %dma_wait3A] : memref<16x16xf32, #tpu.memory_space<vmem>> -> memref<1x16xf32, #tpu.memory_space<vmem>>
        %dma_wait3A_793 = tpu.memref_squeeze %dma_wait3A_792 : memref<1x16xf32, #tpu.memory_space<vmem>> -> memref<16xf32, #tpu.memory_space<vmem>>
        %dma_wait3A_794 = tpu.memref_slice %arg2[%run_scoped3A_40, %run_scoped3A_41, %mul3A_2] : memref<16x1x256xf32, #tpu.memory_space<hbm>> -> memref<1x1x16xf32, #tpu.memory_space<hbm>>
        %dma_wait3A_795 = tpu.memref_squeeze %dma_wait3A_794 : memref<1x1x16xf32, #tpu.memory_space<hbm>> -> memref<16xf32, #tpu.memory_space<hbm>>
        %dma_wait3A_796 = arith.constant 0 : i32
        %dma_wait3A_797 = tpu.memref_slice %arg4[%run_scoped3A_42, %dma_wait3A_796] : memref<16x16xf32, #tpu.memory_space<vmem>> -> memref<1x16xf32, #tpu.memory_space<vmem>>
        %dma_wait3A_798 = tpu.memref_squeeze %dma_wait3A_797 : memref<1x16xf32, #tpu.memory_space<vmem>> -> memref<16xf32, #tpu.memory_space<vmem>>
        %dma_wait3A_799 = tpu.memref_slice %arg2[%run_scoped3A_40, %run_scoped3A_41, %mul3A_2] : memref<16x1x256xf32, #tpu.memory_space<hbm>> -> memref<1x1x16xf32, #tpu.memory_space<hbm>>
        %dma_wait3A_800 = tpu.memref_squeeze %dma_wait3A_799 : memref<1x1x16xf32, #tpu.memory_space<hbm>> -> memref<16xf32, #tpu.memory_space<hbm>>
        tpu.wait_dma2 semaphore(%run_scoped3A_782 : memref<!tpu.dma_semaphore, #tpu.memory_space<semaphore_mem>>) src(%dma_wait3A_800 : memref<16xf32, #tpu.memory_space<hbm>>) dst(%dma_wait3A_798 : memref<16xf32, #tpu.memory_space<vmem>>)
        tpu.yield
      }) : () -> ()
      %run_scoped3A_43 = arith.constant 13 : i32
      %run_scoped3A_44 = arith.constant 0 : i32
      %run_scoped3A_45 = arith.constant 13 : i32
      "tpu.region"() ({
        %run_scoped3A_782 = tpu.sem_alloc : memref<!tpu.dma_semaphore, #tpu.memory_space<semaphore_mem>>
        %dma_start3A = arith.constant 0 : i32
        %dma_start3A_783 = tpu.memref_slice %arg4[%run_scoped3A_45, %dma_start3A] : memref<16x16xf32, #tpu.memory_space<vmem>> -> memref<1x16xf32, #tpu.memory_space<vmem>>
        %dma_start3A_784 = tpu.memref_squeeze %dma_start3A_783 : memref<1x16xf32, #tpu.memory_space<vmem>> -> memref<16xf32, #tpu.memory_space<vmem>>
        %dma_start3A_785 = tpu.memref_slice %arg2[%run_scoped3A_43, %run_scoped3A_44, %mul3A_2] : memref<16x1x256xf32, #tpu.memory_space<hbm>> -> memref<1x1x16xf32, #tpu.memory_space<hbm>>
        %dma_start3A_786 = tpu.memref_squeeze %dma_start3A_785 : memref<1x1x16xf32, #tpu.memory_space<hbm>> -> memref<16xf32, #tpu.memory_space<hbm>>
        %dma_start3A_787 = arith.constant 0 : i32
        %dma_start3A_788 = tpu.memref_slice %arg4[%run_scoped3A_45, %dma_start3A_787] : memref<16x16xf32, #tpu.memory_space<vmem>> -> memref<1x16xf32, #tpu.memory_space<vmem>>
        %dma_start3A_789 = tpu.memref_squeeze %dma_start3A_788 : memref<1x16xf32, #tpu.memory_space<vmem>> -> memref<16xf32, #tpu.memory_space<vmem>>
        %dma_start3A_790 = tpu.memref_slice %arg2[%run_scoped3A_43, %run_scoped3A_44, %mul3A_2] : memref<16x1x256xf32, #tpu.memory_space<hbm>> -> memref<1x1x16xf32, #tpu.memory_space<hbm>>
        %dma_start3A_791 = tpu.memref_squeeze %dma_start3A_790 : memref<1x1x16xf32, #tpu.memory_space<hbm>> -> memref<16xf32, #tpu.memory_space<hbm>>
        tpu.enqueue_dma source(%dma_start3A_791 : memref<16xf32, #tpu.memory_space<hbm>>) target(%dma_start3A_789 : memref<16xf32, #tpu.memory_space<vmem>>) target_semaphore(%run_scoped3A_782 : memref<!tpu.dma_semaphore, #tpu.memory_space<semaphore_mem>>)
        %dma_wait3A = arith.constant 0 : i32
        %dma_wait3A_792 = tpu.memref_slice %arg4[%run_scoped3A_45, %dma_wait3A] : memref<16x16xf32, #tpu.memory_space<vmem>> -> memref<1x16xf32, #tpu.memory_space<vmem>>
        %dma_wait3A_793 = tpu.memref_squeeze %dma_wait3A_792 : memref<1x16xf32, #tpu.memory_space<vmem>> -> memref<16xf32, #tpu.memory_space<vmem>>
        %dma_wait3A_794 = tpu.memref_slice %arg2[%run_scoped3A_43, %run_scoped3A_44, %mul3A_2] : memref<16x1x256xf32, #tpu.memory_space<hbm>> -> memref<1x1x16xf32, #tpu.memory_space<hbm>>
        %dma_wait3A_795 = tpu.memref_squeeze %dma_wait3A_794 : memref<1x1x16xf32, #tpu.memory_space<hbm>> -> memref<16xf32, #tpu.memory_space<hbm>>
        %dma_wait3A_796 = arith.constant 0 : i32
        %dma_wait3A_797 = tpu.memref_slice %arg4[%run_scoped3A_45, %dma_wait3A_796] : memref<16x16xf32, #tpu.memory_space<vmem>> -> memref<1x16xf32, #tpu.memory_space<vmem>>
        %dma_wait3A_798 = tpu.memref_squeeze %dma_wait3A_797 : memref<1x16xf32, #tpu.memory_space<vmem>> -> memref<16xf32, #tpu.memory_space<vmem>>
        %dma_wait3A_799 = tpu.memref_slice %arg2[%run_scoped3A_43, %run_scoped3A_44, %mul3A_2] : memref<16x1x256xf32, #tpu.memory_space<hbm>> -> memref<1x1x16xf32, #tpu.memory_space<hbm>>
        %dma_wait3A_800 = tpu.memref_squeeze %dma_wait3A_799 : memref<1x1x16xf32, #tpu.memory_space<hbm>> -> memref<16xf32, #tpu.memory_space<hbm>>
        tpu.wait_dma2 semaphore(%run_scoped3A_782 : memref<!tpu.dma_semaphore, #tpu.memory_space<semaphore_mem>>) src(%dma_wait3A_800 : memref<16xf32, #tpu.memory_space<hbm>>) dst(%dma_wait3A_798 : memref<16xf32, #tpu.memory_space<vmem>>)
        tpu.yield
      }) : () -> ()
      %run_scoped3A_46 = arith.constant 14 : i32
      %run_scoped3A_47 = arith.constant 0 : i32
      %run_scoped3A_48 = arith.constant 14 : i32
      "tpu.region"() ({
        %run_scoped3A_782 = tpu.sem_alloc : memref<!tpu.dma_semaphore, #tpu.memory_space<semaphore_mem>>
        %dma_start3A = arith.constant 0 : i32
        %dma_start3A_783 = tpu.memref_slice %arg4[%run_scoped3A_48, %dma_start3A] : memref<16x16xf32, #tpu.memory_space<vmem>> -> memref<1x16xf32, #tpu.memory_space<vmem>>
        %dma_start3A_784 = tpu.memref_squeeze %dma_start3A_783 : memref<1x16xf32, #tpu.memory_space<vmem>> -> memref<16xf32, #tpu.memory_space<vmem>>
        %dma_start3A_785 = tpu.memref_slice %arg2[%run_scoped3A_46, %run_scoped3A_47, %mul3A_2] : memref<16x1x256xf32, #tpu.memory_space<hbm>> -> memref<1x1x16xf32, #tpu.memory_space<hbm>>
        %dma_start3A_786 = tpu.memref_squeeze %dma_start3A_785 : memref<1x1x16xf32, #tpu.memory_space<hbm>> -> memref<16xf32, #tpu.memory_space<hbm>>
        %dma_start3A_787 = arith.constant 0 : i32
        %dma_start3A_788 = tpu.memref_slice %arg4[%run_scoped3A_48, %dma_start3A_787] : memref<16x16xf32, #tpu.memory_space<vmem>> -> memref<1x16xf32, #tpu.memory_space<vmem>>
        %dma_start3A_789 = tpu.memref_squeeze %dma_start3A_788 : memref<1x16xf32, #tpu.memory_space<vmem>> -> memref<16xf32, #tpu.memory_space<vmem>>
        %dma_start3A_790 = tpu.memref_slice %arg2[%run_scoped3A_46, %run_scoped3A_47, %mul3A_2] : memref<16x1x256xf32, #tpu.memory_space<hbm>> -> memref<1x1x16xf32, #tpu.memory_space<hbm>>
        %dma_start3A_791 = tpu.memref_squeeze %dma_start3A_790 : memref<1x1x16xf32, #tpu.memory_space<hbm>> -> memref<16xf32, #tpu.memory_space<hbm>>
        tpu.enqueue_dma source(%dma_start3A_791 : memref<16xf32, #tpu.memory_space<hbm>>) target(%dma_start3A_789 : memref<16xf32, #tpu.memory_space<vmem>>) target_semaphore(%run_scoped3A_782 : memref<!tpu.dma_semaphore, #tpu.memory_space<semaphore_mem>>)
        %dma_wait3A = arith.constant 0 : i32
        %dma_wait3A_792 = tpu.memref_slice %arg4[%run_scoped3A_48, %dma_wait3A] : memref<16x16xf32, #tpu.memory_space<vmem>> -> memref<1x16xf32, #tpu.memory_space<vmem>>
        %dma_wait3A_793 = tpu.memref_squeeze %dma_wait3A_792 : memref<1x16xf32, #tpu.memory_space<vmem>> -> memref<16xf32, #tpu.memory_space<vmem>>
        %dma_wait3A_794 = tpu.memref_slice %arg2[%run_scoped3A_46, %run_scoped3A_47, %mul3A_2] : memref<16x1x256xf32, #tpu.memory_space<hbm>> -> memref<1x1x16xf32, #tpu.memory_space<hbm>>
        %dma_wait3A_795 = tpu.memref_squeeze %dma_wait3A_794 : memref<1x1x16xf32, #tpu.memory_space<hbm>> -> memref<16xf32, #tpu.memory_space<hbm>>
        %dma_wait3A_796 = arith.constant 0 : i32
        %dma_wait3A_797 = tpu.memref_slice %arg4[%run_scoped3A_48, %dma_wait3A_796] : memref<16x16xf32, #tpu.memory_space<vmem>> -> memref<1x16xf32, #tpu.memory_space<vmem>>
        %dma_wait3A_798 = tpu.memref_squeeze %dma_wait3A_797 : memref<1x16xf32, #tpu.memory_space<vmem>> -> memref<16xf32, #tpu.memory_space<vmem>>
        %dma_wait3A_799 = tpu.memref_slice %arg2[%run_scoped3A_46, %run_scoped3A_47, %mul3A_2] : memref<16x1x256xf32, #tpu.memory_space<hbm>> -> memref<1x1x16xf32, #tpu.memory_space<hbm>>
        %dma_wait3A_800 = tpu.memref_squeeze %dma_wait3A_799 : memref<1x1x16xf32, #tpu.memory_space<hbm>> -> memref<16xf32, #tpu.memory_space<hbm>>
        tpu.wait_dma2 semaphore(%run_scoped3A_782 : memref<!tpu.dma_semaphore, #tpu.memory_space<semaphore_mem>>) src(%dma_wait3A_800 : memref<16xf32, #tpu.memory_space<hbm>>) dst(%dma_wait3A_798 : memref<16xf32, #tpu.memory_space<vmem>>)
        tpu.yield
      }) : () -> ()
      %run_scoped3A_49 = arith.constant 15 : i32
      %run_scoped3A_50 = arith.constant 0 : i32
      %run_scoped3A_51 = arith.constant 15 : i32
      "tpu.region"() ({
        %run_scoped3A_782 = tpu.sem_alloc : memref<!tpu.dma_semaphore, #tpu.memory_space<semaphore_mem>>
        %dma_start3A = arith.constant 0 : i32
        %dma_start3A_783 = tpu.memref_slice %arg4[%run_scoped3A_51, %dma_start3A] : memref<16x16xf32, #tpu.memory_space<vmem>> -> memref<1x16xf32, #tpu.memory_space<vmem>>
        %dma_start3A_784 = tpu.memref_squeeze %dma_start3A_783 : memref<1x16xf32, #tpu.memory_space<vmem>> -> memref<16xf32, #tpu.memory_space<vmem>>
        %dma_start3A_785 = tpu.memref_slice %arg2[%run_scoped3A_49, %run_scoped3A_50, %mul3A_2] : memref<16x1x256xf32, #tpu.memory_space<hbm>> -> memref<1x1x16xf32, #tpu.memory_space<hbm>>
        %dma_start3A_786 = tpu.memref_squeeze %dma_start3A_785 : memref<1x1x16xf32, #tpu.memory_space<hbm>> -> memref<16xf32, #tpu.memory_space<hbm>>
        %dma_start3A_787 = arith.constant 0 : i32
        %dma_start3A_788 = tpu.memref_slice %arg4[%run_scoped3A_51, %dma_start3A_787] : memref<16x16xf32, #tpu.memory_space<vmem>> -> memref<1x16xf32, #tpu.memory_space<vmem>>
        %dma_start3A_789 = tpu.memref_squeeze %dma_start3A_788 : memref<1x16xf32, #tpu.memory_space<vmem>> -> memref<16xf32, #tpu.memory_space<vmem>>
        %dma_start3A_790 = tpu.memref_slice %arg2[%run_scoped3A_49, %run_scoped3A_50, %mul3A_2] : memref<16x1x256xf32, #tpu.memory_space<hbm>> -> memref<1x1x16xf32, #tpu.memory_space<hbm>>
        %dma_start3A_791 = tpu.memref_squeeze %dma_start3A_790 : memref<1x1x16xf32, #tpu.memory_space<hbm>> -> memref<16xf32, #tpu.memory_space<hbm>>
        tpu.enqueue_dma source(%dma_start3A_791 : memref<16xf32, #tpu.memory_space<hbm>>) target(%dma_start3A_789 : memref<16xf32, #tpu.memory_space<vmem>>) target_semaphore(%run_scoped3A_782 : memref<!tpu.dma_semaphore, #tpu.memory_space<semaphore_mem>>)
        %dma_wait3A = arith.constant 0 : i32
        %dma_wait3A_792 = tpu.memref_slice %arg4[%run_scoped3A_51, %dma_wait3A] : memref<16x16xf32, #tpu.memory_space<vmem>> -> memref<1x16xf32, #tpu.memory_space<vmem>>
        %dma_wait3A_793 = tpu.memref_squeeze %dma_wait3A_792 : memref<1x16xf32, #tpu.memory_space<vmem>> -> memref<16xf32, #tpu.memory_space<vmem>>
        %dma_wait3A_794 = tpu.memref_slice %arg2[%run_scoped3A_49, %run_scoped3A_50, %mul3A_2] : memref<16x1x256xf32, #tpu.memory_space<hbm>> -> memref<1x1x16xf32, #tpu.memory_space<hbm>>
        %dma_wait3A_795 = tpu.memref_squeeze %dma_wait3A_794 : memref<1x1x16xf32, #tpu.memory_space<hbm>> -> memref<16xf32, #tpu.memory_space<hbm>>
        %dma_wait3A_796 = arith.constant 0 : i32
        %dma_wait3A_797 = tpu.memref_slice %arg4[%run_scoped3A_51, %dma_wait3A_796] : memref<16x16xf32, #tpu.memory_space<vmem>> -> memref<1x16xf32, #tpu.memory_space<vmem>>
        %dma_wait3A_798 = tpu.memref_squeeze %dma_wait3A_797 : memref<1x16xf32, #tpu.memory_space<vmem>> -> memref<16xf32, #tpu.memory_space<vmem>>
        %dma_wait3A_799 = tpu.memref_slice %arg2[%run_scoped3A_49, %run_scoped3A_50, %mul3A_2] : memref<16x1x256xf32, #tpu.memory_space<hbm>> -> memref<1x1x16xf32, #tpu.memory_space<hbm>>
        %dma_wait3A_800 = tpu.memref_squeeze %dma_wait3A_799 : memref<1x1x16xf32, #tpu.memory_space<hbm>> -> memref<16xf32, #tpu.memory_space<hbm>>
        tpu.wait_dma2 semaphore(%run_scoped3A_782 : memref<!tpu.dma_semaphore, #tpu.memory_space<semaphore_mem>>) src(%dma_wait3A_800 : memref<16xf32, #tpu.memory_space<hbm>>) dst(%dma_wait3A_798 : memref<16xf32, #tpu.memory_space<vmem>>)
        tpu.yield
      }) : () -> ()
      %broadcast_in_dim3A = arith.constant -3.40282347E+38 : f32
      %broadcast_in_dim3A_52 = vector.broadcast %broadcast_in_dim3A : f32 to vector<16xf32>
      %broadcast_in_dim3A_53 = arith.constant -1 : i32
      %broadcast_in_dim3A_54 = vector.broadcast %broadcast_in_dim3A_53 : i32 to vector<16xi32>
      %broadcast_in_dim3A_55 = arith.constant 1 : i32
      %broadcast_in_dim3A_56 = vector.broadcast %broadcast_in_dim3A_55 : i32 to vector<16xi32>
      %broadcast_in_dim3A_57 = arith.constant 0 : i32
      %broadcast_in_dim3A_58 = vector.broadcast %broadcast_in_dim3A_57 : i32 to vector<16xi32>
      %get3A = arith.constant 0 : i32
      %get3A_59 = arith.index_cast %get3A : i32 to index
      %get3A_60 = arith.constant 0 : index
      %get3A_61 = tpu.vector_load %arg4[%get3A_59, %get3A_60] {strides = array<i32>} : memref<16x16xf32, #tpu.memory_space<vmem>>, vector<1x16xf32>,
      %get3A_62 = vector.shape_cast %get3A_61 : vector<1x16xf32> to vector<16xf32>
      %broadcast_in_dim3A_63 = arith.constant 0 : i32
      %broadcast_in_dim3A_64 = vector.broadcast %broadcast_in_dim3A_63 : i32 to vector<16xi32>
      %gt3A = arith.cmpf ogt, %get3A_62, %broadcast_in_dim3A_52 : vector<16xf32>
      %select_n3A = arith.select %gt3A, %broadcast_in_dim3A_56, %broadcast_in_dim3A_58 : vector<16xi1>, vector<16xi32>
      %gt3A_65 = arith.cmpf ogt, %get3A_62, %broadcast_in_dim3A_52 : vector<16xf32>
      %select_n3A_66 = arith.select %gt3A_65, %broadcast_in_dim3A_56, %broadcast_in_dim3A_58 : vector<16xi1>, vector<16xi32>
      %sub3A = arith.subi %broadcast_in_dim3A_56, %select_n3A : vector<16xi32>
      %mul3A_67 = arith.muli %select_n3A_66, %sub3A : vector<16xi32>
      %gt3A_68 = arith.cmpi sgt, %select_n3A, %broadcast_in_dim3A_58 : vector<16xi32>
      %gt3A_69 = arith.cmpi sgt, %mul3A_67, %broadcast_in_dim3A_58 : vector<16xi32>
      %select_n3A_70 = arith.select %gt3A_69, %get3A_62, %broadcast_in_dim3A_52 : vector<16xi1>, vector<16xf32>
      %select_n3A_71 = arith.select %gt3A_68, %broadcast_in_dim3A_52, %select_n3A_70 : vector<16xi1>, vector<16xf32>
      %gt3A_72 = arith.cmpi sgt, %select_n3A, %broadcast_in_dim3A_58 : vector<16xi32>
      %gt3A_73 = arith.cmpi sgt, %mul3A_67, %broadcast_in_dim3A_58 : vector<16xi32>
      %select_n3A_74 = arith.select %gt3A_73, %broadcast_in_dim3A_64, %broadcast_in_dim3A_54 : vector<16xi1>, vector<16xi32>
      %select_n3A_75 = arith.select %gt3A_72, %broadcast_in_dim3A_54, %select_n3A_74 : vector<16xi1>, vector<16xi32>
      %gt3A_76 = arith.cmpi sgt, %select_n3A, %broadcast_in_dim3A_58 : vector<16xi32>
      %select_n3A_77 = arith.select %gt3A_76, %get3A_62, %broadcast_in_dim3A_52 : vector<16xi1>, vector<16xf32>
      %gt3A_78 = arith.cmpi sgt, %select_n3A, %broadcast_in_dim3A_58 : vector<16xi32>
      %select_n3A_79 = arith.select %gt3A_78, %broadcast_in_dim3A_64, %broadcast_in_dim3A_54 : vector<16xi1>, vector<16xi32>
      %get3A_80 = arith.constant 1 : i32
      %get3A_81 = arith.index_cast %get3A_80 : i32 to index
      %get3A_82 = arith.constant 0 : index
      %get3A_83 = tpu.vector_load %arg4[%get3A_81, %get3A_82] {strides = array<i32>} : memref<16x16xf32, #tpu.memory_space<vmem>>, vector<1x16xf32>,
      %get3A_84 = vector.shape_cast %get3A_83 : vector<1x16xf32> to vector<16xf32>
      %broadcast_in_dim3A_85 = arith.constant 1 : i32
      %broadcast_in_dim3A_86 = vector.broadcast %broadcast_in_dim3A_85 : i32 to vector<16xi32>
      %gt3A_87 = arith.cmpf ogt, %get3A_84, %select_n3A_77 : vector<16xf32>
      %select_n3A_88 = arith.select %gt3A_87, %broadcast_in_dim3A_56, %broadcast_in_dim3A_58 : vector<16xi1>, vector<16xi32>
      %gt3A_89 = arith.cmpf ogt, %get3A_84, %select_n3A_71 : vector<16xf32>
      %select_n3A_90 = arith.select %gt3A_89, %broadcast_in_dim3A_56, %broadcast_in_dim3A_58 : vector<16xi1>, vector<16xi32>
      %sub3A_91 = arith.subi %broadcast_in_dim3A_56, %select_n3A_88 : vector<16xi32>
      %mul3A_92 = arith.muli %select_n3A_90, %sub3A_91 : vector<16xi32>
      %gt3A_93 = arith.cmpi sgt, %select_n3A_88, %broadcast_in_dim3A_58 : vector<16xi32>
      %gt3A_94 = arith.cmpi sgt, %mul3A_92, %broadcast_in_dim3A_58 : vector<16xi32>
      %select_n3A_95 = arith.select %gt3A_94, %get3A_84, %select_n3A_71 : vector<16xi1>, vector<16xf32>
      %select_n3A_96 = arith.select %gt3A_93, %select_n3A_77, %select_n3A_95 : vector<16xi1>, vector<16xf32>
      %gt3A_97 = arith.cmpi sgt, %select_n3A_88, %broadcast_in_dim3A_58 : vector<16xi32>
      %gt3A_98 = arith.cmpi sgt, %mul3A_92, %broadcast_in_dim3A_58 : vector<16xi32>
      %select_n3A_99 = arith.select %gt3A_98, %broadcast_in_dim3A_86, %select_n3A_75 : vector<16xi1>, vector<16xi32>
      %select_n3A_100 = arith.select %gt3A_97, %select_n3A_79, %select_n3A_99 : vector<16xi1>, vector<16xi32>
      %gt3A_101 = arith.cmpi sgt, %select_n3A_88, %broadcast_in_dim3A_58 : vector<16xi32>
      %select_n3A_102 = arith.select %gt3A_101, %get3A_84, %select_n3A_77 : vector<16xi1>, vector<16xf32>
      %gt3A_103 = arith.cmpi sgt, %select_n3A_88, %broadcast_in_dim3A_58 : vector<16xi32>
      %select_n3A_104 = arith.select %gt3A_103, %broadcast_in_dim3A_86, %select_n3A_79 : vector<16xi1>, vector<16xi32>
      %get3A_105 = arith.constant 2 : i32
      %get3A_106 = arith.index_cast %get3A_105 : i32 to index
      %get3A_107 = arith.constant 0 : index
      %get3A_108 = tpu.vector_load %arg4[%get3A_106, %get3A_107] {strides = array<i32>} : memref<16x16xf32, #tpu.memory_space<vmem>>, vector<1x16xf32>,
      %get3A_109 = vector.shape_cast %get3A_108 : vector<1x16xf32> to vector<16xf32>
      %broadcast_in_dim3A_110 = arith.constant 2 : i32
      %broadcast_in_dim3A_111 = vector.broadcast %broadcast_in_dim3A_110 : i32 to vector<16xi32>
      %gt3A_112 = arith.cmpf ogt, %get3A_109, %select_n3A_102 : vector<16xf32>
      %select_n3A_113 = arith.select %gt3A_112, %broadcast_in_dim3A_56, %broadcast_in_dim3A_58 : vector<16xi1>, vector<16xi32>
      %gt3A_114 = arith.cmpf ogt, %get3A_109, %select_n3A_96 : vector<16xf32>
      %select_n3A_115 = arith.select %gt3A_114, %broadcast_in_dim3A_56, %broadcast_in_dim3A_58 : vector<16xi1>, vector<16xi32>
      %sub3A_116 = arith.subi %broadcast_in_dim3A_56, %select_n3A_113 : vector<16xi32>
      %mul3A_117 = arith.muli %select_n3A_115, %sub3A_116 : vector<16xi32>
      %gt3A_118 = arith.cmpi sgt, %select_n3A_113, %broadcast_in_dim3A_58 : vector<16xi32>
      %gt3A_119 = arith.cmpi sgt, %mul3A_117, %broadcast_in_dim3A_58 : vector<16xi32>
      %select_n3A_120 = arith.select %gt3A_119, %get3A_109, %select_n3A_96 : vector<16xi1>, vector<16xf32>
      %select_n3A_121 = arith.select %gt3A_118, %select_n3A_102, %select_n3A_120 : vector<16xi1>, vector<16xf32>
      %gt3A_122 = arith.cmpi sgt, %select_n3A_113, %broadcast_in_dim3A_58 : vector<16xi32>
      %gt3A_123 = arith.cmpi sgt, %mul3A_117, %broadcast_in_dim3A_58 : vector<16xi32>
      %select_n3A_124 = arith.select %gt3A_123, %broadcast_in_dim3A_111, %select_n3A_100 : vector<16xi1>, vector<16xi32>
      %select_n3A_125 = arith.select %gt3A_122, %select_n3A_104, %select_n3A_124 : vector<16xi1>, vector<16xi32>
      %gt3A_126 = arith.cmpi sgt, %select_n3A_113, %broadcast_in_dim3A_58 : vector<16xi32>
      %select_n3A_127 = arith.select %gt3A_126, %get3A_109, %select_n3A_102 : vector<16xi1>, vector<16xf32>
      %gt3A_128 = arith.cmpi sgt, %select_n3A_113, %broadcast_in_dim3A_58 : vector<16xi32>
      %select_n3A_129 = arith.select %gt3A_128, %broadcast_in_dim3A_111, %select_n3A_104 : vector<16xi1>, vector<16xi32>
      %get3A_130 = arith.constant 3 : i32
      %get3A_131 = arith.index_cast %get3A_130 : i32 to index
      %get3A_132 = arith.constant 0 : index
      %get3A_133 = tpu.vector_load %arg4[%get3A_131, %get3A_132] {strides = array<i32>} : memref<16x16xf32, #tpu.memory_space<vmem>>, vector<1x16xf32>,
      %get3A_134 = vector.shape_cast %get3A_133 : vector<1x16xf32> to vector<16xf32>
      %broadcast_in_dim3A_135 = arith.constant 3 : i32
      %broadcast_in_dim3A_136 = vector.broadcast %broadcast_in_dim3A_135 : i32 to vector<16xi32>
      %gt3A_137 = arith.cmpf ogt, %get3A_134, %select_n3A_127 : vector<16xf32>
      %select_n3A_138 = arith.select %gt3A_137, %broadcast_in_dim3A_56, %broadcast_in_dim3A_58 : vector<16xi1>, vector<16xi32>
      %gt3A_139 = arith.cmpf ogt, %get3A_134, %select_n3A_121 : vector<16xf32>
      %select_n3A_140 = arith.select %gt3A_139, %broadcast_in_dim3A_56, %broadcast_in_dim3A_58 : vector<16xi1>, vector<16xi32>
      %sub3A_141 = arith.subi %broadcast_in_dim3A_56, %select_n3A_138 : vector<16xi32>
      %mul3A_142 = arith.muli %select_n3A_140, %sub3A_141 : vector<16xi32>
      %gt3A_143 = arith.cmpi sgt, %select_n3A_138, %broadcast_in_dim3A_58 : vector<16xi32>
      %gt3A_144 = arith.cmpi sgt, %mul3A_142, %broadcast_in_dim3A_58 : vector<16xi32>
      %select_n3A_145 = arith.select %gt3A_144, %get3A_134, %select_n3A_121 : vector<16xi1>, vector<16xf32>
      %select_n3A_146 = arith.select %gt3A_143, %select_n3A_127, %select_n3A_145 : vector<16xi1>, vector<16xf32>
      %gt3A_147 = arith.cmpi sgt, %select_n3A_138, %broadcast_in_dim3A_58 : vector<16xi32>
      %gt3A_148 = arith.cmpi sgt, %mul3A_142, %broadcast_in_dim3A_58 : vector<16xi32>
      %select_n3A_149 = arith.select %gt3A_148, %broadcast_in_dim3A_136, %select_n3A_125 : vector<16xi1>, vector<16xi32>
      %select_n3A_150 = arith.select %gt3A_147, %select_n3A_129, %select_n3A_149 : vector<16xi1>, vector<16xi32>
      %gt3A_151 = arith.cmpi sgt, %select_n3A_138, %broadcast_in_dim3A_58 : vector<16xi32>
      %select_n3A_152 = arith.select %gt3A_151, %get3A_134, %select_n3A_127 : vector<16xi1>, vector<16xf32>
      %gt3A_153 = arith.cmpi sgt, %select_n3A_138, %broadcast_in_dim3A_58 : vector<16xi32>
      %select_n3A_154 = arith.select %gt3A_153, %broadcast_in_dim3A_136, %select_n3A_129 : vector<16xi1>, vector<16xi32>
      %get3A_155 = arith.constant 4 : i32
      %get3A_156 = arith.index_cast %get3A_155 : i32 to index
      %get3A_157 = arith.constant 0 : index
      %get3A_158 = tpu.vector_load %arg4[%get3A_156, %get3A_157] {strides = array<i32>} : memref<16x16xf32, #tpu.memory_space<vmem>>, vector<1x16xf32>,
      %get3A_159 = vector.shape_cast %get3A_158 : vector<1x16xf32> to vector<16xf32>
      %broadcast_in_dim3A_160 = arith.constant 4 : i32
      %broadcast_in_dim3A_161 = vector.broadcast %broadcast_in_dim3A_160 : i32 to vector<16xi32>
      %gt3A_162 = arith.cmpf ogt, %get3A_159, %select_n3A_152 : vector<16xf32>
      %select_n3A_163 = arith.select %gt3A_162, %broadcast_in_dim3A_56, %broadcast_in_dim3A_58 : vector<16xi1>, vector<16xi32>
      %gt3A_164 = arith.cmpf ogt, %get3A_159, %select_n3A_146 : vector<16xf32>
      %select_n3A_165 = arith.select %gt3A_164, %broadcast_in_dim3A_56, %broadcast_in_dim3A_58 : vector<16xi1>, vector<16xi32>
      %sub3A_166 = arith.subi %broadcast_in_dim3A_56, %select_n3A_163 : vector<16xi32>
      %mul3A_167 = arith.muli %select_n3A_165, %sub3A_166 : vector<16xi32>
      %gt3A_168 = arith.cmpi sgt, %select_n3A_163, %broadcast_in_dim3A_58 : vector<16xi32>
      %gt3A_169 = arith.cmpi sgt, %mul3A_167, %broadcast_in_dim3A_58 : vector<16xi32>
      %select_n3A_170 = arith.select %gt3A_169, %get3A_159, %select_n3A_146 : vector<16xi1>, vector<16xf32>
      %select_n3A_171 = arith.select %gt3A_168, %select_n3A_152, %select_n3A_170 : vector<16xi1>, vector<16xf32>
      %gt3A_172 = arith.cmpi sgt, %select_n3A_163, %broadcast_in_dim3A_58 : vector<16xi32>
      %gt3A_173 = arith.cmpi sgt, %mul3A_167, %broadcast_in_dim3A_58 : vector<16xi32>
      %select_n3A_174 = arith.select %gt3A_173, %broadcast_in_dim3A_161, %select_n3A_150 : vector<16xi1>, vector<16xi32>
      %select_n3A_175 = arith.select %gt3A_172, %select_n3A_154, %select_n3A_174 : vector<16xi1>, vector<16xi32>
      %gt3A_176 = arith.cmpi sgt, %select_n3A_163, %broadcast_in_dim3A_58 : vector<16xi32>
      %select_n3A_177 = arith.select %gt3A_176, %get3A_159, %select_n3A_152 : vector<16xi1>, vector<16xf32>
      %gt3A_178 = arith.cmpi sgt, %select_n3A_163, %broadcast_in_dim3A_58 : vector<16xi32>
      %select_n3A_179 = arith.select %gt3A_178, %broadcast_in_dim3A_161, %select_n3A_154 : vector<16xi1>, vector<16xi32>
      %get3A_180 = arith.constant 5 : i32
      %get3A_181 = arith.index_cast %get3A_180 : i32 to index
      %get3A_182 = arith.constant 0 : index
      %get3A_183 = tpu.vector_load %arg4[%get3A_181, %get3A_182] {strides = array<i32>} : memref<16x16xf32, #tpu.memory_space<vmem>>, vector<1x16xf32>,
      %get3A_184 = vector.shape_cast %get3A_183 : vector<1x16xf32> to vector<16xf32>
      %broadcast_in_dim3A_185 = arith.constant 5 : i32
      %broadcast_in_dim3A_186 = vector.broadcast %broadcast_in_dim3A_185 : i32 to vector<16xi32>
      %gt3A_187 = arith.cmpf ogt, %get3A_184, %select_n3A_177 : vector<16xf32>
      %select_n3A_188 = arith.select %gt3A_187, %broadcast_in_dim3A_56, %broadcast_in_dim3A_58 : vector<16xi1>, vector<16xi32>
      %gt3A_189 = arith.cmpf ogt, %get3A_184, %select_n3A_171 : vector<16xf32>
      %select_n3A_190 = arith.select %gt3A_189, %broadcast_in_dim3A_56, %broadcast_in_dim3A_58 : vector<16xi1>, vector<16xi32>
      %sub3A_191 = arith.subi %broadcast_in_dim3A_56, %select_n3A_188 : vector<16xi32>
      %mul3A_192 = arith.muli %select_n3A_190, %sub3A_191 : vector<16xi32>
      %gt3A_193 = arith.cmpi sgt, %select_n3A_188, %broadcast_in_dim3A_58 : vector<16xi32>
      %gt3A_194 = arith.cmpi sgt, %mul3A_192, %broadcast_in_dim3A_58 : vector<16xi32>
      %select_n3A_195 = arith.select %gt3A_194, %get3A_184, %select_n3A_171 : vector<16xi1>, vector<16xf32>
      %select_n3A_196 = arith.select %gt3A_193, %select_n3A_177, %select_n3A_195 : vector<16xi1>, vector<16xf32>
      %gt3A_197 = arith.cmpi sgt, %select_n3A_188, %broadcast_in_dim3A_58 : vector<16xi32>
      %gt3A_198 = arith.cmpi sgt, %mul3A_192, %broadcast_in_dim3A_58 : vector<16xi32>
      %select_n3A_199 = arith.select %gt3A_198, %broadcast_in_dim3A_186, %select_n3A_175 : vector<16xi1>, vector<16xi32>
      %select_n3A_200 = arith.select %gt3A_197, %select_n3A_179, %select_n3A_199 : vector<16xi1>, vector<16xi32>
      %gt3A_201 = arith.cmpi sgt, %select_n3A_188, %broadcast_in_dim3A_58 : vector<16xi32>
      %select_n3A_202 = arith.select %gt3A_201, %get3A_184, %select_n3A_177 : vector<16xi1>, vector<16xf32>
      %gt3A_203 = arith.cmpi sgt, %select_n3A_188, %broadcast_in_dim3A_58 : vector<16xi32>
      %select_n3A_204 = arith.select %gt3A_203, %broadcast_in_dim3A_186, %select_n3A_179 : vector<16xi1>, vector<16xi32>
      %get3A_205 = arith.constant 6 : i32
      %get3A_206 = arith.index_cast %get3A_205 : i32 to index
      %get3A_207 = arith.constant 0 : index
      %get3A_208 = tpu.vector_load %arg4[%get3A_206, %get3A_207] {strides = array<i32>} : memref<16x16xf32, #tpu.memory_space<vmem>>, vector<1x16xf32>,
      %get3A_209 = vector.shape_cast %get3A_208 : vector<1x16xf32> to vector<16xf32>
      %broadcast_in_dim3A_210 = arith.constant 6 : i32
      %broadcast_in_dim3A_211 = vector.broadcast %broadcast_in_dim3A_210 : i32 to vector<16xi32>
      %gt3A_212 = arith.cmpf ogt, %get3A_209, %select_n3A_202 : vector<16xf32>
      %select_n3A_213 = arith.select %gt3A_212, %broadcast_in_dim3A_56, %broadcast_in_dim3A_58 : vector<16xi1>, vector<16xi32>
      %gt3A_214 = arith.cmpf ogt, %get3A_209, %select_n3A_196 : vector<16xf32>
      %select_n3A_215 = arith.select %gt3A_214, %broadcast_in_dim3A_56, %broadcast_in_dim3A_58 : vector<16xi1>, vector<16xi32>
      %sub3A_216 = arith.subi %broadcast_in_dim3A_56, %select_n3A_213 : vector<16xi32>
      %mul3A_217 = arith.muli %select_n3A_215, %sub3A_216 : vector<16xi32>
      %gt3A_218 = arith.cmpi sgt, %select_n3A_213, %broadcast_in_dim3A_58 : vector<16xi32>
      %gt3A_219 = arith.cmpi sgt, %mul3A_217, %broadcast_in_dim3A_58 : vector<16xi32>
      %select_n3A_220 = arith.select %gt3A_219, %get3A_209, %select_n3A_196 : vector<16xi1>, vector<16xf32>
      %select_n3A_221 = arith.select %gt3A_218, %select_n3A_202, %select_n3A_220 : vector<16xi1>, vector<16xf32>
      %gt3A_222 = arith.cmpi sgt, %select_n3A_213, %broadcast_in_dim3A_58 : vector<16xi32>
      %gt3A_223 = arith.cmpi sgt, %mul3A_217, %broadcast_in_dim3A_58 : vector<16xi32>
      %select_n3A_224 = arith.select %gt3A_223, %broadcast_in_dim3A_211, %select_n3A_200 : vector<16xi1>, vector<16xi32>
      %select_n3A_225 = arith.select %gt3A_222, %select_n3A_204, %select_n3A_224 : vector<16xi1>, vector<16xi32>
      %gt3A_226 = arith.cmpi sgt, %select_n3A_213, %broadcast_in_dim3A_58 : vector<16xi32>
      %select_n3A_227 = arith.select %gt3A_226, %get3A_209, %select_n3A_202 : vector<16xi1>, vector<16xf32>
      %gt3A_228 = arith.cmpi sgt, %select_n3A_213, %broadcast_in_dim3A_58 : vector<16xi32>
      %select_n3A_229 = arith.select %gt3A_228, %broadcast_in_dim3A_211, %select_n3A_204 : vector<16xi1>, vector<16xi32>
      %get3A_230 = arith.constant 7 : i32
      %get3A_231 = arith.index_cast %get3A_230 : i32 to index
      %get3A_232 = arith.constant 0 : index
      %get3A_233 = tpu.vector_load %arg4[%get3A_231, %get3A_232] {strides = array<i32>} : memref<16x16xf32, #tpu.memory_space<vmem>>, vector<1x16xf32>,
      %get3A_234 = vector.shape_cast %get3A_233 : vector<1x16xf32> to vector<16xf32>
      %broadcast_in_dim3A_235 = arith.constant 7 : i32
      %broadcast_in_dim3A_236 = vector.broadcast %broadcast_in_dim3A_235 : i32 to vector<16xi32>
      %gt3A_237 = arith.cmpf ogt, %get3A_234, %select_n3A_227 : vector<16xf32>
      %select_n3A_238 = arith.select %gt3A_237, %broadcast_in_dim3A_56, %broadcast_in_dim3A_58 : vector<16xi1>, vector<16xi32>
      %gt3A_239 = arith.cmpf ogt, %get3A_234, %select_n3A_221 : vector<16xf32>
      %select_n3A_240 = arith.select %gt3A_239, %broadcast_in_dim3A_56, %broadcast_in_dim3A_58 : vector<16xi1>, vector<16xi32>
      %sub3A_241 = arith.subi %broadcast_in_dim3A_56, %select_n3A_238 : vector<16xi32>
      %mul3A_242 = arith.muli %select_n3A_240, %sub3A_241 : vector<16xi32>
      %gt3A_243 = arith.cmpi sgt, %select_n3A_238, %broadcast_in_dim3A_58 : vector<16xi32>
      %gt3A_244 = arith.cmpi sgt, %mul3A_242, %broadcast_in_dim3A_58 : vector<16xi32>
      %select_n3A_245 = arith.select %gt3A_244, %get3A_234, %select_n3A_221 : vector<16xi1>, vector<16xf32>
      %select_n3A_246 = arith.select %gt3A_243, %select_n3A_227, %select_n3A_245 : vector<16xi1>, vector<16xf32>
      %gt3A_247 = arith.cmpi sgt, %select_n3A_238, %broadcast_in_dim3A_58 : vector<16xi32>
      %gt3A_248 = arith.cmpi sgt, %mul3A_242, %broadcast_in_dim3A_58 : vector<16xi32>
      %select_n3A_249 = arith.select %gt3A_248, %broadcast_in_dim3A_236, %select_n3A_225 : vector<16xi1>, vector<16xi32>
      %select_n3A_250 = arith.select %gt3A_247, %select_n3A_229, %select_n3A_249 : vector<16xi1>, vector<16xi32>
      %gt3A_251 = arith.cmpi sgt, %select_n3A_238, %broadcast_in_dim3A_58 : vector<16xi32>
      %select_n3A_252 = arith.select %gt3A_251, %get3A_234, %select_n3A_227 : vector<16xi1>, vector<16xf32>
      %gt3A_253 = arith.cmpi sgt, %select_n3A_238, %broadcast_in_dim3A_58 : vector<16xi32>
      %select_n3A_254 = arith.select %gt3A_253, %broadcast_in_dim3A_236, %select_n3A_229 : vector<16xi1>, vector<16xi32>
      %get3A_255 = arith.constant 8 : i32
      %get3A_256 = arith.index_cast %get3A_255 : i32 to index
      %get3A_257 = arith.constant 0 : index
      %get3A_258 = tpu.vector_load %arg4[%get3A_256, %get3A_257] {strides = array<i32>} : memref<16x16xf32, #tpu.memory_space<vmem>>, vector<1x16xf32>,
      %get3A_259 = vector.shape_cast %get3A_258 : vector<1x16xf32> to vector<16xf32>
      %broadcast_in_dim3A_260 = arith.constant 8 : i32
      %broadcast_in_dim3A_261 = vector.broadcast %broadcast_in_dim3A_260 : i32 to vector<16xi32>
      %gt3A_262 = arith.cmpf ogt, %get3A_259, %select_n3A_252 : vector<16xf32>
      %select_n3A_263 = arith.select %gt3A_262, %broadcast_in_dim3A_56, %broadcast_in_dim3A_58 : vector<16xi1>, vector<16xi32>
      %gt3A_264 = arith.cmpf ogt, %get3A_259, %select_n3A_246 : vector<16xf32>
      %select_n3A_265 = arith.select %gt3A_264, %broadcast_in_dim3A_56, %broadcast_in_dim3A_58 : vector<16xi1>, vector<16xi32>
      %sub3A_266 = arith.subi %broadcast_in_dim3A_56, %select_n3A_263 : vector<16xi32>
      %mul3A_267 = arith.muli %select_n3A_265, %sub3A_266 : vector<16xi32>
      %gt3A_268 = arith.cmpi sgt, %select_n3A_263, %broadcast_in_dim3A_58 : vector<16xi32>
      %gt3A_269 = arith.cmpi sgt, %mul3A_267, %broadcast_in_dim3A_58 : vector<16xi32>
      %select_n3A_270 = arith.select %gt3A_269, %get3A_259, %select_n3A_246 : vector<16xi1>, vector<16xf32>
      %select_n3A_271 = arith.select %gt3A_268, %select_n3A_252, %select_n3A_270 : vector<16xi1>, vector<16xf32>
      %gt3A_272 = arith.cmpi sgt, %select_n3A_263, %broadcast_in_dim3A_58 : vector<16xi32>
      %gt3A_273 = arith.cmpi sgt, %mul3A_267, %broadcast_in_dim3A_58 : vector<16xi32>
      %select_n3A_274 = arith.select %gt3A_273, %broadcast_in_dim3A_261, %select_n3A_250 : vector<16xi1>, vector<16xi32>
      %select_n3A_275 = arith.select %gt3A_272, %select_n3A_254, %select_n3A_274 : vector<16xi1>, vector<16xi32>
      %gt3A_276 = arith.cmpi sgt, %select_n3A_263, %broadcast_in_dim3A_58 : vector<16xi32>
      %select_n3A_277 = arith.select %gt3A_276, %get3A_259, %select_n3A_252 : vector<16xi1>, vector<16xf32>
      %gt3A_278 = arith.cmpi sgt, %select_n3A_263, %broadcast_in_dim3A_58 : vector<16xi32>
      %select_n3A_279 = arith.select %gt3A_278, %broadcast_in_dim3A_261, %select_n3A_254 : vector<16xi1>, vector<16xi32>
      %get3A_280 = arith.constant 9 : i32
      %get3A_281 = arith.index_cast %get3A_280 : i32 to index
      %get3A_282 = arith.constant 0 : index
      %get3A_283 = tpu.vector_load %arg4[%get3A_281, %get3A_282] {strides = array<i32>} : memref<16x16xf32, #tpu.memory_space<vmem>>, vector<1x16xf32>,
      %get3A_284 = vector.shape_cast %get3A_283 : vector<1x16xf32> to vector<16xf32>
      %broadcast_in_dim3A_285 = arith.constant 9 : i32
      %broadcast_in_dim3A_286 = vector.broadcast %broadcast_in_dim3A_285 : i32 to vector<16xi32>
      %gt3A_287 = arith.cmpf ogt, %get3A_284, %select_n3A_277 : vector<16xf32>
      %select_n3A_288 = arith.select %gt3A_287, %broadcast_in_dim3A_56, %broadcast_in_dim3A_58 : vector<16xi1>, vector<16xi32>
      %gt3A_289 = arith.cmpf ogt, %get3A_284, %select_n3A_271 : vector<16xf32>
      %select_n3A_290 = arith.select %gt3A_289, %broadcast_in_dim3A_56, %broadcast_in_dim3A_58 : vector<16xi1>, vector<16xi32>
      %sub3A_291 = arith.subi %broadcast_in_dim3A_56, %select_n3A_288 : vector<16xi32>
      %mul3A_292 = arith.muli %select_n3A_290, %sub3A_291 : vector<16xi32>
      %gt3A_293 = arith.cmpi sgt, %select_n3A_288, %broadcast_in_dim3A_58 : vector<16xi32>
      %gt3A_294 = arith.cmpi sgt, %mul3A_292, %broadcast_in_dim3A_58 : vector<16xi32>
      %select_n3A_295 = arith.select %gt3A_294, %get3A_284, %select_n3A_271 : vector<16xi1>, vector<16xf32>
      %select_n3A_296 = arith.select %gt3A_293, %select_n3A_277, %select_n3A_295 : vector<16xi1>, vector<16xf32>
      %gt3A_297 = arith.cmpi sgt, %select_n3A_288, %broadcast_in_dim3A_58 : vector<16xi32>
      %gt3A_298 = arith.cmpi sgt, %mul3A_292, %broadcast_in_dim3A_58 : vector<16xi32>
      %select_n3A_299 = arith.select %gt3A_298, %broadcast_in_dim3A_286, %select_n3A_275 : vector<16xi1>, vector<16xi32>
      %select_n3A_300 = arith.select %gt3A_297, %select_n3A_279, %select_n3A_299 : vector<16xi1>, vector<16xi32>
      %gt3A_301 = arith.cmpi sgt, %select_n3A_288, %broadcast_in_dim3A_58 : vector<16xi32>
      %select_n3A_302 = arith.select %gt3A_301, %get3A_284, %select_n3A_277 : vector<16xi1>, vector<16xf32>
      %gt3A_303 = arith.cmpi sgt, %select_n3A_288, %broadcast_in_dim3A_58 : vector<16xi32>
      %select_n3A_304 = arith.select %gt3A_303, %broadcast_in_dim3A_286, %select_n3A_279 : vector<16xi1>, vector<16xi32>
      %get3A_305 = arith.constant 10 : i32
      %get3A_306 = arith.index_cast %get3A_305 : i32 to index
      %get3A_307 = arith.constant 0 : index
      %get3A_308 = tpu.vector_load %arg4[%get3A_306, %get3A_307] {strides = array<i32>} : memref<16x16xf32, #tpu.memory_space<vmem>>, vector<1x16xf32>,
      %get3A_309 = vector.shape_cast %get3A_308 : vector<1x16xf32> to vector<16xf32>
      %broadcast_in_dim3A_310 = arith.constant 10 : i32
      %broadcast_in_dim3A_311 = vector.broadcast %broadcast_in_dim3A_310 : i32 to vector<16xi32>
      %gt3A_312 = arith.cmpf ogt, %get3A_309, %select_n3A_302 : vector<16xf32>
      %select_n3A_313 = arith.select %gt3A_312, %broadcast_in_dim3A_56, %broadcast_in_dim3A_58 : vector<16xi1>, vector<16xi32>
      %gt3A_314 = arith.cmpf ogt, %get3A_309, %select_n3A_296 : vector<16xf32>
      %select_n3A_315 = arith.select %gt3A_314, %broadcast_in_dim3A_56, %broadcast_in_dim3A_58 : vector<16xi1>, vector<16xi32>
      %sub3A_316 = arith.subi %broadcast_in_dim3A_56, %select_n3A_313 : vector<16xi32>
      %mul3A_317 = arith.muli %select_n3A_315, %sub3A_316 : vector<16xi32>
      %gt3A_318 = arith.cmpi sgt, %select_n3A_313, %broadcast_in_dim3A_58 : vector<16xi32>
      %gt3A_319 = arith.cmpi sgt, %mul3A_317, %broadcast_in_dim3A_58 : vector<16xi32>
      %select_n3A_320 = arith.select %gt3A_319, %get3A_309, %select_n3A_296 : vector<16xi1>, vector<16xf32>
      %select_n3A_321 = arith.select %gt3A_318, %select_n3A_302, %select_n3A_320 : vector<16xi1>, vector<16xf32>
      %gt3A_322 = arith.cmpi sgt, %select_n3A_313, %broadcast_in_dim3A_58 : vector<16xi32>
      %gt3A_323 = arith.cmpi sgt, %mul3A_317, %broadcast_in_dim3A_58 : vector<16xi32>
      %select_n3A_324 = arith.select %gt3A_323, %broadcast_in_dim3A_311, %select_n3A_300 : vector<16xi1>, vector<16xi32>
      %select_n3A_325 = arith.select %gt3A_322, %select_n3A_304, %select_n3A_324 : vector<16xi1>, vector<16xi32>
      %gt3A_326 = arith.cmpi sgt, %select_n3A_313, %broadcast_in_dim3A_58 : vector<16xi32>
      %select_n3A_327 = arith.select %gt3A_326, %get3A_309, %select_n3A_302 : vector<16xi1>, vector<16xf32>
      %gt3A_328 = arith.cmpi sgt, %select_n3A_313, %broadcast_in_dim3A_58 : vector<16xi32>
      %select_n3A_329 = arith.select %gt3A_328, %broadcast_in_dim3A_311, %select_n3A_304 : vector<16xi1>, vector<16xi32>
      %get3A_330 = arith.constant 11 : i32
      %get3A_331 = arith.index_cast %get3A_330 : i32 to index
      %get3A_332 = arith.constant 0 : index
      %get3A_333 = tpu.vector_load %arg4[%get3A_331, %get3A_332] {strides = array<i32>} : memref<16x16xf32, #tpu.memory_space<vmem>>, vector<1x16xf32>,
      %get3A_334 = vector.shape_cast %get3A_333 : vector<1x16xf32> to vector<16xf32>
      %broadcast_in_dim3A_335 = arith.constant 11 : i32
      %broadcast_in_dim3A_336 = vector.broadcast %broadcast_in_dim3A_335 : i32 to vector<16xi32>
      %gt3A_337 = arith.cmpf ogt, %get3A_334, %select_n3A_327 : vector<16xf32>
      %select_n3A_338 = arith.select %gt3A_337, %broadcast_in_dim3A_56, %broadcast_in_dim3A_58 : vector<16xi1>, vector<16xi32>
      %gt3A_339 = arith.cmpf ogt, %get3A_334, %select_n3A_321 : vector<16xf32>
      %select_n3A_340 = arith.select %gt3A_339, %broadcast_in_dim3A_56, %broadcast_in_dim3A_58 : vector<16xi1>, vector<16xi32>
      %sub3A_341 = arith.subi %broadcast_in_dim3A_56, %select_n3A_338 : vector<16xi32>
      %mul3A_342 = arith.muli %select_n3A_340, %sub3A_341 : vector<16xi32>
      %gt3A_343 = arith.cmpi sgt, %select_n3A_338, %broadcast_in_dim3A_58 : vector<16xi32>
      %gt3A_344 = arith.cmpi sgt, %mul3A_342, %broadcast_in_dim3A_58 : vector<16xi32>
      %select_n3A_345 = arith.select %gt3A_344, %get3A_334, %select_n3A_321 : vector<16xi1>, vector<16xf32>
      %select_n3A_346 = arith.select %gt3A_343, %select_n3A_327, %select_n3A_345 : vector<16xi1>, vector<16xf32>
      %gt3A_347 = arith.cmpi sgt, %select_n3A_338, %broadcast_in_dim3A_58 : vector<16xi32>
      %gt3A_348 = arith.cmpi sgt, %mul3A_342, %broadcast_in_dim3A_58 : vector<16xi32>
      %select_n3A_349 = arith.select %gt3A_348, %broadcast_in_dim3A_336, %select_n3A_325 : vector<16xi1>, vector<16xi32>
      %select_n3A_350 = arith.select %gt3A_347, %select_n3A_329, %select_n3A_349 : vector<16xi1>, vector<16xi32>
      %gt3A_351 = arith.cmpi sgt, %select_n3A_338, %broadcast_in_dim3A_58 : vector<16xi32>
      %select_n3A_352 = arith.select %gt3A_351, %get3A_334, %select_n3A_327 : vector<16xi1>, vector<16xf32>
      %gt3A_353 = arith.cmpi sgt, %select_n3A_338, %broadcast_in_dim3A_58 : vector<16xi32>
      %select_n3A_354 = arith.select %gt3A_353, %broadcast_in_dim3A_336, %select_n3A_329 : vector<16xi1>, vector<16xi32>
      %get3A_355 = arith.constant 12 : i32
      %get3A_356 = arith.index_cast %get3A_355 : i32 to index
      %get3A_357 = arith.constant 0 : index
      %get3A_358 = tpu.vector_load %arg4[%get3A_356, %get3A_357] {strides = array<i32>} : memref<16x16xf32, #tpu.memory_space<vmem>>, vector<1x16xf32>,
      %get3A_359 = vector.shape_cast %get3A_358 : vector<1x16xf32> to vector<16xf32>
      %broadcast_in_dim3A_360 = arith.constant 12 : i32
      %broadcast_in_dim3A_361 = vector.broadcast %broadcast_in_dim3A_360 : i32 to vector<16xi32>
      %gt3A_362 = arith.cmpf ogt, %get3A_359, %select_n3A_352 : vector<16xf32>
      %select_n3A_363 = arith.select %gt3A_362, %broadcast_in_dim3A_56, %broadcast_in_dim3A_58 : vector<16xi1>, vector<16xi32>
      %gt3A_364 = arith.cmpf ogt, %get3A_359, %select_n3A_346 : vector<16xf32>
      %select_n3A_365 = arith.select %gt3A_364, %broadcast_in_dim3A_56, %broadcast_in_dim3A_58 : vector<16xi1>, vector<16xi32>
      %sub3A_366 = arith.subi %broadcast_in_dim3A_56, %select_n3A_363 : vector<16xi32>
      %mul3A_367 = arith.muli %select_n3A_365, %sub3A_366 : vector<16xi32>
      %gt3A_368 = arith.cmpi sgt, %select_n3A_363, %broadcast_in_dim3A_58 : vector<16xi32>
      %gt3A_369 = arith.cmpi sgt, %mul3A_367, %broadcast_in_dim3A_58 : vector<16xi32>
      %select_n3A_370 = arith.select %gt3A_369, %get3A_359, %select_n3A_346 : vector<16xi1>, vector<16xf32>
      %select_n3A_371 = arith.select %gt3A_368, %select_n3A_352, %select_n3A_370 : vector<16xi1>, vector<16xf32>
      %gt3A_372 = arith.cmpi sgt, %select_n3A_363, %broadcast_in_dim3A_58 : vector<16xi32>
      %gt3A_373 = arith.cmpi sgt, %mul3A_367, %broadcast_in_dim3A_58 : vector<16xi32>
      %select_n3A_374 = arith.select %gt3A_373, %broadcast_in_dim3A_361, %select_n3A_350 : vector<16xi1>, vector<16xi32>
      %select_n3A_375 = arith.select %gt3A_372, %select_n3A_354, %select_n3A_374 : vector<16xi1>, vector<16xi32>
      %gt3A_376 = arith.cmpi sgt, %select_n3A_363, %broadcast_in_dim3A_58 : vector<16xi32>
      %select_n3A_377 = arith.select %gt3A_376, %get3A_359, %select_n3A_352 : vector<16xi1>, vector<16xf32>
      %gt3A_378 = arith.cmpi sgt, %select_n3A_363, %broadcast_in_dim3A_58 : vector<16xi32>
      %select_n3A_379 = arith.select %gt3A_378, %broadcast_in_dim3A_361, %select_n3A_354 : vector<16xi1>, vector<16xi32>
      %get3A_380 = arith.constant 13 : i32
      %get3A_381 = arith.index_cast %get3A_380 : i32 to index
      %get3A_382 = arith.constant 0 : index
      %get3A_383 = tpu.vector_load %arg4[%get3A_381, %get3A_382] {strides = array<i32>} : memref<16x16xf32, #tpu.memory_space<vmem>>, vector<1x16xf32>,
      %get3A_384 = vector.shape_cast %get3A_383 : vector<1x16xf32> to vector<16xf32>
      %broadcast_in_dim3A_385 = arith.constant 13 : i32
      %broadcast_in_dim3A_386 = vector.broadcast %broadcast_in_dim3A_385 : i32 to vector<16xi32>
      %gt3A_387 = arith.cmpf ogt, %get3A_384, %select_n3A_377 : vector<16xf32>
      %select_n3A_388 = arith.select %gt3A_387, %broadcast_in_dim3A_56, %broadcast_in_dim3A_58 : vector<16xi1>, vector<16xi32>
      %gt3A_389 = arith.cmpf ogt, %get3A_384, %select_n3A_371 : vector<16xf32>
      %select_n3A_390 = arith.select %gt3A_389, %broadcast_in_dim3A_56, %broadcast_in_dim3A_58 : vector<16xi1>, vector<16xi32>
      %sub3A_391 = arith.subi %broadcast_in_dim3A_56, %select_n3A_388 : vector<16xi32>
      %mul3A_392 = arith.muli %select_n3A_390, %sub3A_391 : vector<16xi32>
      %gt3A_393 = arith.cmpi sgt, %select_n3A_388, %broadcast_in_dim3A_58 : vector<16xi32>
      %gt3A_394 = arith.cmpi sgt, %mul3A_392, %broadcast_in_dim3A_58 : vector<16xi32>
      %select_n3A_395 = arith.select %gt3A_394, %get3A_384, %select_n3A_371 : vector<16xi1>, vector<16xf32>
      %select_n3A_396 = arith.select %gt3A_393, %select_n3A_377, %select_n3A_395 : vector<16xi1>, vector<16xf32>
      %gt3A_397 = arith.cmpi sgt, %select_n3A_388, %broadcast_in_dim3A_58 : vector<16xi32>
      %gt3A_398 = arith.cmpi sgt, %mul3A_392, %broadcast_in_dim3A_58 : vector<16xi32>
      %select_n3A_399 = arith.select %gt3A_398, %broadcast_in_dim3A_386, %select_n3A_375 : vector<16xi1>, vector<16xi32>
      %select_n3A_400 = arith.select %gt3A_397, %select_n3A_379, %select_n3A_399 : vector<16xi1>, vector<16xi32>
      %gt3A_401 = arith.cmpi sgt, %select_n3A_388, %broadcast_in_dim3A_58 : vector<16xi32>
      %select_n3A_402 = arith.select %gt3A_401, %get3A_384, %select_n3A_377 : vector<16xi1>, vector<16xf32>
      %gt3A_403 = arith.cmpi sgt, %select_n3A_388, %broadcast_in_dim3A_58 : vector<16xi32>
      %select_n3A_404 = arith.select %gt3A_403, %broadcast_in_dim3A_386, %select_n3A_379 : vector<16xi1>, vector<16xi32>
      %get3A_405 = arith.constant 14 : i32
      %get3A_406 = arith.index_cast %get3A_405 : i32 to index
      %get3A_407 = arith.constant 0 : index
      %get3A_408 = tpu.vector_load %arg4[%get3A_406, %get3A_407] {strides = array<i32>} : memref<16x16xf32, #tpu.memory_space<vmem>>, vector<1x16xf32>,
      %get3A_409 = vector.shape_cast %get3A_408 : vector<1x16xf32> to vector<16xf32>
      %broadcast_in_dim3A_410 = arith.constant 14 : i32
      %broadcast_in_dim3A_411 = vector.broadcast %broadcast_in_dim3A_410 : i32 to vector<16xi32>
      %gt3A_412 = arith.cmpf ogt, %get3A_409, %select_n3A_402 : vector<16xf32>
      %select_n3A_413 = arith.select %gt3A_412, %broadcast_in_dim3A_56, %broadcast_in_dim3A_58 : vector<16xi1>, vector<16xi32>
      %gt3A_414 = arith.cmpf ogt, %get3A_409, %select_n3A_396 : vector<16xf32>
      %select_n3A_415 = arith.select %gt3A_414, %broadcast_in_dim3A_56, %broadcast_in_dim3A_58 : vector<16xi1>, vector<16xi32>
      %sub3A_416 = arith.subi %broadcast_in_dim3A_56, %select_n3A_413 : vector<16xi32>
      %mul3A_417 = arith.muli %select_n3A_415, %sub3A_416 : vector<16xi32>
      %gt3A_418 = arith.cmpi sgt, %select_n3A_413, %broadcast_in_dim3A_58 : vector<16xi32>
      %gt3A_419 = arith.cmpi sgt, %mul3A_417, %broadcast_in_dim3A_58 : vector<16xi32>
      %select_n3A_420 = arith.select %gt3A_419, %get3A_409, %select_n3A_396 : vector<16xi1>, vector<16xf32>
      %select_n3A_421 = arith.select %gt3A_418, %select_n3A_402, %select_n3A_420 : vector<16xi1>, vector<16xf32>
      %gt3A_422 = arith.cmpi sgt, %select_n3A_413, %broadcast_in_dim3A_58 : vector<16xi32>
      %gt3A_423 = arith.cmpi sgt, %mul3A_417, %broadcast_in_dim3A_58 : vector<16xi32>
      %select_n3A_424 = arith.select %gt3A_423, %broadcast_in_dim3A_411, %select_n3A_400 : vector<16xi1>, vector<16xi32>
      %select_n3A_425 = arith.select %gt3A_422, %select_n3A_404, %select_n3A_424 : vector<16xi1>, vector<16xi32>
      %gt3A_426 = arith.cmpi sgt, %select_n3A_413, %broadcast_in_dim3A_58 : vector<16xi32>
      %select_n3A_427 = arith.select %gt3A_426, %get3A_409, %select_n3A_402 : vector<16xi1>, vector<16xf32>
      %gt3A_428 = arith.cmpi sgt, %select_n3A_413, %broadcast_in_dim3A_58 : vector<16xi32>
      %select_n3A_429 = arith.select %gt3A_428, %broadcast_in_dim3A_411, %select_n3A_404 : vector<16xi1>, vector<16xi32>
      %get3A_430 = arith.constant 15 : i32
      %get3A_431 = arith.index_cast %get3A_430 : i32 to index
      %get3A_432 = arith.constant 0 : index
      %get3A_433 = tpu.vector_load %arg4[%get3A_431, %get3A_432] {strides = array<i32>} : memref<16x16xf32, #tpu.memory_space<vmem>>, vector<1x16xf32>,
      %get3A_434 = vector.shape_cast %get3A_433 : vector<1x16xf32> to vector<16xf32>
      %broadcast_in_dim3A_435 = arith.constant 15 : i32
      %broadcast_in_dim3A_436 = vector.broadcast %broadcast_in_dim3A_435 : i32 to vector<16xi32>
      %gt3A_437 = arith.cmpf ogt, %get3A_434, %select_n3A_427 : vector<16xf32>
      %select_n3A_438 = arith.select %gt3A_437, %broadcast_in_dim3A_56, %broadcast_in_dim3A_58 : vector<16xi1>, vector<16xi32>
      %gt3A_439 = arith.cmpf ogt, %get3A_434, %select_n3A_421 : vector<16xf32>
      %select_n3A_440 = arith.select %gt3A_439, %broadcast_in_dim3A_56, %broadcast_in_dim3A_58 : vector<16xi1>, vector<16xi32>
      %sub3A_441 = arith.subi %broadcast_in_dim3A_56, %select_n3A_438 : vector<16xi32>
      %mul3A_442 = arith.muli %select_n3A_440, %sub3A_441 : vector<16xi32>
      %gt3A_443 = arith.cmpi sgt, %select_n3A_438, %broadcast_in_dim3A_58 : vector<16xi32>
      %gt3A_444 = arith.cmpi sgt, %mul3A_442, %broadcast_in_dim3A_58 : vector<16xi32>
      %select_n3A_445 = arith.select %gt3A_444, %get3A_434, %select_n3A_421 : vector<16xi1>, vector<16xf32>
      %select_n3A_446 = arith.select %gt3A_443, %select_n3A_427, %select_n3A_445 : vector<16xi1>, vector<16xf32>
      %gt3A_447 = arith.cmpi sgt, %select_n3A_438, %broadcast_in_dim3A_58 : vector<16xi32>
      %gt3A_448 = arith.cmpi sgt, %mul3A_442, %broadcast_in_dim3A_58 : vector<16xi32>
      %select_n3A_449 = arith.select %gt3A_448, %broadcast_in_dim3A_436, %select_n3A_425 : vector<16xi1>, vector<16xi32>
      %select_n3A_450 = arith.select %gt3A_447, %select_n3A_429, %select_n3A_449 : vector<16xi1>, vector<16xi32>
      %gt3A_451 = arith.cmpi sgt, %select_n3A_438, %broadcast_in_dim3A_58 : vector<16xi32>
      %select_n3A_452 = arith.select %gt3A_451, %get3A_434, %select_n3A_427 : vector<16xi1>, vector<16xf32>
      %gt3A_453 = arith.cmpi sgt, %select_n3A_438, %broadcast_in_dim3A_58 : vector<16xi32>
      %select_n3A_454 = arith.select %gt3A_453, %broadcast_in_dim3A_436, %select_n3A_429 : vector<16xi1>, vector<16xi32>
      %sub3A_455 = arith.subf %select_n3A_446, %select_n3A_452 : vector<16xf32>
      %exp3A = math.exp %sub3A_455 : vector<16xf32>
      %add3A_456 = arith.constant 1.000000e+00 : f32
      %add3A_457 = vector.broadcast %add3A_456 : f32 to vector<16xf32>
      %add3A_458 = arith.addf %add3A_457, %exp3A : vector<16xf32>
      %div3A = arith.constant 1.000000e+00 : f32
      %div3A_459 = vector.broadcast %div3A : f32 to vector<16xf32>
      %div3A_460 = arith.divf %div3A_459, %add3A_458 : vector<16xf32>
      %add3A_461 = arith.constant 1.000000e+00 : f32
      %add3A_462 = vector.broadcast %add3A_461 : f32 to vector<16xf32>
      %add3A_463 = arith.addf %add3A_462, %exp3A : vector<16xf32>
      %div3A_464 = arith.divf %exp3A, %add3A_463 : vector<16xf32>
      %broadcast_in_dim3A_465 = arith.constant 0 : i32
      %broadcast_in_dim3A_466 = vector.broadcast %broadcast_in_dim3A_465 : i32 to vector<16xi32>
      %eq3A = arith.cmpi eq, %select_n3A_454, %broadcast_in_dim3A_466 : vector<16xi32>
      %jit3A = arith.constant 0.000000e+00 : f32
      %broadcast_in_dim3A_467 = vector.broadcast %jit3A : f32 to vector<16xf32>
      %select_n3A_468 = arith.select %eq3A, %div3A_460, %broadcast_in_dim3A_467 : vector<16xi1>, vector<16xf32>
      %eq3A_469 = arith.cmpi eq, %select_n3A_450, %broadcast_in_dim3A_466 : vector<16xi32>
      %jit3A_470 = arith.constant 0.000000e+00 : f32
      %broadcast_in_dim3A_471 = vector.broadcast %jit3A_470 : f32 to vector<16xf32>
      %select_n3A_472 = arith.select %eq3A_469, %div3A_464, %broadcast_in_dim3A_471 : vector<16xi1>, vector<16xf32>
      %add3A_473 = arith.addf %select_n3A_468, %select_n3A_472 : vector<16xf32>
      %swap3A = arith.constant 0 : i32
      %swap3A_474 = arith.index_cast %swap3A : i32 to index
      %swap3A_475 = arith.constant 0 : index
      %swap3A_476 = tpu.vector_load %arg5[%swap3A_474, %swap3A_475] {strides = array<i32>} : memref<16x16xf32, #tpu.memory_space<vmem>>, vector<1x16xf32>,
      %swap3A_477 = vector.shape_cast %swap3A_476 : vector<1x16xf32> to vector<16xf32>
      %swap3A_478 = vector.shape_cast %add3A_473 : vector<16xf32> to vector<1x16xf32>
      tpu.vector_store %arg5[%swap3A_474, %swap3A_475], %swap3A_478 {strides = array<i32>} : memref<16x16xf32, #tpu.memory_space<vmem>>, vector<1x16xf32>,
      %broadcast_in_dim3A_479 = arith.constant 1 : i32
      %broadcast_in_dim3A_480 = vector.broadcast %broadcast_in_dim3A_479 : i32 to vector<16xi32>
      %eq3A_481 = arith.cmpi eq, %select_n3A_454, %broadcast_in_dim3A_480 : vector<16xi32>
      %jit3A_482 = arith.constant 0.000000e+00 : f32
      %broadcast_in_dim3A_483 = vector.broadcast %jit3A_482 : f32 to vector<16xf32>
      %select_n3A_484 = arith.select %eq3A_481, %div3A_460, %broadcast_in_dim3A_483 : vector<16xi1>, vector<16xf32>
      %eq3A_485 = arith.cmpi eq, %select_n3A_450, %broadcast_in_dim3A_480 : vector<16xi32>
      %jit3A_486 = arith.constant 0.000000e+00 : f32
      %broadcast_in_dim3A_487 = vector.broadcast %jit3A_486 : f32 to vector<16xf32>
      %select_n3A_488 = arith.select %eq3A_485, %div3A_464, %broadcast_in_dim3A_487 : vector<16xi1>, vector<16xf32>
      %add3A_489 = arith.addf %select_n3A_484, %select_n3A_488 : vector<16xf32>
      %swap3A_490 = arith.constant 1 : i32
      %swap3A_491 = arith.index_cast %swap3A_490 : i32 to index
      %swap3A_492 = arith.constant 0 : index
      %swap3A_493 = tpu.vector_load %arg5[%swap3A_491, %swap3A_492] {strides = array<i32>} : memref<16x16xf32, #tpu.memory_space<vmem>>, vector<1x16xf32>,
      %swap3A_494 = vector.shape_cast %swap3A_493 : vector<1x16xf32> to vector<16xf32>
      %swap3A_495 = vector.shape_cast %add3A_489 : vector<16xf32> to vector<1x16xf32>
      tpu.vector_store %arg5[%swap3A_491, %swap3A_492], %swap3A_495 {strides = array<i32>} : memref<16x16xf32, #tpu.memory_space<vmem>>, vector<1x16xf32>,
      %broadcast_in_dim3A_496 = arith.constant 2 : i32
      %broadcast_in_dim3A_497 = vector.broadcast %broadcast_in_dim3A_496 : i32 to vector<16xi32>
      %eq3A_498 = arith.cmpi eq, %select_n3A_454, %broadcast_in_dim3A_497 : vector<16xi32>
      %jit3A_499 = arith.constant 0.000000e+00 : f32
      %broadcast_in_dim3A_500 = vector.broadcast %jit3A_499 : f32 to vector<16xf32>
      %select_n3A_501 = arith.select %eq3A_498, %div3A_460, %broadcast_in_dim3A_500 : vector<16xi1>, vector<16xf32>
      %eq3A_502 = arith.cmpi eq, %select_n3A_450, %broadcast_in_dim3A_497 : vector<16xi32>
      %jit3A_503 = arith.constant 0.000000e+00 : f32
      %broadcast_in_dim3A_504 = vector.broadcast %jit3A_503 : f32 to vector<16xf32>
      %select_n3A_505 = arith.select %eq3A_502, %div3A_464, %broadcast_in_dim3A_504 : vector<16xi1>, vector<16xf32>
      %add3A_506 = arith.addf %select_n3A_501, %select_n3A_505 : vector<16xf32>
      %swap3A_507 = arith.constant 2 : i32
      %swap3A_508 = arith.index_cast %swap3A_507 : i32 to index
      %swap3A_509 = arith.constant 0 : index
      %swap3A_510 = tpu.vector_load %arg5[%swap3A_508, %swap3A_509] {strides = array<i32>} : memref<16x16xf32, #tpu.memory_space<vmem>>, vector<1x16xf32>,
      %swap3A_511 = vector.shape_cast %swap3A_510 : vector<1x16xf32> to vector<16xf32>
      %swap3A_512 = vector.shape_cast %add3A_506 : vector<16xf32> to vector<1x16xf32>
      tpu.vector_store %arg5[%swap3A_508, %swap3A_509], %swap3A_512 {strides = array<i32>} : memref<16x16xf32, #tpu.memory_space<vmem>>, vector<1x16xf32>,
      %broadcast_in_dim3A_513 = arith.constant 3 : i32
      %broadcast_in_dim3A_514 = vector.broadcast %broadcast_in_dim3A_513 : i32 to vector<16xi32>
      %eq3A_515 = arith.cmpi eq, %select_n3A_454, %broadcast_in_dim3A_514 : vector<16xi32>
      %jit3A_516 = arith.constant 0.000000e+00 : f32
      %broadcast_in_dim3A_517 = vector.broadcast %jit3A_516 : f32 to vector<16xf32>
      %select_n3A_518 = arith.select %eq3A_515, %div3A_460, %broadcast_in_dim3A_517 : vector<16xi1>, vector<16xf32>
      %eq3A_519 = arith.cmpi eq, %select_n3A_450, %broadcast_in_dim3A_514 : vector<16xi32>
      %jit3A_520 = arith.constant 0.000000e+00 : f32
      %broadcast_in_dim3A_521 = vector.broadcast %jit3A_520 : f32 to vector<16xf32>
      %select_n3A_522 = arith.select %eq3A_519, %div3A_464, %broadcast_in_dim3A_521 : vector<16xi1>, vector<16xf32>
      %add3A_523 = arith.addf %select_n3A_518, %select_n3A_522 : vector<16xf32>
      %swap3A_524 = arith.constant 3 : i32
      %swap3A_525 = arith.index_cast %swap3A_524 : i32 to index
      %swap3A_526 = arith.constant 0 : index
      %swap3A_527 = tpu.vector_load %arg5[%swap3A_525, %swap3A_526] {strides = array<i32>} : memref<16x16xf32, #tpu.memory_space<vmem>>, vector<1x16xf32>,
      %swap3A_528 = vector.shape_cast %swap3A_527 : vector<1x16xf32> to vector<16xf32>
      %swap3A_529 = vector.shape_cast %add3A_523 : vector<16xf32> to vector<1x16xf32>
      tpu.vector_store %arg5[%swap3A_525, %swap3A_526], %swap3A_529 {strides = array<i32>} : memref<16x16xf32, #tpu.memory_space<vmem>>, vector<1x16xf32>,
      %broadcast_in_dim3A_530 = arith.constant 4 : i32
      %broadcast_in_dim3A_531 = vector.broadcast %broadcast_in_dim3A_530 : i32 to vector<16xi32>
      %eq3A_532 = arith.cmpi eq, %select_n3A_454, %broadcast_in_dim3A_531 : vector<16xi32>
      %jit3A_533 = arith.constant 0.000000e+00 : f32
      %broadcast_in_dim3A_534 = vector.broadcast %jit3A_533 : f32 to vector<16xf32>
      %select_n3A_535 = arith.select %eq3A_532, %div3A_460, %broadcast_in_dim3A_534 : vector<16xi1>, vector<16xf32>
      %eq3A_536 = arith.cmpi eq, %select_n3A_450, %broadcast_in_dim3A_531 : vector<16xi32>
      %jit3A_537 = arith.constant 0.000000e+00 : f32
      %broadcast_in_dim3A_538 = vector.broadcast %jit3A_537 : f32 to vector<16xf32>
      %select_n3A_539 = arith.select %eq3A_536, %div3A_464, %broadcast_in_dim3A_538 : vector<16xi1>, vector<16xf32>
      %add3A_540 = arith.addf %select_n3A_535, %select_n3A_539 : vector<16xf32>
      %swap3A_541 = arith.constant 4 : i32
      %swap3A_542 = arith.index_cast %swap3A_541 : i32 to index
      %swap3A_543 = arith.constant 0 : index
      %swap3A_544 = tpu.vector_load %arg5[%swap3A_542, %swap3A_543] {strides = array<i32>} : memref<16x16xf32, #tpu.memory_space<vmem>>, vector<1x16xf32>,
      %swap3A_545 = vector.shape_cast %swap3A_544 : vector<1x16xf32> to vector<16xf32>
      %swap3A_546 = vector.shape_cast %add3A_540 : vector<16xf32> to vector<1x16xf32>
      tpu.vector_store %arg5[%swap3A_542, %swap3A_543], %swap3A_546 {strides = array<i32>} : memref<16x16xf32, #tpu.memory_space<vmem>>, vector<1x16xf32>,
      %broadcast_in_dim3A_547 = arith.constant 5 : i32
      %broadcast_in_dim3A_548 = vector.broadcast %broadcast_in_dim3A_547 : i32 to vector<16xi32>
      %eq3A_549 = arith.cmpi eq, %select_n3A_454, %broadcast_in_dim3A_548 : vector<16xi32>
      %jit3A_550 = arith.constant 0.000000e+00 : f32
      %broadcast_in_dim3A_551 = vector.broadcast %jit3A_550 : f32 to vector<16xf32>
      %select_n3A_552 = arith.select %eq3A_549, %div3A_460, %broadcast_in_dim3A_551 : vector<16xi1>, vector<16xf32>
      %eq3A_553 = arith.cmpi eq, %select_n3A_450, %broadcast_in_dim3A_548 : vector<16xi32>
      %jit3A_554 = arith.constant 0.000000e+00 : f32
      %broadcast_in_dim3A_555 = vector.broadcast %jit3A_554 : f32 to vector<16xf32>
      %select_n3A_556 = arith.select %eq3A_553, %div3A_464, %broadcast_in_dim3A_555 : vector<16xi1>, vector<16xf32>
      %add3A_557 = arith.addf %select_n3A_552, %select_n3A_556 : vector<16xf32>
      %swap3A_558 = arith.constant 5 : i32
      %swap3A_559 = arith.index_cast %swap3A_558 : i32 to index
      %swap3A_560 = arith.constant 0 : index
      %swap3A_561 = tpu.vector_load %arg5[%swap3A_559, %swap3A_560] {strides = array<i32>} : memref<16x16xf32, #tpu.memory_space<vmem>>, vector<1x16xf32>,
      %swap3A_562 = vector.shape_cast %swap3A_561 : vector<1x16xf32> to vector<16xf32>
      %swap3A_563 = vector.shape_cast %add3A_557 : vector<16xf32> to vector<1x16xf32>
      tpu.vector_store %arg5[%swap3A_559, %swap3A_560], %swap3A_563 {strides = array<i32>} : memref<16x16xf32, #tpu.memory_space<vmem>>, vector<1x16xf32>,
      %broadcast_in_dim3A_564 = arith.constant 6 : i32
      %broadcast_in_dim3A_565 = vector.broadcast %broadcast_in_dim3A_564 : i32 to vector<16xi32>
      %eq3A_566 = arith.cmpi eq, %select_n3A_454, %broadcast_in_dim3A_565 : vector<16xi32>
      %jit3A_567 = arith.constant 0.000000e+00 : f32
      %broadcast_in_dim3A_568 = vector.broadcast %jit3A_567 : f32 to vector<16xf32>
      %select_n3A_569 = arith.select %eq3A_566, %div3A_460, %broadcast_in_dim3A_568 : vector<16xi1>, vector<16xf32>
      %eq3A_570 = arith.cmpi eq, %select_n3A_450, %broadcast_in_dim3A_565 : vector<16xi32>
      %jit3A_571 = arith.constant 0.000000e+00 : f32
      %broadcast_in_dim3A_572 = vector.broadcast %jit3A_571 : f32 to vector<16xf32>
      %select_n3A_573 = arith.select %eq3A_570, %div3A_464, %broadcast_in_dim3A_572 : vector<16xi1>, vector<16xf32>
      %add3A_574 = arith.addf %select_n3A_569, %select_n3A_573 : vector<16xf32>
      %swap3A_575 = arith.constant 6 : i32
      %swap3A_576 = arith.index_cast %swap3A_575 : i32 to index
      %swap3A_577 = arith.constant 0 : index
      %swap3A_578 = tpu.vector_load %arg5[%swap3A_576, %swap3A_577] {strides = array<i32>} : memref<16x16xf32, #tpu.memory_space<vmem>>, vector<1x16xf32>,
      %swap3A_579 = vector.shape_cast %swap3A_578 : vector<1x16xf32> to vector<16xf32>
      %swap3A_580 = vector.shape_cast %add3A_574 : vector<16xf32> to vector<1x16xf32>
      tpu.vector_store %arg5[%swap3A_576, %swap3A_577], %swap3A_580 {strides = array<i32>} : memref<16x16xf32, #tpu.memory_space<vmem>>, vector<1x16xf32>,
      %broadcast_in_dim3A_581 = arith.constant 7 : i32
      %broadcast_in_dim3A_582 = vector.broadcast %broadcast_in_dim3A_581 : i32 to vector<16xi32>
      %eq3A_583 = arith.cmpi eq, %select_n3A_454, %broadcast_in_dim3A_582 : vector<16xi32>
      %jit3A_584 = arith.constant 0.000000e+00 : f32
      %broadcast_in_dim3A_585 = vector.broadcast %jit3A_584 : f32 to vector<16xf32>
      %select_n3A_586 = arith.select %eq3A_583, %div3A_460, %broadcast_in_dim3A_585 : vector<16xi1>, vector<16xf32>
      %eq3A_587 = arith.cmpi eq, %select_n3A_450, %broadcast_in_dim3A_582 : vector<16xi32>
      %jit3A_588 = arith.constant 0.000000e+00 : f32
      %broadcast_in_dim3A_589 = vector.broadcast %jit3A_588 : f32 to vector<16xf32>
      %select_n3A_590 = arith.select %eq3A_587, %div3A_464, %broadcast_in_dim3A_589 : vector<16xi1>, vector<16xf32>
      %add3A_591 = arith.addf %select_n3A_586, %select_n3A_590 : vector<16xf32>
      %swap3A_592 = arith.constant 7 : i32
      %swap3A_593 = arith.index_cast %swap3A_592 : i32 to index
      %swap3A_594 = arith.constant 0 : index
      %swap3A_595 = tpu.vector_load %arg5[%swap3A_593, %swap3A_594] {strides = array<i32>} : memref<16x16xf32, #tpu.memory_space<vmem>>, vector<1x16xf32>,
      %swap3A_596 = vector.shape_cast %swap3A_595 : vector<1x16xf32> to vector<16xf32>
      %swap3A_597 = vector.shape_cast %add3A_591 : vector<16xf32> to vector<1x16xf32>
      tpu.vector_store %arg5[%swap3A_593, %swap3A_594], %swap3A_597 {strides = array<i32>} : memref<16x16xf32, #tpu.memory_space<vmem>>, vector<1x16xf32>,
      %broadcast_in_dim3A_598 = arith.constant 8 : i32
      %broadcast_in_dim3A_599 = vector.broadcast %broadcast_in_dim3A_598 : i32 to vector<16xi32>
      %eq3A_600 = arith.cmpi eq, %select_n3A_454, %broadcast_in_dim3A_599 : vector<16xi32>
      %jit3A_601 = arith.constant 0.000000e+00 : f32
      %broadcast_in_dim3A_602 = vector.broadcast %jit3A_601 : f32 to vector<16xf32>
      %select_n3A_603 = arith.select %eq3A_600, %div3A_460, %broadcast_in_dim3A_602 : vector<16xi1>, vector<16xf32>
      %eq3A_604 = arith.cmpi eq, %select_n3A_450, %broadcast_in_dim3A_599 : vector<16xi32>
      %jit3A_605 = arith.constant 0.000000e+00 : f32
      %broadcast_in_dim3A_606 = vector.broadcast %jit3A_605 : f32 to vector<16xf32>
      %select_n3A_607 = arith.select %eq3A_604, %div3A_464, %broadcast_in_dim3A_606 : vector<16xi1>, vector<16xf32>
      %add3A_608 = arith.addf %select_n3A_603, %select_n3A_607 : vector<16xf32>
      %swap3A_609 = arith.constant 8 : i32
      %swap3A_610 = arith.index_cast %swap3A_609 : i32 to index
      %swap3A_611 = arith.constant 0 : index
      %swap3A_612 = tpu.vector_load %arg5[%swap3A_610, %swap3A_611] {strides = array<i32>} : memref<16x16xf32, #tpu.memory_space<vmem>>, vector<1x16xf32>,
      %swap3A_613 = vector.shape_cast %swap3A_612 : vector<1x16xf32> to vector<16xf32>
      %swap3A_614 = vector.shape_cast %add3A_608 : vector<16xf32> to vector<1x16xf32>
      tpu.vector_store %arg5[%swap3A_610, %swap3A_611], %swap3A_614 {strides = array<i32>} : memref<16x16xf32, #tpu.memory_space<vmem>>, vector<1x16xf32>,
      %broadcast_in_dim3A_615 = arith.constant 9 : i32
      %broadcast_in_dim3A_616 = vector.broadcast %broadcast_in_dim3A_615 : i32 to vector<16xi32>
      %eq3A_617 = arith.cmpi eq, %select_n3A_454, %broadcast_in_dim3A_616 : vector<16xi32>
      %jit3A_618 = arith.constant 0.000000e+00 : f32
      %broadcast_in_dim3A_619 = vector.broadcast %jit3A_618 : f32 to vector<16xf32>
      %select_n3A_620 = arith.select %eq3A_617, %div3A_460, %broadcast_in_dim3A_619 : vector<16xi1>, vector<16xf32>
      %eq3A_621 = arith.cmpi eq, %select_n3A_450, %broadcast_in_dim3A_616 : vector<16xi32>
      %jit3A_622 = arith.constant 0.000000e+00 : f32
      %broadcast_in_dim3A_623 = vector.broadcast %jit3A_622 : f32 to vector<16xf32>
      %select_n3A_624 = arith.select %eq3A_621, %div3A_464, %broadcast_in_dim3A_623 : vector<16xi1>, vector<16xf32>
      %add3A_625 = arith.addf %select_n3A_620, %select_n3A_624 : vector<16xf32>
      %swap3A_626 = arith.constant 9 : i32
      %swap3A_627 = arith.index_cast %swap3A_626 : i32 to index
      %swap3A_628 = arith.constant 0 : index
      %swap3A_629 = tpu.vector_load %arg5[%swap3A_627, %swap3A_628] {strides = array<i32>} : memref<16x16xf32, #tpu.memory_space<vmem>>, vector<1x16xf32>,
      %swap3A_630 = vector.shape_cast %swap3A_629 : vector<1x16xf32> to vector<16xf32>
      %swap3A_631 = vector.shape_cast %add3A_625 : vector<16xf32> to vector<1x16xf32>
      tpu.vector_store %arg5[%swap3A_627, %swap3A_628], %swap3A_631 {strides = array<i32>} : memref<16x16xf32, #tpu.memory_space<vmem>>, vector<1x16xf32>,
      %broadcast_in_dim3A_632 = arith.constant 10 : i32
      %broadcast_in_dim3A_633 = vector.broadcast %broadcast_in_dim3A_632 : i32 to vector<16xi32>
      %eq3A_634 = arith.cmpi eq, %select_n3A_454, %broadcast_in_dim3A_633 : vector<16xi32>
      %jit3A_635 = arith.constant 0.000000e+00 : f32
      %broadcast_in_dim3A_636 = vector.broadcast %jit3A_635 : f32 to vector<16xf32>
      %select_n3A_637 = arith.select %eq3A_634, %div3A_460, %broadcast_in_dim3A_636 : vector<16xi1>, vector<16xf32>
      %eq3A_638 = arith.cmpi eq, %select_n3A_450, %broadcast_in_dim3A_633 : vector<16xi32>
      %jit3A_639 = arith.constant 0.000000e+00 : f32
      %broadcast_in_dim3A_640 = vector.broadcast %jit3A_639 : f32 to vector<16xf32>
      %select_n3A_641 = arith.select %eq3A_638, %div3A_464, %broadcast_in_dim3A_640 : vector<16xi1>, vector<16xf32>
      %add3A_642 = arith.addf %select_n3A_637, %select_n3A_641 : vector<16xf32>
      %swap3A_643 = arith.constant 10 : i32
      %swap3A_644 = arith.index_cast %swap3A_643 : i32 to index
      %swap3A_645 = arith.constant 0 : index
      %swap3A_646 = tpu.vector_load %arg5[%swap3A_644, %swap3A_645] {strides = array<i32>} : memref<16x16xf32, #tpu.memory_space<vmem>>, vector<1x16xf32>,
      %swap3A_647 = vector.shape_cast %swap3A_646 : vector<1x16xf32> to vector<16xf32>
      %swap3A_648 = vector.shape_cast %add3A_642 : vector<16xf32> to vector<1x16xf32>
      tpu.vector_store %arg5[%swap3A_644, %swap3A_645], %swap3A_648 {strides = array<i32>} : memref<16x16xf32, #tpu.memory_space<vmem>>, vector<1x16xf32>,
      %broadcast_in_dim3A_649 = arith.constant 11 : i32
      %broadcast_in_dim3A_650 = vector.broadcast %broadcast_in_dim3A_649 : i32 to vector<16xi32>
      %eq3A_651 = arith.cmpi eq, %select_n3A_454, %broadcast_in_dim3A_650 : vector<16xi32>
      %jit3A_652 = arith.constant 0.000000e+00 : f32
      %broadcast_in_dim3A_653 = vector.broadcast %jit3A_652 : f32 to vector<16xf32>
      %select_n3A_654 = arith.select %eq3A_651, %div3A_460, %broadcast_in_dim3A_653 : vector<16xi1>, vector<16xf32>
      %eq3A_655 = arith.cmpi eq, %select_n3A_450, %broadcast_in_dim3A_650 : vector<16xi32>
      %jit3A_656 = arith.constant 0.000000e+00 : f32
      %broadcast_in_dim3A_657 = vector.broadcast %jit3A_656 : f32 to vector<16xf32>
      %select_n3A_658 = arith.select %eq3A_655, %div3A_464, %broadcast_in_dim3A_657 : vector<16xi1>, vector<16xf32>
      %add3A_659 = arith.addf %select_n3A_654, %select_n3A_658 : vector<16xf32>
      %swap3A_660 = arith.constant 11 : i32
      %swap3A_661 = arith.index_cast %swap3A_660 : i32 to index
      %swap3A_662 = arith.constant 0 : index
      %swap3A_663 = tpu.vector_load %arg5[%swap3A_661, %swap3A_662] {strides = array<i32>} : memref<16x16xf32, #tpu.memory_space<vmem>>, vector<1x16xf32>,
      %swap3A_664 = vector.shape_cast %swap3A_663 : vector<1x16xf32> to vector<16xf32>
      %swap3A_665 = vector.shape_cast %add3A_659 : vector<16xf32> to vector<1x16xf32>
      tpu.vector_store %arg5[%swap3A_661, %swap3A_662], %swap3A_665 {strides = array<i32>} : memref<16x16xf32, #tpu.memory_space<vmem>>, vector<1x16xf32>,
      %broadcast_in_dim3A_666 = arith.constant 12 : i32
      %broadcast_in_dim3A_667 = vector.broadcast %broadcast_in_dim3A_666 : i32 to vector<16xi32>
      %eq3A_668 = arith.cmpi eq, %select_n3A_454, %broadcast_in_dim3A_667 : vector<16xi32>
      %jit3A_669 = arith.constant 0.000000e+00 : f32
      %broadcast_in_dim3A_670 = vector.broadcast %jit3A_669 : f32 to vector<16xf32>
      %select_n3A_671 = arith.select %eq3A_668, %div3A_460, %broadcast_in_dim3A_670 : vector<16xi1>, vector<16xf32>
      %eq3A_672 = arith.cmpi eq, %select_n3A_450, %broadcast_in_dim3A_667 : vector<16xi32>
      %jit3A_673 = arith.constant 0.000000e+00 : f32
      %broadcast_in_dim3A_674 = vector.broadcast %jit3A_673 : f32 to vector<16xf32>
      %select_n3A_675 = arith.select %eq3A_672, %div3A_464, %broadcast_in_dim3A_674 : vector<16xi1>, vector<16xf32>
      %add3A_676 = arith.addf %select_n3A_671, %select_n3A_675 : vector<16xf32>
      %swap3A_677 = arith.constant 12 : i32
      %swap3A_678 = arith.index_cast %swap3A_677 : i32 to index
      %swap3A_679 = arith.constant 0 : index
      %swap3A_680 = tpu.vector_load %arg5[%swap3A_678, %swap3A_679] {strides = array<i32>} : memref<16x16xf32, #tpu.memory_space<vmem>>, vector<1x16xf32>,
      %swap3A_681 = vector.shape_cast %swap3A_680 : vector<1x16xf32> to vector<16xf32>
      %swap3A_682 = vector.shape_cast %add3A_676 : vector<16xf32> to vector<1x16xf32>
      tpu.vector_store %arg5[%swap3A_678, %swap3A_679], %swap3A_682 {strides = array<i32>} : memref<16x16xf32, #tpu.memory_space<vmem>>, vector<1x16xf32>,
      %broadcast_in_dim3A_683 = arith.constant 13 : i32
      %broadcast_in_dim3A_684 = vector.broadcast %broadcast_in_dim3A_683 : i32 to vector<16xi32>
      %eq3A_685 = arith.cmpi eq, %select_n3A_454, %broadcast_in_dim3A_684 : vector<16xi32>
      %jit3A_686 = arith.constant 0.000000e+00 : f32
      %broadcast_in_dim3A_687 = vector.broadcast %jit3A_686 : f32 to vector<16xf32>
      %select_n3A_688 = arith.select %eq3A_685, %div3A_460, %broadcast_in_dim3A_687 : vector<16xi1>, vector<16xf32>
      %eq3A_689 = arith.cmpi eq, %select_n3A_450, %broadcast_in_dim3A_684 : vector<16xi32>
      %jit3A_690 = arith.constant 0.000000e+00 : f32
      %broadcast_in_dim3A_691 = vector.broadcast %jit3A_690 : f32 to vector<16xf32>
      %select_n3A_692 = arith.select %eq3A_689, %div3A_464, %broadcast_in_dim3A_691 : vector<16xi1>, vector<16xf32>
      %add3A_693 = arith.addf %select_n3A_688, %select_n3A_692 : vector<16xf32>
      %swap3A_694 = arith.constant 13 : i32
      %swap3A_695 = arith.index_cast %swap3A_694 : i32 to index
      %swap3A_696 = arith.constant 0 : index
      %swap3A_697 = tpu.vector_load %arg5[%swap3A_695, %swap3A_696] {strides = array<i32>} : memref<16x16xf32, #tpu.memory_space<vmem>>, vector<1x16xf32>,
      %swap3A_698 = vector.shape_cast %swap3A_697 : vector<1x16xf32> to vector<16xf32>
      %swap3A_699 = vector.shape_cast %add3A_693 : vector<16xf32> to vector<1x16xf32>
      tpu.vector_store %arg5[%swap3A_695, %swap3A_696], %swap3A_699 {strides = array<i32>} : memref<16x16xf32, #tpu.memory_space<vmem>>, vector<1x16xf32>,
      %broadcast_in_dim3A_700 = arith.constant 14 : i32
      %broadcast_in_dim3A_701 = vector.broadcast %broadcast_in_dim3A_700 : i32 to vector<16xi32>
      %eq3A_702 = arith.cmpi eq, %select_n3A_454, %broadcast_in_dim3A_701 : vector<16xi32>
      %jit3A_703 = arith.constant 0.000000e+00 : f32
      %broadcast_in_dim3A_704 = vector.broadcast %jit3A_703 : f32 to vector<16xf32>
      %select_n3A_705 = arith.select %eq3A_702, %div3A_460, %broadcast_in_dim3A_704 : vector<16xi1>, vector<16xf32>
      %eq3A_706 = arith.cmpi eq, %select_n3A_450, %broadcast_in_dim3A_701 : vector<16xi32>
      %jit3A_707 = arith.constant 0.000000e+00 : f32
      %broadcast_in_dim3A_708 = vector.broadcast %jit3A_707 : f32 to vector<16xf32>
      %select_n3A_709 = arith.select %eq3A_706, %div3A_464, %broadcast_in_dim3A_708 : vector<16xi1>, vector<16xf32>
      %add3A_710 = arith.addf %select_n3A_705, %select_n3A_709 : vector<16xf32>
      %swap3A_711 = arith.constant 14 : i32
      %swap3A_712 = arith.index_cast %swap3A_711 : i32 to index
      %swap3A_713 = arith.constant 0 : index
      %swap3A_714 = tpu.vector_load %arg5[%swap3A_712, %swap3A_713] {strides = array<i32>} : memref<16x16xf32, #tpu.memory_space<vmem>>, vector<1x16xf32>,
      %swap3A_715 = vector.shape_cast %swap3A_714 : vector<1x16xf32> to vector<16xf32>
      %swap3A_716 = vector.shape_cast %add3A_710 : vector<16xf32> to vector<1x16xf32>
      tpu.vector_store %arg5[%swap3A_712, %swap3A_713], %swap3A_716 {strides = array<i32>} : memref<16x16xf32, #tpu.memory_space<vmem>>, vector<1x16xf32>,
      %broadcast_in_dim3A_717 = arith.constant 15 : i32
      %broadcast_in_dim3A_718 = vector.broadcast %broadcast_in_dim3A_717 : i32 to vector<16xi32>
      %eq3A_719 = arith.cmpi eq, %select_n3A_454, %broadcast_in_dim3A_718 : vector<16xi32>
      %jit3A_720 = arith.constant 0.000000e+00 : f32
      %broadcast_in_dim3A_721 = vector.broadcast %jit3A_720 : f32 to vector<16xf32>
      %select_n3A_722 = arith.select %eq3A_719, %div3A_460, %broadcast_in_dim3A_721 : vector<16xi1>, vector<16xf32>
      %eq3A_723 = arith.cmpi eq, %select_n3A_450, %broadcast_in_dim3A_718 : vector<16xi32>
      %jit3A_724 = arith.constant 0.000000e+00 : f32
      %broadcast_in_dim3A_725 = vector.broadcast %jit3A_724 : f32 to vector<16xf32>
      %select_n3A_726 = arith.select %eq3A_723, %div3A_464, %broadcast_in_dim3A_725 : vector<16xi1>, vector<16xf32>
      %add3A_727 = arith.addf %select_n3A_722, %select_n3A_726 : vector<16xf32>
      %swap3A_728 = arith.constant 15 : i32
      %swap3A_729 = arith.index_cast %swap3A_728 : i32 to index
      %swap3A_730 = arith.constant 0 : index
      %swap3A_731 = tpu.vector_load %arg5[%swap3A_729, %swap3A_730] {strides = array<i32>} : memref<16x16xf32, #tpu.memory_space<vmem>>, vector<1x16xf32>,
      %swap3A_732 = vector.shape_cast %swap3A_731 : vector<1x16xf32> to vector<16xf32>
      %swap3A_733 = vector.shape_cast %add3A_727 : vector<16xf32> to vector<1x16xf32>
      tpu.vector_store %arg5[%swap3A_729, %swap3A_730], %swap3A_733 {strides = array<i32>} : memref<16x16xf32, #tpu.memory_space<vmem>>, vector<1x16xf32>,
      %run_scoped3A_734 = arith.constant 0 : i32
      %run_scoped3A_735 = arith.constant 0 : i32
      %run_scoped3A_736 = arith.constant 0 : i32
      "tpu.region"() ({
        %run_scoped3A_782 = tpu.sem_alloc : memref<!tpu.dma_semaphore, #tpu.memory_space<semaphore_mem>>
        %dma_start3A = arith.constant 0 : i32
        %dma_start3A_783 = tpu.memref_slice %arg5[%run_scoped3A_734, %dma_start3A] : memref<16x16xf32, #tpu.memory_space<vmem>> -> memref<1x16xf32, #tpu.memory_space<vmem>>
        %dma_start3A_784 = tpu.memref_squeeze %dma_start3A_783 : memref<1x16xf32, #tpu.memory_space<vmem>> -> memref<16xf32, #tpu.memory_space<vmem>>
        %dma_start3A_785 = tpu.memref_slice %arg3[%run_scoped3A_735, %run_scoped3A_736, %mul3A_2] : memref<16x1x256xf32, #tpu.memory_space<hbm>> -> memref<1x1x16xf32, #tpu.memory_space<hbm>>
        %dma_start3A_786 = tpu.memref_squeeze %dma_start3A_785 : memref<1x1x16xf32, #tpu.memory_space<hbm>> -> memref<16xf32, #tpu.memory_space<hbm>>
        %dma_start3A_787 = tpu.memref_slice %arg3[%run_scoped3A_735, %run_scoped3A_736, %mul3A_2] : memref<16x1x256xf32, #tpu.memory_space<hbm>> -> memref<1x1x16xf32, #tpu.memory_space<hbm>>
        %dma_start3A_788 = tpu.memref_squeeze %dma_start3A_787 : memref<1x1x16xf32, #tpu.memory_space<hbm>> -> memref<16xf32, #tpu.memory_space<hbm>>
        %dma_start3A_789 = arith.constant 0 : i32
        %dma_start3A_790 = tpu.memref_slice %arg5[%run_scoped3A_734, %dma_start3A_789] : memref<16x16xf32, #tpu.memory_space<vmem>> -> memref<1x16xf32, #tpu.memory_space<vmem>>
        %dma_start3A_791 = tpu.memref_squeeze %dma_start3A_790 : memref<1x16xf32, #tpu.memory_space<vmem>> -> memref<16xf32, #tpu.memory_space<vmem>>
        tpu.enqueue_dma source(%dma_start3A_791 : memref<16xf32, #tpu.memory_space<vmem>>) target(%dma_start3A_788 : memref<16xf32, #tpu.memory_space<hbm>>) target_semaphore(%run_scoped3A_782 : memref<!tpu.dma_semaphore, #tpu.memory_space<semaphore_mem>>)
        %dma_wait3A = arith.constant 0 : i32
        %dma_wait3A_792 = tpu.memref_slice %arg5[%run_scoped3A_734, %dma_wait3A] : memref<16x16xf32, #tpu.memory_space<vmem>> -> memref<1x16xf32, #tpu.memory_space<vmem>>
        %dma_wait3A_793 = tpu.memref_squeeze %dma_wait3A_792 : memref<1x16xf32, #tpu.memory_space<vmem>> -> memref<16xf32, #tpu.memory_space<vmem>>
        %dma_wait3A_794 = tpu.memref_slice %arg3[%run_scoped3A_735, %run_scoped3A_736, %mul3A_2] : memref<16x1x256xf32, #tpu.memory_space<hbm>> -> memref<1x1x16xf32, #tpu.memory_space<hbm>>
        %dma_wait3A_795 = tpu.memref_squeeze %dma_wait3A_794 : memref<1x1x16xf32, #tpu.memory_space<hbm>> -> memref<16xf32, #tpu.memory_space<hbm>>
        %dma_wait3A_796 = tpu.memref_slice %arg3[%run_scoped3A_735, %run_scoped3A_736, %mul3A_2] : memref<16x1x256xf32, #tpu.memory_space<hbm>> -> memref<1x1x16xf32, #tpu.memory_space<hbm>>
        %dma_wait3A_797 = tpu.memref_squeeze %dma_wait3A_796 : memref<1x1x16xf32, #tpu.memory_space<hbm>> -> memref<16xf32, #tpu.memory_space<hbm>>
        %dma_wait3A_798 = arith.constant 0 : i32
        %dma_wait3A_799 = tpu.memref_slice %arg5[%run_scoped3A_734, %dma_wait3A_798] : memref<16x16xf32, #tpu.memory_space<vmem>> -> memref<1x16xf32, #tpu.memory_space<vmem>>
        %dma_wait3A_800 = tpu.memref_squeeze %dma_wait3A_799 : memref<1x16xf32, #tpu.memory_space<vmem>> -> memref<16xf32, #tpu.memory_space<vmem>>
        tpu.wait_dma2 semaphore(%run_scoped3A_782 : memref<!tpu.dma_semaphore, #tpu.memory_space<semaphore_mem>>) src(%dma_wait3A_800 : memref<16xf32, #tpu.memory_space<vmem>>) dst(%dma_wait3A_797 : memref<16xf32, #tpu.memory_space<hbm>>)
        tpu.yield
      }) : () -> ()
      %run_scoped3A_737 = arith.constant 1 : i32
      %run_scoped3A_738 = arith.constant 1 : i32
      %run_scoped3A_739 = arith.constant 0 : i32
      "tpu.region"() ({
        %run_scoped3A_782 = tpu.sem_alloc : memref<!tpu.dma_semaphore, #tpu.memory_space<semaphore_mem>>
        %dma_start3A = arith.constant 0 : i32
        %dma_start3A_783 = tpu.memref_slice %arg5[%run_scoped3A_737, %dma_start3A] : memref<16x16xf32, #tpu.memory_space<vmem>> -> memref<1x16xf32, #tpu.memory_space<vmem>>
        %dma_start3A_784 = tpu.memref_squeeze %dma_start3A_783 : memref<1x16xf32, #tpu.memory_space<vmem>> -> memref<16xf32, #tpu.memory_space<vmem>>
        %dma_start3A_785 = tpu.memref_slice %arg3[%run_scoped3A_738, %run_scoped3A_739, %mul3A_2] : memref<16x1x256xf32, #tpu.memory_space<hbm>> -> memref<1x1x16xf32, #tpu.memory_space<hbm>>
        %dma_start3A_786 = tpu.memref_squeeze %dma_start3A_785 : memref<1x1x16xf32, #tpu.memory_space<hbm>> -> memref<16xf32, #tpu.memory_space<hbm>>
        %dma_start3A_787 = tpu.memref_slice %arg3[%run_scoped3A_738, %run_scoped3A_739, %mul3A_2] : memref<16x1x256xf32, #tpu.memory_space<hbm>> -> memref<1x1x16xf32, #tpu.memory_space<hbm>>
        %dma_start3A_788 = tpu.memref_squeeze %dma_start3A_787 : memref<1x1x16xf32, #tpu.memory_space<hbm>> -> memref<16xf32, #tpu.memory_space<hbm>>
        %dma_start3A_789 = arith.constant 0 : i32
        %dma_start3A_790 = tpu.memref_slice %arg5[%run_scoped3A_737, %dma_start3A_789] : memref<16x16xf32, #tpu.memory_space<vmem>> -> memref<1x16xf32, #tpu.memory_space<vmem>>
        %dma_start3A_791 = tpu.memref_squeeze %dma_start3A_790 : memref<1x16xf32, #tpu.memory_space<vmem>> -> memref<16xf32, #tpu.memory_space<vmem>>
        tpu.enqueue_dma source(%dma_start3A_791 : memref<16xf32, #tpu.memory_space<vmem>>) target(%dma_start3A_788 : memref<16xf32, #tpu.memory_space<hbm>>) target_semaphore(%run_scoped3A_782 : memref<!tpu.dma_semaphore, #tpu.memory_space<semaphore_mem>>)
        %dma_wait3A = arith.constant 0 : i32
        %dma_wait3A_792 = tpu.memref_slice %arg5[%run_scoped3A_737, %dma_wait3A] : memref<16x16xf32, #tpu.memory_space<vmem>> -> memref<1x16xf32, #tpu.memory_space<vmem>>
        %dma_wait3A_793 = tpu.memref_squeeze %dma_wait3A_792 : memref<1x16xf32, #tpu.memory_space<vmem>> -> memref<16xf32, #tpu.memory_space<vmem>>
        %dma_wait3A_794 = tpu.memref_slice %arg3[%run_scoped3A_738, %run_scoped3A_739, %mul3A_2] : memref<16x1x256xf32, #tpu.memory_space<hbm>> -> memref<1x1x16xf32, #tpu.memory_space<hbm>>
        %dma_wait3A_795 = tpu.memref_squeeze %dma_wait3A_794 : memref<1x1x16xf32, #tpu.memory_space<hbm>> -> memref<16xf32, #tpu.memory_space<hbm>>
        %dma_wait3A_796 = tpu.memref_slice %arg3[%run_scoped3A_738, %run_scoped3A_739, %mul3A_2] : memref<16x1x256xf32, #tpu.memory_space<hbm>> -> memref<1x1x16xf32, #tpu.memory_space<hbm>>
        %dma_wait3A_797 = tpu.memref_squeeze %dma_wait3A_796 : memref<1x1x16xf32, #tpu.memory_space<hbm>> -> memref<16xf32, #tpu.memory_space<hbm>>
        %dma_wait3A_798 = arith.constant 0 : i32
        %dma_wait3A_799 = tpu.memref_slice %arg5[%run_scoped3A_737, %dma_wait3A_798] : memref<16x16xf32, #tpu.memory_space<vmem>> -> memref<1x16xf32, #tpu.memory_space<vmem>>
        %dma_wait3A_800 = tpu.memref_squeeze %dma_wait3A_799 : memref<1x16xf32, #tpu.memory_space<vmem>> -> memref<16xf32, #tpu.memory_space<vmem>>
        tpu.wait_dma2 semaphore(%run_scoped3A_782 : memref<!tpu.dma_semaphore, #tpu.memory_space<semaphore_mem>>) src(%dma_wait3A_800 : memref<16xf32, #tpu.memory_space<vmem>>) dst(%dma_wait3A_797 : memref<16xf32, #tpu.memory_space<hbm>>)
        tpu.yield
      }) : () -> ()
      %run_scoped3A_740 = arith.constant 2 : i32
      %run_scoped3A_741 = arith.constant 2 : i32
      %run_scoped3A_742 = arith.constant 0 : i32
      "tpu.region"() ({
        %run_scoped3A_782 = tpu.sem_alloc : memref<!tpu.dma_semaphore, #tpu.memory_space<semaphore_mem>>
        %dma_start3A = arith.constant 0 : i32
        %dma_start3A_783 = tpu.memref_slice %arg5[%run_scoped3A_740, %dma_start3A] : memref<16x16xf32, #tpu.memory_space<vmem>> -> memref<1x16xf32, #tpu.memory_space<vmem>>
        %dma_start3A_784 = tpu.memref_squeeze %dma_start3A_783 : memref<1x16xf32, #tpu.memory_space<vmem>> -> memref<16xf32, #tpu.memory_space<vmem>>
        %dma_start3A_785 = tpu.memref_slice %arg3[%run_scoped3A_741, %run_scoped3A_742, %mul3A_2] : memref<16x1x256xf32, #tpu.memory_space<hbm>> -> memref<1x1x16xf32, #tpu.memory_space<hbm>>
        %dma_start3A_786 = tpu.memref_squeeze %dma_start3A_785 : memref<1x1x16xf32, #tpu.memory_space<hbm>> -> memref<16xf32, #tpu.memory_space<hbm>>
        %dma_start3A_787 = tpu.memref_slice %arg3[%run_scoped3A_741, %run_scoped3A_742, %mul3A_2] : memref<16x1x256xf32, #tpu.memory_space<hbm>> -> memref<1x1x16xf32, #tpu.memory_space<hbm>>
        %dma_start3A_788 = tpu.memref_squeeze %dma_start3A_787 : memref<1x1x16xf32, #tpu.memory_space<hbm>> -> memref<16xf32, #tpu.memory_space<hbm>>
        %dma_start3A_789 = arith.constant 0 : i32
        %dma_start3A_790 = tpu.memref_slice %arg5[%run_scoped3A_740, %dma_start3A_789] : memref<16x16xf32, #tpu.memory_space<vmem>> -> memref<1x16xf32, #tpu.memory_space<vmem>>
        %dma_start3A_791 = tpu.memref_squeeze %dma_start3A_790 : memref<1x16xf32, #tpu.memory_space<vmem>> -> memref<16xf32, #tpu.memory_space<vmem>>
        tpu.enqueue_dma source(%dma_start3A_791 : memref<16xf32, #tpu.memory_space<vmem>>) target(%dma_start3A_788 : memref<16xf32, #tpu.memory_space<hbm>>) target_semaphore(%run_scoped3A_782 : memref<!tpu.dma_semaphore, #tpu.memory_space<semaphore_mem>>)
        %dma_wait3A = arith.constant 0 : i32
        %dma_wait3A_792 = tpu.memref_slice %arg5[%run_scoped3A_740, %dma_wait3A] : memref<16x16xf32, #tpu.memory_space<vmem>> -> memref<1x16xf32, #tpu.memory_space<vmem>>
        %dma_wait3A_793 = tpu.memref_squeeze %dma_wait3A_792 : memref<1x16xf32, #tpu.memory_space<vmem>> -> memref<16xf32, #tpu.memory_space<vmem>>
        %dma_wait3A_794 = tpu.memref_slice %arg3[%run_scoped3A_741, %run_scoped3A_742, %mul3A_2] : memref<16x1x256xf32, #tpu.memory_space<hbm>> -> memref<1x1x16xf32, #tpu.memory_space<hbm>>
        %dma_wait3A_795 = tpu.memref_squeeze %dma_wait3A_794 : memref<1x1x16xf32, #tpu.memory_space<hbm>> -> memref<16xf32, #tpu.memory_space<hbm>>
        %dma_wait3A_796 = tpu.memref_slice %arg3[%run_scoped3A_741, %run_scoped3A_742, %mul3A_2] : memref<16x1x256xf32, #tpu.memory_space<hbm>> -> memref<1x1x16xf32, #tpu.memory_space<hbm>>
        %dma_wait3A_797 = tpu.memref_squeeze %dma_wait3A_796 : memref<1x1x16xf32, #tpu.memory_space<hbm>> -> memref<16xf32, #tpu.memory_space<hbm>>
        %dma_wait3A_798 = arith.constant 0 : i32
        %dma_wait3A_799 = tpu.memref_slice %arg5[%run_scoped3A_740, %dma_wait3A_798] : memref<16x16xf32, #tpu.memory_space<vmem>> -> memref<1x16xf32, #tpu.memory_space<vmem>>
        %dma_wait3A_800 = tpu.memref_squeeze %dma_wait3A_799 : memref<1x16xf32, #tpu.memory_space<vmem>> -> memref<16xf32, #tpu.memory_space<vmem>>
        tpu.wait_dma2 semaphore(%run_scoped3A_782 : memref<!tpu.dma_semaphore, #tpu.memory_space<semaphore_mem>>) src(%dma_wait3A_800 : memref<16xf32, #tpu.memory_space<vmem>>) dst(%dma_wait3A_797 : memref<16xf32, #tpu.memory_space<hbm>>)
        tpu.yield
      }) : () -> ()
      %run_scoped3A_743 = arith.constant 3 : i32
      %run_scoped3A_744 = arith.constant 3 : i32
      %run_scoped3A_745 = arith.constant 0 : i32
      "tpu.region"() ({
        %run_scoped3A_782 = tpu.sem_alloc : memref<!tpu.dma_semaphore, #tpu.memory_space<semaphore_mem>>
        %dma_start3A = arith.constant 0 : i32
        %dma_start3A_783 = tpu.memref_slice %arg5[%run_scoped3A_743, %dma_start3A] : memref<16x16xf32, #tpu.memory_space<vmem>> -> memref<1x16xf32, #tpu.memory_space<vmem>>
        %dma_start3A_784 = tpu.memref_squeeze %dma_start3A_783 : memref<1x16xf32, #tpu.memory_space<vmem>> -> memref<16xf32, #tpu.memory_space<vmem>>
        %dma_start3A_785 = tpu.memref_slice %arg3[%run_scoped3A_744, %run_scoped3A_745, %mul3A_2] : memref<16x1x256xf32, #tpu.memory_space<hbm>> -> memref<1x1x16xf32, #tpu.memory_space<hbm>>
        %dma_start3A_786 = tpu.memref_squeeze %dma_start3A_785 : memref<1x1x16xf32, #tpu.memory_space<hbm>> -> memref<16xf32, #tpu.memory_space<hbm>>
        %dma_start3A_787 = tpu.memref_slice %arg3[%run_scoped3A_744, %run_scoped3A_745, %mul3A_2] : memref<16x1x256xf32, #tpu.memory_space<hbm>> -> memref<1x1x16xf32, #tpu.memory_space<hbm>>
        %dma_start3A_788 = tpu.memref_squeeze %dma_start3A_787 : memref<1x1x16xf32, #tpu.memory_space<hbm>> -> memref<16xf32, #tpu.memory_space<hbm>>
        %dma_start3A_789 = arith.constant 0 : i32
        %dma_start3A_790 = tpu.memref_slice %arg5[%run_scoped3A_743, %dma_start3A_789] : memref<16x16xf32, #tpu.memory_space<vmem>> -> memref<1x16xf32, #tpu.memory_space<vmem>>
        %dma_start3A_791 = tpu.memref_squeeze %dma_start3A_790 : memref<1x16xf32, #tpu.memory_space<vmem>> -> memref<16xf32, #tpu.memory_space<vmem>>
        tpu.enqueue_dma source(%dma_start3A_791 : memref<16xf32, #tpu.memory_space<vmem>>) target(%dma_start3A_788 : memref<16xf32, #tpu.memory_space<hbm>>) target_semaphore(%run_scoped3A_782 : memref<!tpu.dma_semaphore, #tpu.memory_space<semaphore_mem>>)
        %dma_wait3A = arith.constant 0 : i32
        %dma_wait3A_792 = tpu.memref_slice %arg5[%run_scoped3A_743, %dma_wait3A] : memref<16x16xf32, #tpu.memory_space<vmem>> -> memref<1x16xf32, #tpu.memory_space<vmem>>
        %dma_wait3A_793 = tpu.memref_squeeze %dma_wait3A_792 : memref<1x16xf32, #tpu.memory_space<vmem>> -> memref<16xf32, #tpu.memory_space<vmem>>
        %dma_wait3A_794 = tpu.memref_slice %arg3[%run_scoped3A_744, %run_scoped3A_745, %mul3A_2] : memref<16x1x256xf32, #tpu.memory_space<hbm>> -> memref<1x1x16xf32, #tpu.memory_space<hbm>>
        %dma_wait3A_795 = tpu.memref_squeeze %dma_wait3A_794 : memref<1x1x16xf32, #tpu.memory_space<hbm>> -> memref<16xf32, #tpu.memory_space<hbm>>
        %dma_wait3A_796 = tpu.memref_slice %arg3[%run_scoped3A_744, %run_scoped3A_745, %mul3A_2] : memref<16x1x256xf32, #tpu.memory_space<hbm>> -> memref<1x1x16xf32, #tpu.memory_space<hbm>>
        %dma_wait3A_797 = tpu.memref_squeeze %dma_wait3A_796 : memref<1x1x16xf32, #tpu.memory_space<hbm>> -> memref<16xf32, #tpu.memory_space<hbm>>
        %dma_wait3A_798 = arith.constant 0 : i32
        %dma_wait3A_799 = tpu.memref_slice %arg5[%run_scoped3A_743, %dma_wait3A_798] : memref<16x16xf32, #tpu.memory_space<vmem>> -> memref<1x16xf32, #tpu.memory_space<vmem>>
        %dma_wait3A_800 = tpu.memref_squeeze %dma_wait3A_799 : memref<1x16xf32, #tpu.memory_space<vmem>> -> memref<16xf32, #tpu.memory_space<vmem>>
        tpu.wait_dma2 semaphore(%run_scoped3A_782 : memref<!tpu.dma_semaphore, #tpu.memory_space<semaphore_mem>>) src(%dma_wait3A_800 : memref<16xf32, #tpu.memory_space<vmem>>) dst(%dma_wait3A_797 : memref<16xf32, #tpu.memory_space<hbm>>)
        tpu.yield
      }) : () -> ()
      %run_scoped3A_746 = arith.constant 4 : i32
      %run_scoped3A_747 = arith.constant 4 : i32
      %run_scoped3A_748 = arith.constant 0 : i32
      "tpu.region"() ({
        %run_scoped3A_782 = tpu.sem_alloc : memref<!tpu.dma_semaphore, #tpu.memory_space<semaphore_mem>>
        %dma_start3A = arith.constant 0 : i32
        %dma_start3A_783 = tpu.memref_slice %arg5[%run_scoped3A_746, %dma_start3A] : memref<16x16xf32, #tpu.memory_space<vmem>> -> memref<1x16xf32, #tpu.memory_space<vmem>>
        %dma_start3A_784 = tpu.memref_squeeze %dma_start3A_783 : memref<1x16xf32, #tpu.memory_space<vmem>> -> memref<16xf32, #tpu.memory_space<vmem>>
        %dma_start3A_785 = tpu.memref_slice %arg3[%run_scoped3A_747, %run_scoped3A_748, %mul3A_2] : memref<16x1x256xf32, #tpu.memory_space<hbm>> -> memref<1x1x16xf32, #tpu.memory_space<hbm>>
        %dma_start3A_786 = tpu.memref_squeeze %dma_start3A_785 : memref<1x1x16xf32, #tpu.memory_space<hbm>> -> memref<16xf32, #tpu.memory_space<hbm>>
        %dma_start3A_787 = tpu.memref_slice %arg3[%run_scoped3A_747, %run_scoped3A_748, %mul3A_2] : memref<16x1x256xf32, #tpu.memory_space<hbm>> -> memref<1x1x16xf32, #tpu.memory_space<hbm>>
        %dma_start3A_788 = tpu.memref_squeeze %dma_start3A_787 : memref<1x1x16xf32, #tpu.memory_space<hbm>> -> memref<16xf32, #tpu.memory_space<hbm>>
        %dma_start3A_789 = arith.constant 0 : i32
        %dma_start3A_790 = tpu.memref_slice %arg5[%run_scoped3A_746, %dma_start3A_789] : memref<16x16xf32, #tpu.memory_space<vmem>> -> memref<1x16xf32, #tpu.memory_space<vmem>>
        %dma_start3A_791 = tpu.memref_squeeze %dma_start3A_790 : memref<1x16xf32, #tpu.memory_space<vmem>> -> memref<16xf32, #tpu.memory_space<vmem>>
        tpu.enqueue_dma source(%dma_start3A_791 : memref<16xf32, #tpu.memory_space<vmem>>) target(%dma_start3A_788 : memref<16xf32, #tpu.memory_space<hbm>>) target_semaphore(%run_scoped3A_782 : memref<!tpu.dma_semaphore, #tpu.memory_space<semaphore_mem>>)
        %dma_wait3A = arith.constant 0 : i32
        %dma_wait3A_792 = tpu.memref_slice %arg5[%run_scoped3A_746, %dma_wait3A] : memref<16x16xf32, #tpu.memory_space<vmem>> -> memref<1x16xf32, #tpu.memory_space<vmem>>
        %dma_wait3A_793 = tpu.memref_squeeze %dma_wait3A_792 : memref<1x16xf32, #tpu.memory_space<vmem>> -> memref<16xf32, #tpu.memory_space<vmem>>
        %dma_wait3A_794 = tpu.memref_slice %arg3[%run_scoped3A_747, %run_scoped3A_748, %mul3A_2] : memref<16x1x256xf32, #tpu.memory_space<hbm>> -> memref<1x1x16xf32, #tpu.memory_space<hbm>>
        %dma_wait3A_795 = tpu.memref_squeeze %dma_wait3A_794 : memref<1x1x16xf32, #tpu.memory_space<hbm>> -> memref<16xf32, #tpu.memory_space<hbm>>
        %dma_wait3A_796 = tpu.memref_slice %arg3[%run_scoped3A_747, %run_scoped3A_748, %mul3A_2] : memref<16x1x256xf32, #tpu.memory_space<hbm>> -> memref<1x1x16xf32, #tpu.memory_space<hbm>>
        %dma_wait3A_797 = tpu.memref_squeeze %dma_wait3A_796 : memref<1x1x16xf32, #tpu.memory_space<hbm>> -> memref<16xf32, #tpu.memory_space<hbm>>
        %dma_wait3A_798 = arith.constant 0 : i32
        %dma_wait3A_799 = tpu.memref_slice %arg5[%run_scoped3A_746, %dma_wait3A_798] : memref<16x16xf32, #tpu.memory_space<vmem>> -> memref<1x16xf32, #tpu.memory_space<vmem>>
        %dma_wait3A_800 = tpu.memref_squeeze %dma_wait3A_799 : memref<1x16xf32, #tpu.memory_space<vmem>> -> memref<16xf32, #tpu.memory_space<vmem>>
        tpu.wait_dma2 semaphore(%run_scoped3A_782 : memref<!tpu.dma_semaphore, #tpu.memory_space<semaphore_mem>>) src(%dma_wait3A_800 : memref<16xf32, #tpu.memory_space<vmem>>) dst(%dma_wait3A_797 : memref<16xf32, #tpu.memory_space<hbm>>)
        tpu.yield
      }) : () -> ()
      %run_scoped3A_749 = arith.constant 5 : i32
      %run_scoped3A_750 = arith.constant 5 : i32
      %run_scoped3A_751 = arith.constant 0 : i32
      "tpu.region"() ({
        %run_scoped3A_782 = tpu.sem_alloc : memref<!tpu.dma_semaphore, #tpu.memory_space<semaphore_mem>>
        %dma_start3A = arith.constant 0 : i32
        %dma_start3A_783 = tpu.memref_slice %arg5[%run_scoped3A_749, %dma_start3A] : memref<16x16xf32, #tpu.memory_space<vmem>> -> memref<1x16xf32, #tpu.memory_space<vmem>>
        %dma_start3A_784 = tpu.memref_squeeze %dma_start3A_783 : memref<1x16xf32, #tpu.memory_space<vmem>> -> memref<16xf32, #tpu.memory_space<vmem>>
        %dma_start3A_785 = tpu.memref_slice %arg3[%run_scoped3A_750, %run_scoped3A_751, %mul3A_2] : memref<16x1x256xf32, #tpu.memory_space<hbm>> -> memref<1x1x16xf32, #tpu.memory_space<hbm>>
        %dma_start3A_786 = tpu.memref_squeeze %dma_start3A_785 : memref<1x1x16xf32, #tpu.memory_space<hbm>> -> memref<16xf32, #tpu.memory_space<hbm>>
        %dma_start3A_787 = tpu.memref_slice %arg3[%run_scoped3A_750, %run_scoped3A_751, %mul3A_2] : memref<16x1x256xf32, #tpu.memory_space<hbm>> -> memref<1x1x16xf32, #tpu.memory_space<hbm>>
        %dma_start3A_788 = tpu.memref_squeeze %dma_start3A_787 : memref<1x1x16xf32, #tpu.memory_space<hbm>> -> memref<16xf32, #tpu.memory_space<hbm>>
        %dma_start3A_789 = arith.constant 0 : i32
        %dma_start3A_790 = tpu.memref_slice %arg5[%run_scoped3A_749, %dma_start3A_789] : memref<16x16xf32, #tpu.memory_space<vmem>> -> memref<1x16xf32, #tpu.memory_space<vmem>>
        %dma_start3A_791 = tpu.memref_squeeze %dma_start3A_790 : memref<1x16xf32, #tpu.memory_space<vmem>> -> memref<16xf32, #tpu.memory_space<vmem>>
        tpu.enqueue_dma source(%dma_start3A_791 : memref<16xf32, #tpu.memory_space<vmem>>) target(%dma_start3A_788 : memref<16xf32, #tpu.memory_space<hbm>>) target_semaphore(%run_scoped3A_782 : memref<!tpu.dma_semaphore, #tpu.memory_space<semaphore_mem>>)
        %dma_wait3A = arith.constant 0 : i32
        %dma_wait3A_792 = tpu.memref_slice %arg5[%run_scoped3A_749, %dma_wait3A] : memref<16x16xf32, #tpu.memory_space<vmem>> -> memref<1x16xf32, #tpu.memory_space<vmem>>
        %dma_wait3A_793 = tpu.memref_squeeze %dma_wait3A_792 : memref<1x16xf32, #tpu.memory_space<vmem>> -> memref<16xf32, #tpu.memory_space<vmem>>
        %dma_wait3A_794 = tpu.memref_slice %arg3[%run_scoped3A_750, %run_scoped3A_751, %mul3A_2] : memref<16x1x256xf32, #tpu.memory_space<hbm>> -> memref<1x1x16xf32, #tpu.memory_space<hbm>>
        %dma_wait3A_795 = tpu.memref_squeeze %dma_wait3A_794 : memref<1x1x16xf32, #tpu.memory_space<hbm>> -> memref<16xf32, #tpu.memory_space<hbm>>
        %dma_wait3A_796 = tpu.memref_slice %arg3[%run_scoped3A_750, %run_scoped3A_751, %mul3A_2] : memref<16x1x256xf32, #tpu.memory_space<hbm>> -> memref<1x1x16xf32, #tpu.memory_space<hbm>>
        %dma_wait3A_797 = tpu.memref_squeeze %dma_wait3A_796 : memref<1x1x16xf32, #tpu.memory_space<hbm>> -> memref<16xf32, #tpu.memory_space<hbm>>
        %dma_wait3A_798 = arith.constant 0 : i32
        %dma_wait3A_799 = tpu.memref_slice %arg5[%run_scoped3A_749, %dma_wait3A_798] : memref<16x16xf32, #tpu.memory_space<vmem>> -> memref<1x16xf32, #tpu.memory_space<vmem>>
        %dma_wait3A_800 = tpu.memref_squeeze %dma_wait3A_799 : memref<1x16xf32, #tpu.memory_space<vmem>> -> memref<16xf32, #tpu.memory_space<vmem>>
        tpu.wait_dma2 semaphore(%run_scoped3A_782 : memref<!tpu.dma_semaphore, #tpu.memory_space<semaphore_mem>>) src(%dma_wait3A_800 : memref<16xf32, #tpu.memory_space<vmem>>) dst(%dma_wait3A_797 : memref<16xf32, #tpu.memory_space<hbm>>)
        tpu.yield
      }) : () -> ()
      %run_scoped3A_752 = arith.constant 6 : i32
      %run_scoped3A_753 = arith.constant 6 : i32
      %run_scoped3A_754 = arith.constant 0 : i32
      "tpu.region"() ({
        %run_scoped3A_782 = tpu.sem_alloc : memref<!tpu.dma_semaphore, #tpu.memory_space<semaphore_mem>>
        %dma_start3A = arith.constant 0 : i32
        %dma_start3A_783 = tpu.memref_slice %arg5[%run_scoped3A_752, %dma_start3A] : memref<16x16xf32, #tpu.memory_space<vmem>> -> memref<1x16xf32, #tpu.memory_space<vmem>>
        %dma_start3A_784 = tpu.memref_squeeze %dma_start3A_783 : memref<1x16xf32, #tpu.memory_space<vmem>> -> memref<16xf32, #tpu.memory_space<vmem>>
        %dma_start3A_785 = tpu.memref_slice %arg3[%run_scoped3A_753, %run_scoped3A_754, %mul3A_2] : memref<16x1x256xf32, #tpu.memory_space<hbm>> -> memref<1x1x16xf32, #tpu.memory_space<hbm>>
        %dma_start3A_786 = tpu.memref_squeeze %dma_start3A_785 : memref<1x1x16xf32, #tpu.memory_space<hbm>> -> memref<16xf32, #tpu.memory_space<hbm>>
        %dma_start3A_787 = tpu.memref_slice %arg3[%run_scoped3A_753, %run_scoped3A_754, %mul3A_2] : memref<16x1x256xf32, #tpu.memory_space<hbm>> -> memref<1x1x16xf32, #tpu.memory_space<hbm>>
        %dma_start3A_788 = tpu.memref_squeeze %dma_start3A_787 : memref<1x1x16xf32, #tpu.memory_space<hbm>> -> memref<16xf32, #tpu.memory_space<hbm>>
        %dma_start3A_789 = arith.constant 0 : i32
        %dma_start3A_790 = tpu.memref_slice %arg5[%run_scoped3A_752, %dma_start3A_789] : memref<16x16xf32, #tpu.memory_space<vmem>> -> memref<1x16xf32, #tpu.memory_space<vmem>>
        %dma_start3A_791 = tpu.memref_squeeze %dma_start3A_790 : memref<1x16xf32, #tpu.memory_space<vmem>> -> memref<16xf32, #tpu.memory_space<vmem>>
        tpu.enqueue_dma source(%dma_start3A_791 : memref<16xf32, #tpu.memory_space<vmem>>) target(%dma_start3A_788 : memref<16xf32, #tpu.memory_space<hbm>>) target_semaphore(%run_scoped3A_782 : memref<!tpu.dma_semaphore, #tpu.memory_space<semaphore_mem>>)
        %dma_wait3A = arith.constant 0 : i32
        %dma_wait3A_792 = tpu.memref_slice %arg5[%run_scoped3A_752, %dma_wait3A] : memref<16x16xf32, #tpu.memory_space<vmem>> -> memref<1x16xf32, #tpu.memory_space<vmem>>
        %dma_wait3A_793 = tpu.memref_squeeze %dma_wait3A_792 : memref<1x16xf32, #tpu.memory_space<vmem>> -> memref<16xf32, #tpu.memory_space<vmem>>
        %dma_wait3A_794 = tpu.memref_slice %arg3[%run_scoped3A_753, %run_scoped3A_754, %mul3A_2] : memref<16x1x256xf32, #tpu.memory_space<hbm>> -> memref<1x1x16xf32, #tpu.memory_space<hbm>>
        %dma_wait3A_795 = tpu.memref_squeeze %dma_wait3A_794 : memref<1x1x16xf32, #tpu.memory_space<hbm>> -> memref<16xf32, #tpu.memory_space<hbm>>
        %dma_wait3A_796 = tpu.memref_slice %arg3[%run_scoped3A_753, %run_scoped3A_754, %mul3A_2] : memref<16x1x256xf32, #tpu.memory_space<hbm>> -> memref<1x1x16xf32, #tpu.memory_space<hbm>>
        %dma_wait3A_797 = tpu.memref_squeeze %dma_wait3A_796 : memref<1x1x16xf32, #tpu.memory_space<hbm>> -> memref<16xf32, #tpu.memory_space<hbm>>
        %dma_wait3A_798 = arith.constant 0 : i32
        %dma_wait3A_799 = tpu.memref_slice %arg5[%run_scoped3A_752, %dma_wait3A_798] : memref<16x16xf32, #tpu.memory_space<vmem>> -> memref<1x16xf32, #tpu.memory_space<vmem>>
        %dma_wait3A_800 = tpu.memref_squeeze %dma_wait3A_799 : memref<1x16xf32, #tpu.memory_space<vmem>> -> memref<16xf32, #tpu.memory_space<vmem>>
        tpu.wait_dma2 semaphore(%run_scoped3A_782 : memref<!tpu.dma_semaphore, #tpu.memory_space<semaphore_mem>>) src(%dma_wait3A_800 : memref<16xf32, #tpu.memory_space<vmem>>) dst(%dma_wait3A_797 : memref<16xf32, #tpu.memory_space<hbm>>)
        tpu.yield
      }) : () -> ()
      %run_scoped3A_755 = arith.constant 7 : i32
      %run_scoped3A_756 = arith.constant 7 : i32
      %run_scoped3A_757 = arith.constant 0 : i32
      "tpu.region"() ({
        %run_scoped3A_782 = tpu.sem_alloc : memref<!tpu.dma_semaphore, #tpu.memory_space<semaphore_mem>>
        %dma_start3A = arith.constant 0 : i32
        %dma_start3A_783 = tpu.memref_slice %arg5[%run_scoped3A_755, %dma_start3A] : memref<16x16xf32, #tpu.memory_space<vmem>> -> memref<1x16xf32, #tpu.memory_space<vmem>>
        %dma_start3A_784 = tpu.memref_squeeze %dma_start3A_783 : memref<1x16xf32, #tpu.memory_space<vmem>> -> memref<16xf32, #tpu.memory_space<vmem>>
        %dma_start3A_785 = tpu.memref_slice %arg3[%run_scoped3A_756, %run_scoped3A_757, %mul3A_2] : memref<16x1x256xf32, #tpu.memory_space<hbm>> -> memref<1x1x16xf32, #tpu.memory_space<hbm>>
        %dma_start3A_786 = tpu.memref_squeeze %dma_start3A_785 : memref<1x1x16xf32, #tpu.memory_space<hbm>> -> memref<16xf32, #tpu.memory_space<hbm>>
        %dma_start3A_787 = tpu.memref_slice %arg3[%run_scoped3A_756, %run_scoped3A_757, %mul3A_2] : memref<16x1x256xf32, #tpu.memory_space<hbm>> -> memref<1x1x16xf32, #tpu.memory_space<hbm>>
        %dma_start3A_788 = tpu.memref_squeeze %dma_start3A_787 : memref<1x1x16xf32, #tpu.memory_space<hbm>> -> memref<16xf32, #tpu.memory_space<hbm>>
        %dma_start3A_789 = arith.constant 0 : i32
        %dma_start3A_790 = tpu.memref_slice %arg5[%run_scoped3A_755, %dma_start3A_789] : memref<16x16xf32, #tpu.memory_space<vmem>> -> memref<1x16xf32, #tpu.memory_space<vmem>>
        %dma_start3A_791 = tpu.memref_squeeze %dma_start3A_790 : memref<1x16xf32, #tpu.memory_space<vmem>> -> memref<16xf32, #tpu.memory_space<vmem>>
        tpu.enqueue_dma source(%dma_start3A_791 : memref<16xf32, #tpu.memory_space<vmem>>) target(%dma_start3A_788 : memref<16xf32, #tpu.memory_space<hbm>>) target_semaphore(%run_scoped3A_782 : memref<!tpu.dma_semaphore, #tpu.memory_space<semaphore_mem>>)
        %dma_wait3A = arith.constant 0 : i32
        %dma_wait3A_792 = tpu.memref_slice %arg5[%run_scoped3A_755, %dma_wait3A] : memref<16x16xf32, #tpu.memory_space<vmem>> -> memref<1x16xf32, #tpu.memory_space<vmem>>
        %dma_wait3A_793 = tpu.memref_squeeze %dma_wait3A_792 : memref<1x16xf32, #tpu.memory_space<vmem>> -> memref<16xf32, #tpu.memory_space<vmem>>
        %dma_wait3A_794 = tpu.memref_slice %arg3[%run_scoped3A_756, %run_scoped3A_757, %mul3A_2] : memref<16x1x256xf32, #tpu.memory_space<hbm>> -> memref<1x1x16xf32, #tpu.memory_space<hbm>>
        %dma_wait3A_795 = tpu.memref_squeeze %dma_wait3A_794 : memref<1x1x16xf32, #tpu.memory_space<hbm>> -> memref<16xf32, #tpu.memory_space<hbm>>
        %dma_wait3A_796 = tpu.memref_slice %arg3[%run_scoped3A_756, %run_scoped3A_757, %mul3A_2] : memref<16x1x256xf32, #tpu.memory_space<hbm>> -> memref<1x1x16xf32, #tpu.memory_space<hbm>>
        %dma_wait3A_797 = tpu.memref_squeeze %dma_wait3A_796 : memref<1x1x16xf32, #tpu.memory_space<hbm>> -> memref<16xf32, #tpu.memory_space<hbm>>
        %dma_wait3A_798 = arith.constant 0 : i32
        %dma_wait3A_799 = tpu.memref_slice %arg5[%run_scoped3A_755, %dma_wait3A_798] : memref<16x16xf32, #tpu.memory_space<vmem>> -> memref<1x16xf32, #tpu.memory_space<vmem>>
        %dma_wait3A_800 = tpu.memref_squeeze %dma_wait3A_799 : memref<1x16xf32, #tpu.memory_space<vmem>> -> memref<16xf32, #tpu.memory_space<vmem>>
        tpu.wait_dma2 semaphore(%run_scoped3A_782 : memref<!tpu.dma_semaphore, #tpu.memory_space<semaphore_mem>>) src(%dma_wait3A_800 : memref<16xf32, #tpu.memory_space<vmem>>) dst(%dma_wait3A_797 : memref<16xf32, #tpu.memory_space<hbm>>)
        tpu.yield
      }) : () -> ()
      %run_scoped3A_758 = arith.constant 8 : i32
      %run_scoped3A_759 = arith.constant 8 : i32
      %run_scoped3A_760 = arith.constant 0 : i32
      "tpu.region"() ({
        %run_scoped3A_782 = tpu.sem_alloc : memref<!tpu.dma_semaphore, #tpu.memory_space<semaphore_mem>>
        %dma_start3A = arith.constant 0 : i32
        %dma_start3A_783 = tpu.memref_slice %arg5[%run_scoped3A_758, %dma_start3A] : memref<16x16xf32, #tpu.memory_space<vmem>> -> memref<1x16xf32, #tpu.memory_space<vmem>>
        %dma_start3A_784 = tpu.memref_squeeze %dma_start3A_783 : memref<1x16xf32, #tpu.memory_space<vmem>> -> memref<16xf32, #tpu.memory_space<vmem>>
        %dma_start3A_785 = tpu.memref_slice %arg3[%run_scoped3A_759, %run_scoped3A_760, %mul3A_2] : memref<16x1x256xf32, #tpu.memory_space<hbm>> -> memref<1x1x16xf32, #tpu.memory_space<hbm>>
        %dma_start3A_786 = tpu.memref_squeeze %dma_start3A_785 : memref<1x1x16xf32, #tpu.memory_space<hbm>> -> memref<16xf32, #tpu.memory_space<hbm>>
        %dma_start3A_787 = tpu.memref_slice %arg3[%run_scoped3A_759, %run_scoped3A_760, %mul3A_2] : memref<16x1x256xf32, #tpu.memory_space<hbm>> -> memref<1x1x16xf32, #tpu.memory_space<hbm>>
        %dma_start3A_788 = tpu.memref_squeeze %dma_start3A_787 : memref<1x1x16xf32, #tpu.memory_space<hbm>> -> memref<16xf32, #tpu.memory_space<hbm>>
        %dma_start3A_789 = arith.constant 0 : i32
        %dma_start3A_790 = tpu.memref_slice %arg5[%run_scoped3A_758, %dma_start3A_789] : memref<16x16xf32, #tpu.memory_space<vmem>> -> memref<1x16xf32, #tpu.memory_space<vmem>>
        %dma_start3A_791 = tpu.memref_squeeze %dma_start3A_790 : memref<1x16xf32, #tpu.memory_space<vmem>> -> memref<16xf32, #tpu.memory_space<vmem>>
        tpu.enqueue_dma source(%dma_start3A_791 : memref<16xf32, #tpu.memory_space<vmem>>) target(%dma_start3A_788 : memref<16xf32, #tpu.memory_space<hbm>>) target_semaphore(%run_scoped3A_782 : memref<!tpu.dma_semaphore, #tpu.memory_space<semaphore_mem>>)
        %dma_wait3A = arith.constant 0 : i32
        %dma_wait3A_792 = tpu.memref_slice %arg5[%run_scoped3A_758, %dma_wait3A] : memref<16x16xf32, #tpu.memory_space<vmem>> -> memref<1x16xf32, #tpu.memory_space<vmem>>
        %dma_wait3A_793 = tpu.memref_squeeze %dma_wait3A_792 : memref<1x16xf32, #tpu.memory_space<vmem>> -> memref<16xf32, #tpu.memory_space<vmem>>
        %dma_wait3A_794 = tpu.memref_slice %arg3[%run_scoped3A_759, %run_scoped3A_760, %mul3A_2] : memref<16x1x256xf32, #tpu.memory_space<hbm>> -> memref<1x1x16xf32, #tpu.memory_space<hbm>>
        %dma_wait3A_795 = tpu.memref_squeeze %dma_wait3A_794 : memref<1x1x16xf32, #tpu.memory_space<hbm>> -> memref<16xf32, #tpu.memory_space<hbm>>
        %dma_wait3A_796 = tpu.memref_slice %arg3[%run_scoped3A_759, %run_scoped3A_760, %mul3A_2] : memref<16x1x256xf32, #tpu.memory_space<hbm>> -> memref<1x1x16xf32, #tpu.memory_space<hbm>>
        %dma_wait3A_797 = tpu.memref_squeeze %dma_wait3A_796 : memref<1x1x16xf32, #tpu.memory_space<hbm>> -> memref<16xf32, #tpu.memory_space<hbm>>
        %dma_wait3A_798 = arith.constant 0 : i32
        %dma_wait3A_799 = tpu.memref_slice %arg5[%run_scoped3A_758, %dma_wait3A_798] : memref<16x16xf32, #tpu.memory_space<vmem>> -> memref<1x16xf32, #tpu.memory_space<vmem>>
        %dma_wait3A_800 = tpu.memref_squeeze %dma_wait3A_799 : memref<1x16xf32, #tpu.memory_space<vmem>> -> memref<16xf32, #tpu.memory_space<vmem>>
        tpu.wait_dma2 semaphore(%run_scoped3A_782 : memref<!tpu.dma_semaphore, #tpu.memory_space<semaphore_mem>>) src(%dma_wait3A_800 : memref<16xf32, #tpu.memory_space<vmem>>) dst(%dma_wait3A_797 : memref<16xf32, #tpu.memory_space<hbm>>)
        tpu.yield
      }) : () -> ()
      %run_scoped3A_761 = arith.constant 9 : i32
      %run_scoped3A_762 = arith.constant 9 : i32
      %run_scoped3A_763 = arith.constant 0 : i32
      "tpu.region"() ({
        %run_scoped3A_782 = tpu.sem_alloc : memref<!tpu.dma_semaphore, #tpu.memory_space<semaphore_mem>>
        %dma_start3A = arith.constant 0 : i32
        %dma_start3A_783 = tpu.memref_slice %arg5[%run_scoped3A_761, %dma_start3A] : memref<16x16xf32, #tpu.memory_space<vmem>> -> memref<1x16xf32, #tpu.memory_space<vmem>>
        %dma_start3A_784 = tpu.memref_squeeze %dma_start3A_783 : memref<1x16xf32, #tpu.memory_space<vmem>> -> memref<16xf32, #tpu.memory_space<vmem>>
        %dma_start3A_785 = tpu.memref_slice %arg3[%run_scoped3A_762, %run_scoped3A_763, %mul3A_2] : memref<16x1x256xf32, #tpu.memory_space<hbm>> -> memref<1x1x16xf32, #tpu.memory_space<hbm>>
        %dma_start3A_786 = tpu.memref_squeeze %dma_start3A_785 : memref<1x1x16xf32, #tpu.memory_space<hbm>> -> memref<16xf32, #tpu.memory_space<hbm>>
        %dma_start3A_787 = tpu.memref_slice %arg3[%run_scoped3A_762, %run_scoped3A_763, %mul3A_2] : memref<16x1x256xf32, #tpu.memory_space<hbm>> -> memref<1x1x16xf32, #tpu.memory_space<hbm>>
        %dma_start3A_788 = tpu.memref_squeeze %dma_start3A_787 : memref<1x1x16xf32, #tpu.memory_space<hbm>> -> memref<16xf32, #tpu.memory_space<hbm>>
        %dma_start3A_789 = arith.constant 0 : i32
        %dma_start3A_790 = tpu.memref_slice %arg5[%run_scoped3A_761, %dma_start3A_789] : memref<16x16xf32, #tpu.memory_space<vmem>> -> memref<1x16xf32, #tpu.memory_space<vmem>>
        %dma_start3A_791 = tpu.memref_squeeze %dma_start3A_790 : memref<1x16xf32, #tpu.memory_space<vmem>> -> memref<16xf32, #tpu.memory_space<vmem>>
        tpu.enqueue_dma source(%dma_start3A_791 : memref<16xf32, #tpu.memory_space<vmem>>) target(%dma_start3A_788 : memref<16xf32, #tpu.memory_space<hbm>>) target_semaphore(%run_scoped3A_782 : memref<!tpu.dma_semaphore, #tpu.memory_space<semaphore_mem>>)
        %dma_wait3A = arith.constant 0 : i32
        %dma_wait3A_792 = tpu.memref_slice %arg5[%run_scoped3A_761, %dma_wait3A] : memref<16x16xf32, #tpu.memory_space<vmem>> -> memref<1x16xf32, #tpu.memory_space<vmem>>
        %dma_wait3A_793 = tpu.memref_squeeze %dma_wait3A_792 : memref<1x16xf32, #tpu.memory_space<vmem>> -> memref<16xf32, #tpu.memory_space<vmem>>
        %dma_wait3A_794 = tpu.memref_slice %arg3[%run_scoped3A_762, %run_scoped3A_763, %mul3A_2] : memref<16x1x256xf32, #tpu.memory_space<hbm>> -> memref<1x1x16xf32, #tpu.memory_space<hbm>>
        %dma_wait3A_795 = tpu.memref_squeeze %dma_wait3A_794 : memref<1x1x16xf32, #tpu.memory_space<hbm>> -> memref<16xf32, #tpu.memory_space<hbm>>
        %dma_wait3A_796 = tpu.memref_slice %arg3[%run_scoped3A_762, %run_scoped3A_763, %mul3A_2] : memref<16x1x256xf32, #tpu.memory_space<hbm>> -> memref<1x1x16xf32, #tpu.memory_space<hbm>>
        %dma_wait3A_797 = tpu.memref_squeeze %dma_wait3A_796 : memref<1x1x16xf32, #tpu.memory_space<hbm>> -> memref<16xf32, #tpu.memory_space<hbm>>
        %dma_wait3A_798 = arith.constant 0 : i32
        %dma_wait3A_799 = tpu.memref_slice %arg5[%run_scoped3A_761, %dma_wait3A_798] : memref<16x16xf32, #tpu.memory_space<vmem>> -> memref<1x16xf32, #tpu.memory_space<vmem>>
        %dma_wait3A_800 = tpu.memref_squeeze %dma_wait3A_799 : memref<1x16xf32, #tpu.memory_space<vmem>> -> memref<16xf32, #tpu.memory_space<vmem>>
        tpu.wait_dma2 semaphore(%run_scoped3A_782 : memref<!tpu.dma_semaphore, #tpu.memory_space<semaphore_mem>>) src(%dma_wait3A_800 : memref<16xf32, #tpu.memory_space<vmem>>) dst(%dma_wait3A_797 : memref<16xf32, #tpu.memory_space<hbm>>)
        tpu.yield
      }) : () -> ()
      %run_scoped3A_764 = arith.constant 10 : i32
      %run_scoped3A_765 = arith.constant 10 : i32
      %run_scoped3A_766 = arith.constant 0 : i32
      "tpu.region"() ({
        %run_scoped3A_782 = tpu.sem_alloc : memref<!tpu.dma_semaphore, #tpu.memory_space<semaphore_mem>>
        %dma_start3A = arith.constant 0 : i32
        %dma_start3A_783 = tpu.memref_slice %arg5[%run_scoped3A_764, %dma_start3A] : memref<16x16xf32, #tpu.memory_space<vmem>> -> memref<1x16xf32, #tpu.memory_space<vmem>>
        %dma_start3A_784 = tpu.memref_squeeze %dma_start3A_783 : memref<1x16xf32, #tpu.memory_space<vmem>> -> memref<16xf32, #tpu.memory_space<vmem>>
        %dma_start3A_785 = tpu.memref_slice %arg3[%run_scoped3A_765, %run_scoped3A_766, %mul3A_2] : memref<16x1x256xf32, #tpu.memory_space<hbm>> -> memref<1x1x16xf32, #tpu.memory_space<hbm>>
        %dma_start3A_786 = tpu.memref_squeeze %dma_start3A_785 : memref<1x1x16xf32, #tpu.memory_space<hbm>> -> memref<16xf32, #tpu.memory_space<hbm>>
        %dma_start3A_787 = tpu.memref_slice %arg3[%run_scoped3A_765, %run_scoped3A_766, %mul3A_2] : memref<16x1x256xf32, #tpu.memory_space<hbm>> -> memref<1x1x16xf32, #tpu.memory_space<hbm>>
        %dma_start3A_788 = tpu.memref_squeeze %dma_start3A_787 : memref<1x1x16xf32, #tpu.memory_space<hbm>> -> memref<16xf32, #tpu.memory_space<hbm>>
        %dma_start3A_789 = arith.constant 0 : i32
        %dma_start3A_790 = tpu.memref_slice %arg5[%run_scoped3A_764, %dma_start3A_789] : memref<16x16xf32, #tpu.memory_space<vmem>> -> memref<1x16xf32, #tpu.memory_space<vmem>>
        %dma_start3A_791 = tpu.memref_squeeze %dma_start3A_790 : memref<1x16xf32, #tpu.memory_space<vmem>> -> memref<16xf32, #tpu.memory_space<vmem>>
        tpu.enqueue_dma source(%dma_start3A_791 : memref<16xf32, #tpu.memory_space<vmem>>) target(%dma_start3A_788 : memref<16xf32, #tpu.memory_space<hbm>>) target_semaphore(%run_scoped3A_782 : memref<!tpu.dma_semaphore, #tpu.memory_space<semaphore_mem>>)
        %dma_wait3A = arith.constant 0 : i32
        %dma_wait3A_792 = tpu.memref_slice %arg5[%run_scoped3A_764, %dma_wait3A] : memref<16x16xf32, #tpu.memory_space<vmem>> -> memref<1x16xf32, #tpu.memory_space<vmem>>
        %dma_wait3A_793 = tpu.memref_squeeze %dma_wait3A_792 : memref<1x16xf32, #tpu.memory_space<vmem>> -> memref<16xf32, #tpu.memory_space<vmem>>
        %dma_wait3A_794 = tpu.memref_slice %arg3[%run_scoped3A_765, %run_scoped3A_766, %mul3A_2] : memref<16x1x256xf32, #tpu.memory_space<hbm>> -> memref<1x1x16xf32, #tpu.memory_space<hbm>>
        %dma_wait3A_795 = tpu.memref_squeeze %dma_wait3A_794 : memref<1x1x16xf32, #tpu.memory_space<hbm>> -> memref<16xf32, #tpu.memory_space<hbm>>
        %dma_wait3A_796 = tpu.memref_slice %arg3[%run_scoped3A_765, %run_scoped3A_766, %mul3A_2] : memref<16x1x256xf32, #tpu.memory_space<hbm>> -> memref<1x1x16xf32, #tpu.memory_space<hbm>>
        %dma_wait3A_797 = tpu.memref_squeeze %dma_wait3A_796 : memref<1x1x16xf32, #tpu.memory_space<hbm>> -> memref<16xf32, #tpu.memory_space<hbm>>
        %dma_wait3A_798 = arith.constant 0 : i32
        %dma_wait3A_799 = tpu.memref_slice %arg5[%run_scoped3A_764, %dma_wait3A_798] : memref<16x16xf32, #tpu.memory_space<vmem>> -> memref<1x16xf32, #tpu.memory_space<vmem>>
        %dma_wait3A_800 = tpu.memref_squeeze %dma_wait3A_799 : memref<1x16xf32, #tpu.memory_space<vmem>> -> memref<16xf32, #tpu.memory_space<vmem>>
        tpu.wait_dma2 semaphore(%run_scoped3A_782 : memref<!tpu.dma_semaphore, #tpu.memory_space<semaphore_mem>>) src(%dma_wait3A_800 : memref<16xf32, #tpu.memory_space<vmem>>) dst(%dma_wait3A_797 : memref<16xf32, #tpu.memory_space<hbm>>)
        tpu.yield
      }) : () -> ()
      %run_scoped3A_767 = arith.constant 11 : i32
      %run_scoped3A_768 = arith.constant 11 : i32
      %run_scoped3A_769 = arith.constant 0 : i32
      "tpu.region"() ({
        %run_scoped3A_782 = tpu.sem_alloc : memref<!tpu.dma_semaphore, #tpu.memory_space<semaphore_mem>>
        %dma_start3A = arith.constant 0 : i32
        %dma_start3A_783 = tpu.memref_slice %arg5[%run_scoped3A_767, %dma_start3A] : memref<16x16xf32, #tpu.memory_space<vmem>> -> memref<1x16xf32, #tpu.memory_space<vmem>>
        %dma_start3A_784 = tpu.memref_squeeze %dma_start3A_783 : memref<1x16xf32, #tpu.memory_space<vmem>> -> memref<16xf32, #tpu.memory_space<vmem>>
        %dma_start3A_785 = tpu.memref_slice %arg3[%run_scoped3A_768, %run_scoped3A_769, %mul3A_2] : memref<16x1x256xf32, #tpu.memory_space<hbm>> -> memref<1x1x16xf32, #tpu.memory_space<hbm>>
        %dma_start3A_786 = tpu.memref_squeeze %dma_start3A_785 : memref<1x1x16xf32, #tpu.memory_space<hbm>> -> memref<16xf32, #tpu.memory_space<hbm>>
        %dma_start3A_787 = tpu.memref_slice %arg3[%run_scoped3A_768, %run_scoped3A_769, %mul3A_2] : memref<16x1x256xf32, #tpu.memory_space<hbm>> -> memref<1x1x16xf32, #tpu.memory_space<hbm>>
        %dma_start3A_788 = tpu.memref_squeeze %dma_start3A_787 : memref<1x1x16xf32, #tpu.memory_space<hbm>> -> memref<16xf32, #tpu.memory_space<hbm>>
        %dma_start3A_789 = arith.constant 0 : i32
        %dma_start3A_790 = tpu.memref_slice %arg5[%run_scoped3A_767, %dma_start3A_789] : memref<16x16xf32, #tpu.memory_space<vmem>> -> memref<1x16xf32, #tpu.memory_space<vmem>>
        %dma_start3A_791 = tpu.memref_squeeze %dma_start3A_790 : memref<1x16xf32, #tpu.memory_space<vmem>> -> memref<16xf32, #tpu.memory_space<vmem>>
        tpu.enqueue_dma source(%dma_start3A_791 : memref<16xf32, #tpu.memory_space<vmem>>) target(%dma_start3A_788 : memref<16xf32, #tpu.memory_space<hbm>>) target_semaphore(%run_scoped3A_782 : memref<!tpu.dma_semaphore, #tpu.memory_space<semaphore_mem>>)
        %dma_wait3A = arith.constant 0 : i32
        %dma_wait3A_792 = tpu.memref_slice %arg5[%run_scoped3A_767, %dma_wait3A] : memref<16x16xf32, #tpu.memory_space<vmem>> -> memref<1x16xf32, #tpu.memory_space<vmem>>
        %dma_wait3A_793 = tpu.memref_squeeze %dma_wait3A_792 : memref<1x16xf32, #tpu.memory_space<vmem>> -> memref<16xf32, #tpu.memory_space<vmem>>
        %dma_wait3A_794 = tpu.memref_slice %arg3[%run_scoped3A_768, %run_scoped3A_769, %mul3A_2] : memref<16x1x256xf32, #tpu.memory_space<hbm>> -> memref<1x1x16xf32, #tpu.memory_space<hbm>>
        %dma_wait3A_795 = tpu.memref_squeeze %dma_wait3A_794 : memref<1x1x16xf32, #tpu.memory_space<hbm>> -> memref<16xf32, #tpu.memory_space<hbm>>
        %dma_wait3A_796 = tpu.memref_slice %arg3[%run_scoped3A_768, %run_scoped3A_769, %mul3A_2] : memref<16x1x256xf32, #tpu.memory_space<hbm>> -> memref<1x1x16xf32, #tpu.memory_space<hbm>>
        %dma_wait3A_797 = tpu.memref_squeeze %dma_wait3A_796 : memref<1x1x16xf32, #tpu.memory_space<hbm>> -> memref<16xf32, #tpu.memory_space<hbm>>
        %dma_wait3A_798 = arith.constant 0 : i32
        %dma_wait3A_799 = tpu.memref_slice %arg5[%run_scoped3A_767, %dma_wait3A_798] : memref<16x16xf32, #tpu.memory_space<vmem>> -> memref<1x16xf32, #tpu.memory_space<vmem>>
        %dma_wait3A_800 = tpu.memref_squeeze %dma_wait3A_799 : memref<1x16xf32, #tpu.memory_space<vmem>> -> memref<16xf32, #tpu.memory_space<vmem>>
        tpu.wait_dma2 semaphore(%run_scoped3A_782 : memref<!tpu.dma_semaphore, #tpu.memory_space<semaphore_mem>>) src(%dma_wait3A_800 : memref<16xf32, #tpu.memory_space<vmem>>) dst(%dma_wait3A_797 : memref<16xf32, #tpu.memory_space<hbm>>)
        tpu.yield
      }) : () -> ()
      %run_scoped3A_770 = arith.constant 12 : i32
      %run_scoped3A_771 = arith.constant 12 : i32
      %run_scoped3A_772 = arith.constant 0 : i32
      "tpu.region"() ({
        %run_scoped3A_782 = tpu.sem_alloc : memref<!tpu.dma_semaphore, #tpu.memory_space<semaphore_mem>>
        %dma_start3A = arith.constant 0 : i32
        %dma_start3A_783 = tpu.memref_slice %arg5[%run_scoped3A_770, %dma_start3A] : memref<16x16xf32, #tpu.memory_space<vmem>> -> memref<1x16xf32, #tpu.memory_space<vmem>>
        %dma_start3A_784 = tpu.memref_squeeze %dma_start3A_783 : memref<1x16xf32, #tpu.memory_space<vmem>> -> memref<16xf32, #tpu.memory_space<vmem>>
        %dma_start3A_785 = tpu.memref_slice %arg3[%run_scoped3A_771, %run_scoped3A_772, %mul3A_2] : memref<16x1x256xf32, #tpu.memory_space<hbm>> -> memref<1x1x16xf32, #tpu.memory_space<hbm>>
        %dma_start3A_786 = tpu.memref_squeeze %dma_start3A_785 : memref<1x1x16xf32, #tpu.memory_space<hbm>> -> memref<16xf32, #tpu.memory_space<hbm>>
        %dma_start3A_787 = tpu.memref_slice %arg3[%run_scoped3A_771, %run_scoped3A_772, %mul3A_2] : memref<16x1x256xf32, #tpu.memory_space<hbm>> -> memref<1x1x16xf32, #tpu.memory_space<hbm>>
        %dma_start3A_788 = tpu.memref_squeeze %dma_start3A_787 : memref<1x1x16xf32, #tpu.memory_space<hbm>> -> memref<16xf32, #tpu.memory_space<hbm>>
        %dma_start3A_789 = arith.constant 0 : i32
        %dma_start3A_790 = tpu.memref_slice %arg5[%run_scoped3A_770, %dma_start3A_789] : memref<16x16xf32, #tpu.memory_space<vmem>> -> memref<1x16xf32, #tpu.memory_space<vmem>>
        %dma_start3A_791 = tpu.memref_squeeze %dma_start3A_790 : memref<1x16xf32, #tpu.memory_space<vmem>> -> memref<16xf32, #tpu.memory_space<vmem>>
        tpu.enqueue_dma source(%dma_start3A_791 : memref<16xf32, #tpu.memory_space<vmem>>) target(%dma_start3A_788 : memref<16xf32, #tpu.memory_space<hbm>>) target_semaphore(%run_scoped3A_782 : memref<!tpu.dma_semaphore, #tpu.memory_space<semaphore_mem>>)
        %dma_wait3A = arith.constant 0 : i32
        %dma_wait3A_792 = tpu.memref_slice %arg5[%run_scoped3A_770, %dma_wait3A] : memref<16x16xf32, #tpu.memory_space<vmem>> -> memref<1x16xf32, #tpu.memory_space<vmem>>
        %dma_wait3A_793 = tpu.memref_squeeze %dma_wait3A_792 : memref<1x16xf32, #tpu.memory_space<vmem>> -> memref<16xf32, #tpu.memory_space<vmem>>
        %dma_wait3A_794 = tpu.memref_slice %arg3[%run_scoped3A_771, %run_scoped3A_772, %mul3A_2] : memref<16x1x256xf32, #tpu.memory_space<hbm>> -> memref<1x1x16xf32, #tpu.memory_space<hbm>>
        %dma_wait3A_795 = tpu.memref_squeeze %dma_wait3A_794 : memref<1x1x16xf32, #tpu.memory_space<hbm>> -> memref<16xf32, #tpu.memory_space<hbm>>
        %dma_wait3A_796 = tpu.memref_slice %arg3[%run_scoped3A_771, %run_scoped3A_772, %mul3A_2] : memref<16x1x256xf32, #tpu.memory_space<hbm>> -> memref<1x1x16xf32, #tpu.memory_space<hbm>>
        %dma_wait3A_797 = tpu.memref_squeeze %dma_wait3A_796 : memref<1x1x16xf32, #tpu.memory_space<hbm>> -> memref<16xf32, #tpu.memory_space<hbm>>
        %dma_wait3A_798 = arith.constant 0 : i32
        %dma_wait3A_799 = tpu.memref_slice %arg5[%run_scoped3A_770, %dma_wait3A_798] : memref<16x16xf32, #tpu.memory_space<vmem>> -> memref<1x16xf32, #tpu.memory_space<vmem>>
        %dma_wait3A_800 = tpu.memref_squeeze %dma_wait3A_799 : memref<1x16xf32, #tpu.memory_space<vmem>> -> memref<16xf32, #tpu.memory_space<vmem>>
        tpu.wait_dma2 semaphore(%run_scoped3A_782 : memref<!tpu.dma_semaphore, #tpu.memory_space<semaphore_mem>>) src(%dma_wait3A_800 : memref<16xf32, #tpu.memory_space<vmem>>) dst(%dma_wait3A_797 : memref<16xf32, #tpu.memory_space<hbm>>)
        tpu.yield
      }) : () -> ()
      %run_scoped3A_773 = arith.constant 13 : i32
      %run_scoped3A_774 = arith.constant 13 : i32
      %run_scoped3A_775 = arith.constant 0 : i32
      "tpu.region"() ({
        %run_scoped3A_782 = tpu.sem_alloc : memref<!tpu.dma_semaphore, #tpu.memory_space<semaphore_mem>>
        %dma_start3A = arith.constant 0 : i32
        %dma_start3A_783 = tpu.memref_slice %arg5[%run_scoped3A_773, %dma_start3A] : memref<16x16xf32, #tpu.memory_space<vmem>> -> memref<1x16xf32, #tpu.memory_space<vmem>>
        %dma_start3A_784 = tpu.memref_squeeze %dma_start3A_783 : memref<1x16xf32, #tpu.memory_space<vmem>> -> memref<16xf32, #tpu.memory_space<vmem>>
        %dma_start3A_785 = tpu.memref_slice %arg3[%run_scoped3A_774, %run_scoped3A_775, %mul3A_2] : memref<16x1x256xf32, #tpu.memory_space<hbm>> -> memref<1x1x16xf32, #tpu.memory_space<hbm>>
        %dma_start3A_786 = tpu.memref_squeeze %dma_start3A_785 : memref<1x1x16xf32, #tpu.memory_space<hbm>> -> memref<16xf32, #tpu.memory_space<hbm>>
        %dma_start3A_787 = tpu.memref_slice %arg3[%run_scoped3A_774, %run_scoped3A_775, %mul3A_2] : memref<16x1x256xf32, #tpu.memory_space<hbm>> -> memref<1x1x16xf32, #tpu.memory_space<hbm>>
        %dma_start3A_788 = tpu.memref_squeeze %dma_start3A_787 : memref<1x1x16xf32, #tpu.memory_space<hbm>> -> memref<16xf32, #tpu.memory_space<hbm>>
        %dma_start3A_789 = arith.constant 0 : i32
        %dma_start3A_790 = tpu.memref_slice %arg5[%run_scoped3A_773, %dma_start3A_789] : memref<16x16xf32, #tpu.memory_space<vmem>> -> memref<1x16xf32, #tpu.memory_space<vmem>>
        %dma_start3A_791 = tpu.memref_squeeze %dma_start3A_790 : memref<1x16xf32, #tpu.memory_space<vmem>> -> memref<16xf32, #tpu.memory_space<vmem>>
        tpu.enqueue_dma source(%dma_start3A_791 : memref<16xf32, #tpu.memory_space<vmem>>) target(%dma_start3A_788 : memref<16xf32, #tpu.memory_space<hbm>>) target_semaphore(%run_scoped3A_782 : memref<!tpu.dma_semaphore, #tpu.memory_space<semaphore_mem>>)
        %dma_wait3A = arith.constant 0 : i32
        %dma_wait3A_792 = tpu.memref_slice %arg5[%run_scoped3A_773, %dma_wait3A] : memref<16x16xf32, #tpu.memory_space<vmem>> -> memref<1x16xf32, #tpu.memory_space<vmem>>
        %dma_wait3A_793 = tpu.memref_squeeze %dma_wait3A_792 : memref<1x16xf32, #tpu.memory_space<vmem>> -> memref<16xf32, #tpu.memory_space<vmem>>
        %dma_wait3A_794 = tpu.memref_slice %arg3[%run_scoped3A_774, %run_scoped3A_775, %mul3A_2] : memref<16x1x256xf32, #tpu.memory_space<hbm>> -> memref<1x1x16xf32, #tpu.memory_space<hbm>>
        %dma_wait3A_795 = tpu.memref_squeeze %dma_wait3A_794 : memref<1x1x16xf32, #tpu.memory_space<hbm>> -> memref<16xf32, #tpu.memory_space<hbm>>
        %dma_wait3A_796 = tpu.memref_slice %arg3[%run_scoped3A_774, %run_scoped3A_775, %mul3A_2] : memref<16x1x256xf32, #tpu.memory_space<hbm>> -> memref<1x1x16xf32, #tpu.memory_space<hbm>>
        %dma_wait3A_797 = tpu.memref_squeeze %dma_wait3A_796 : memref<1x1x16xf32, #tpu.memory_space<hbm>> -> memref<16xf32, #tpu.memory_space<hbm>>
        %dma_wait3A_798 = arith.constant 0 : i32
        %dma_wait3A_799 = tpu.memref_slice %arg5[%run_scoped3A_773, %dma_wait3A_798] : memref<16x16xf32, #tpu.memory_space<vmem>> -> memref<1x16xf32, #tpu.memory_space<vmem>>
        %dma_wait3A_800 = tpu.memref_squeeze %dma_wait3A_799 : memref<1x16xf32, #tpu.memory_space<vmem>> -> memref<16xf32, #tpu.memory_space<vmem>>
        tpu.wait_dma2 semaphore(%run_scoped3A_782 : memref<!tpu.dma_semaphore, #tpu.memory_space<semaphore_mem>>) src(%dma_wait3A_800 : memref<16xf32, #tpu.memory_space<vmem>>) dst(%dma_wait3A_797 : memref<16xf32, #tpu.memory_space<hbm>>)
        tpu.yield
      }) : () -> ()
      %run_scoped3A_776 = arith.constant 14 : i32
      %run_scoped3A_777 = arith.constant 14 : i32
      %run_scoped3A_778 = arith.constant 0 : i32
      "tpu.region"() ({
        %run_scoped3A_782 = tpu.sem_alloc : memref<!tpu.dma_semaphore, #tpu.memory_space<semaphore_mem>>
        %dma_start3A = arith.constant 0 : i32
        %dma_start3A_783 = tpu.memref_slice %arg5[%run_scoped3A_776, %dma_start3A] : memref<16x16xf32, #tpu.memory_space<vmem>> -> memref<1x16xf32, #tpu.memory_space<vmem>>
        %dma_start3A_784 = tpu.memref_squeeze %dma_start3A_783 : memref<1x16xf32, #tpu.memory_space<vmem>> -> memref<16xf32, #tpu.memory_space<vmem>>
        %dma_start3A_785 = tpu.memref_slice %arg3[%run_scoped3A_777, %run_scoped3A_778, %mul3A_2] : memref<16x1x256xf32, #tpu.memory_space<hbm>> -> memref<1x1x16xf32, #tpu.memory_space<hbm>>
        %dma_start3A_786 = tpu.memref_squeeze %dma_start3A_785 : memref<1x1x16xf32, #tpu.memory_space<hbm>> -> memref<16xf32, #tpu.memory_space<hbm>>
        %dma_start3A_787 = tpu.memref_slice %arg3[%run_scoped3A_777, %run_scoped3A_778, %mul3A_2] : memref<16x1x256xf32, #tpu.memory_space<hbm>> -> memref<1x1x16xf32, #tpu.memory_space<hbm>>
        %dma_start3A_788 = tpu.memref_squeeze %dma_start3A_787 : memref<1x1x16xf32, #tpu.memory_space<hbm>> -> memref<16xf32, #tpu.memory_space<hbm>>
        %dma_start3A_789 = arith.constant 0 : i32
        %dma_start3A_790 = tpu.memref_slice %arg5[%run_scoped3A_776, %dma_start3A_789] : memref<16x16xf32, #tpu.memory_space<vmem>> -> memref<1x16xf32, #tpu.memory_space<vmem>>
        %dma_start3A_791 = tpu.memref_squeeze %dma_start3A_790 : memref<1x16xf32, #tpu.memory_space<vmem>> -> memref<16xf32, #tpu.memory_space<vmem>>
        tpu.enqueue_dma source(%dma_start3A_791 : memref<16xf32, #tpu.memory_space<vmem>>) target(%dma_start3A_788 : memref<16xf32, #tpu.memory_space<hbm>>) target_semaphore(%run_scoped3A_782 : memref<!tpu.dma_semaphore, #tpu.memory_space<semaphore_mem>>)
        %dma_wait3A = arith.constant 0 : i32
        %dma_wait3A_792 = tpu.memref_slice %arg5[%run_scoped3A_776, %dma_wait3A] : memref<16x16xf32, #tpu.memory_space<vmem>> -> memref<1x16xf32, #tpu.memory_space<vmem>>
        %dma_wait3A_793 = tpu.memref_squeeze %dma_wait3A_792 : memref<1x16xf32, #tpu.memory_space<vmem>> -> memref<16xf32, #tpu.memory_space<vmem>>
        %dma_wait3A_794 = tpu.memref_slice %arg3[%run_scoped3A_777, %run_scoped3A_778, %mul3A_2] : memref<16x1x256xf32, #tpu.memory_space<hbm>> -> memref<1x1x16xf32, #tpu.memory_space<hbm>>
        %dma_wait3A_795 = tpu.memref_squeeze %dma_wait3A_794 : memref<1x1x16xf32, #tpu.memory_space<hbm>> -> memref<16xf32, #tpu.memory_space<hbm>>
        %dma_wait3A_796 = tpu.memref_slice %arg3[%run_scoped3A_777, %run_scoped3A_778, %mul3A_2] : memref<16x1x256xf32, #tpu.memory_space<hbm>> -> memref<1x1x16xf32, #tpu.memory_space<hbm>>
        %dma_wait3A_797 = tpu.memref_squeeze %dma_wait3A_796 : memref<1x1x16xf32, #tpu.memory_space<hbm>> -> memref<16xf32, #tpu.memory_space<hbm>>
        %dma_wait3A_798 = arith.constant 0 : i32
        %dma_wait3A_799 = tpu.memref_slice %arg5[%run_scoped3A_776, %dma_wait3A_798] : memref<16x16xf32, #tpu.memory_space<vmem>> -> memref<1x16xf32, #tpu.memory_space<vmem>>
        %dma_wait3A_800 = tpu.memref_squeeze %dma_wait3A_799 : memref<1x16xf32, #tpu.memory_space<vmem>> -> memref<16xf32, #tpu.memory_space<vmem>>
        tpu.wait_dma2 semaphore(%run_scoped3A_782 : memref<!tpu.dma_semaphore, #tpu.memory_space<semaphore_mem>>) src(%dma_wait3A_800 : memref<16xf32, #tpu.memory_space<vmem>>) dst(%dma_wait3A_797 : memref<16xf32, #tpu.memory_space<hbm>>)
        tpu.yield
      }) : () -> ()
      %run_scoped3A_779 = arith.constant 15 : i32
      %run_scoped3A_780 = arith.constant 15 : i32
      %run_scoped3A_781 = arith.constant 0 : i32
      "tpu.region"() ({
        %run_scoped3A_782 = tpu.sem_alloc : memref<!tpu.dma_semaphore, #tpu.memory_space<semaphore_mem>>
        %dma_start3A = arith.constant 0 : i32
        %dma_start3A_783 = tpu.memref_slice %arg5[%run_scoped3A_779, %dma_start3A] : memref<16x16xf32, #tpu.memory_space<vmem>> -> memref<1x16xf32, #tpu.memory_space<vmem>>
        %dma_start3A_784 = tpu.memref_squeeze %dma_start3A_783 : memref<1x16xf32, #tpu.memory_space<vmem>> -> memref<16xf32, #tpu.memory_space<vmem>>
        %dma_start3A_785 = tpu.memref_slice %arg3[%run_scoped3A_780, %run_scoped3A_781, %mul3A_2] : memref<16x1x256xf32, #tpu.memory_space<hbm>> -> memref<1x1x16xf32, #tpu.memory_space<hbm>>
        %dma_start3A_786 = tpu.memref_squeeze %dma_start3A_785 : memref<1x1x16xf32, #tpu.memory_space<hbm>> -> memref<16xf32, #tpu.memory_space<hbm>>
        %dma_start3A_787 = tpu.memref_slice %arg3[%run_scoped3A_780, %run_scoped3A_781, %mul3A_2] : memref<16x1x256xf32, #tpu.memory_space<hbm>> -> memref<1x1x16xf32, #tpu.memory_space<hbm>>
        %dma_start3A_788 = tpu.memref_squeeze %dma_start3A_787 : memref<1x1x16xf32, #tpu.memory_space<hbm>> -> memref<16xf32, #tpu.memory_space<hbm>>
        %dma_start3A_789 = arith.constant 0 : i32
        %dma_start3A_790 = tpu.memref_slice %arg5[%run_scoped3A_779, %dma_start3A_789] : memref<16x16xf32, #tpu.memory_space<vmem>> -> memref<1x16xf32, #tpu.memory_space<vmem>>
        %dma_start3A_791 = tpu.memref_squeeze %dma_start3A_790 : memref<1x16xf32, #tpu.memory_space<vmem>> -> memref<16xf32, #tpu.memory_space<vmem>>
        tpu.enqueue_dma source(%dma_start3A_791 : memref<16xf32, #tpu.memory_space<vmem>>) target(%dma_start3A_788 : memref<16xf32, #tpu.memory_space<hbm>>) target_semaphore(%run_scoped3A_782 : memref<!tpu.dma_semaphore, #tpu.memory_space<semaphore_mem>>)
        %dma_wait3A = arith.constant 0 : i32
        %dma_wait3A_792 = tpu.memref_slice %arg5[%run_scoped3A_779, %dma_wait3A] : memref<16x16xf32, #tpu.memory_space<vmem>> -> memref<1x16xf32, #tpu.memory_space<vmem>>
        %dma_wait3A_793 = tpu.memref_squeeze %dma_wait3A_792 : memref<1x16xf32, #tpu.memory_space<vmem>> -> memref<16xf32, #tpu.memory_space<vmem>>
        %dma_wait3A_794 = tpu.memref_slice %arg3[%run_scoped3A_780, %run_scoped3A_781, %mul3A_2] : memref<16x1x256xf32, #tpu.memory_space<hbm>> -> memref<1x1x16xf32, #tpu.memory_space<hbm>>
        %dma_wait3A_795 = tpu.memref_squeeze %dma_wait3A_794 : memref<1x1x16xf32, #tpu.memory_space<hbm>> -> memref<16xf32, #tpu.memory_space<hbm>>
        %dma_wait3A_796 = tpu.memref_slice %arg3[%run_scoped3A_780, %run_scoped3A_781, %mul3A_2] : memref<16x1x256xf32, #tpu.memory_space<hbm>> -> memref<1x1x16xf32, #tpu.memory_space<hbm>>
        %dma_wait3A_797 = tpu.memref_squeeze %dma_wait3A_796 : memref<1x1x16xf32, #tpu.memory_space<hbm>> -> memref<16xf32, #tpu.memory_space<hbm>>
        %dma_wait3A_798 = arith.constant 0 : i32
        %dma_wait3A_799 = tpu.memref_slice %arg5[%run_scoped3A_779, %dma_wait3A_798] : memref<16x16xf32, #tpu.memory_space<vmem>> -> memref<1x16xf32, #tpu.memory_space<vmem>>
        %dma_wait3A_800 = tpu.memref_squeeze %dma_wait3A_799 : memref<1x16xf32, #tpu.memory_space<vmem>> -> memref<16xf32, #tpu.memory_space<vmem>>
        tpu.wait_dma2 semaphore(%run_scoped3A_782 : memref<!tpu.dma_semaphore, #tpu.memory_space<semaphore_mem>>) src(%dma_wait3A_800 : memref<16xf32, #tpu.memory_space<vmem>>) dst(%dma_wait3A_797 : memref<16xf32, #tpu.memory_space<hbm>>)
        tpu.yield
      }) : () -> ()
    } else {
    }
    return
  }
}

module attributes {stable_mosaic.version = 14 : i64} {
  func.func @_moe_kernel(%arg0: i32, %arg1: memref<256x1024xf32, #tpu.memory_space<vmem>>, %arg2: memref<1x1x256xf32, #tpu.memory_space<vmem>>, %arg3: memref<1x2048x1024xf32, #tpu.memory_space<vmem>>, %arg4: memref<1x1024x1024xf32, #tpu.memory_space<vmem>>, %arg5: memref<256x1024xf32, #tpu.memory_space<vmem>>) attributes {dimension_semantics = [#tpu.dimension_semantics<arbitrary>], iteration_bounds = array<i64: 16>, scalar_prefetch = 0 : i64, scratch_operands = 0 : i64, tpu.core_type = #tpu.core_type<tc>, window_params = [{pipeline_mode = #tpu.pipeline_mode<synchronous>, transform_indices = @transform_0, window_bounds = array<i64: 256, 1024>}, {transform_indices = @transform_1, window_bounds = array<i64: 1, 1, 256>}, {transform_indices = @transform_2, window_bounds = array<i64: 1, 2048, 1024>}, {transform_indices = @transform_3, window_bounds = array<i64: 1, 1024, 1024>}, {pipeline_mode = #tpu.pipeline_mode<synchronous>, transform_indices = @transform_4, window_bounds = array<i64: 256, 1024>}]} {
    %eq3A = arith.constant 0 : i32
    %eq3A_0 = arith.cmpi eq, %arg0, %eq3A : i32
    %convert_element_type3A = arith.extui %eq3A_0 : i1 to i32
    %cond3A = arith.constant 0 : i32
    %cond3A_1 = arith.cmpi ne, %convert_element_type3A, %cond3A : i32
    scf.if %cond3A_1 {
      %broadcast_in_dim3A = arith.constant 0.000000e+00 : f32
      %broadcast_in_dim3A_36 = vector.broadcast %broadcast_in_dim3A : f32 to vector<256x1024xf32>
      %swap3A_37 = arith.constant 0 : index
      %swap3A_38 = arith.constant 0 : index
      %swap3A_39 = vector.load %arg5[%swap3A_37, %swap3A_38] : memref<256x1024xf32, #tpu.memory_space<vmem>>, vector<256x1024xf32>
      tpu.vector_store %arg5[%swap3A_37, %swap3A_38], %broadcast_in_dim3A_36 {strides = array<i32>} : memref<256x1024xf32, #tpu.memory_space<vmem>>, vector<256x1024xf32>,
    } else {
    }
    %get3A = arith.constant 0 : index
    %get3A_2 = arith.constant 0 : index
    %get3A_3 = vector.load %arg1[%get3A, %get3A_2] : memref<256x1024xf32, #tpu.memory_space<vmem>>, vector<256x1024xf32>
    %get3A_4 = arith.constant 0 : index
    %get3A_5 = arith.constant 0 : index
    %get3A_6 = arith.constant 0 : index
    %get3A_7 = vector.load %arg3[%get3A_4, %get3A_5, %get3A_6] : memref<1x2048x1024xf32, #tpu.memory_space<vmem>>, vector<1x2048x1024xf32>
    %get3A_8 = vector.shape_cast %get3A_7 : vector<1x2048x1024xf32> to vector<2048x1024xf32>
    %get3A_9 = arith.constant 0 : index
    %get3A_10 = arith.constant 0 : index
    %get3A_11 = arith.constant 0 : index
    %get3A_12 = vector.load %arg4[%get3A_9, %get3A_10, %get3A_11] : memref<1x1024x1024xf32, #tpu.memory_space<vmem>>, vector<1x1024x1024xf32>
    %get3A_13 = vector.shape_cast %get3A_12 : vector<1x1024x1024xf32> to vector<1024x1024xf32>
    %dot_general3A = arith.constant dense<0.000000e+00> : vector<256x2048xf32>
    %dot_general3A_14 = tpu.matmul %get3A_3, %get3A_8, %dot_general3A {dimension_numbers = #tpu.dot_dimension_numbers<[1], [1], [0], [0], [0, 0, 1, 0], [], []>, transpose_lhs_hint = false} : vector<256x1024xf32>, vector<2048x1024xf32>, vector<256x2048xf32> -> vector<256x2048xf32>
    %slice3A = vector.extract_strided_slice %dot_general3A_14 {offsets = [0, 0], sizes = [256, 1024], strides = [1, 1]} : vector<256x2048xf32> to vector<256x1024xf32>
    %slice3A_15 = vector.extract_strided_slice %dot_general3A_14 {offsets = [0, 1024], sizes = [256, 1024], strides = [1, 1]} : vector<256x2048xf32> to vector<256x1024xf32>
    %logistic3A = arith.negf %slice3A : vector<256x1024xf32>
    %logistic3A_16 = math.exp %logistic3A : vector<256x1024xf32>
    %logistic3A_17 = arith.constant 1.000000e+00 : f32
    %logistic3A_18 = vector.broadcast %logistic3A_17 : f32 to vector<256x1024xf32>
    %logistic3A_19 = arith.addf %logistic3A_18, %logistic3A_16 : vector<256x1024xf32>
    %logistic3A_20 = arith.divf %logistic3A_18, %logistic3A_19 : vector<256x1024xf32>
    %mul3A = arith.mulf %slice3A, %logistic3A_20 : vector<256x1024xf32>
    %mul3A_21 = arith.mulf %mul3A, %slice3A_15 : vector<256x1024xf32>
    %dot_general3A_22 = arith.constant dense<0.000000e+00> : vector<256x1024xf32>
    %dot_general3A_23 = tpu.matmul %mul3A_21, %get3A_13, %dot_general3A_22 {dimension_numbers = #tpu.dot_dimension_numbers<[1], [1], [0], [0], [0, 0, 1, 0], [], []>, transpose_lhs_hint = false} : vector<256x1024xf32>, vector<1024x1024xf32>, vector<256x1024xf32> -> vector<256x1024xf32>
    %get3A_24 = arith.constant 0 : index
    %get3A_25 = arith.constant 0 : index
    %get3A_26 = arith.constant 0 : index
    %get3A_27 = vector.load %arg2[%get3A_24, %get3A_25, %get3A_26] : memref<1x1x256xf32, #tpu.memory_space<vmem>>, vector<1x1x256xf32>
    %get3A_28 = vector.shape_cast %get3A_27 : vector<1x1x256xf32> to vector<1x256xf32>
    %reshape3A = vector.shape_cast %get3A_28 : vector<1x256xf32> to vector<256x1xf32>
    %get3A_29 = arith.constant 0 : index
    %get3A_30 = arith.constant 0 : index
    %get3A_31 = vector.load %arg5[%get3A_29, %get3A_30] : memref<256x1024xf32, #tpu.memory_space<vmem>>, vector<256x1024xf32>
    %mul3A_32 = vector.broadcast %reshape3A : vector<256x1xf32> to vector<256x1024xf32>
    %mul3A_33 = arith.mulf %mul3A_32, %dot_general3A_23 : vector<256x1024xf32>
    %add3A = arith.addf %get3A_31, %mul3A_33 : vector<256x1024xf32>
    %swap3A = arith.constant 0 : index
    %swap3A_34 = arith.constant 0 : index
    %swap3A_35 = vector.load %arg5[%swap3A, %swap3A_34] : memref<256x1024xf32, #tpu.memory_space<vmem>>, vector<256x1024xf32>
    tpu.vector_store %arg5[%swap3A, %swap3A_34], %add3A {strides = array<i32>} : memref<256x1024xf32, #tpu.memory_space<vmem>>, vector<256x1024xf32>,
    return
  }
  func.func @transform_0(%arg0: i32) -> (i32, i32) {
    %c0_i32 = arith.constant 0 : i32
    %c0_i32_0 = arith.constant 0 : i32
    %c0_i32_1 = arith.constant 0 : i32
    return %c0_i32, %c0_i32_0 : i32, i32
  }
  func.func @transform_1(%arg0: i32) -> (i32, i32, i32) {
    %c0_i32 = arith.constant 0 : i32
    %c0_i32_0 = arith.constant 0 : i32
    %c0_i32_1 = arith.constant 0 : i32
    return %arg0, %c0_i32, %c0_i32_0 : i32, i32, i32
  }
  func.func @transform_2(%arg0: i32) -> (i32, i32, i32) {
    %c0_i32 = arith.constant 0 : i32
    %c0_i32_0 = arith.constant 0 : i32
    %c0_i32_1 = arith.constant 0 : i32
    return %arg0, %c0_i32, %c0_i32_0 : i32, i32, i32
  }
  func.func @transform_3(%arg0: i32) -> (i32, i32, i32) {
    %c0_i32 = arith.constant 0 : i32
    %c0_i32_0 = arith.constant 0 : i32
    %c0_i32_1 = arith.constant 0 : i32
    return %arg0, %c0_i32, %c0_i32_0 : i32, i32, i32
  }
  func.func @transform_4(%arg0: i32) -> (i32, i32) {
    %c0_i32 = arith.constant 0 : i32
    %c0_i32_0 = arith.constant 0 : i32
    %c0_i32_1 = arith.constant 0 : i32
    return %c0_i32, %c0_i32_0 : i32, i32
  }
}

</mosaic_0001>

<sc_bundles>
// kernel: kernel.4.cloned.1.call-start
scs
__scs_entry_jumppad:
0x0: {  	(pc) =	sbr.rel $0x88, $3  }
0x1: {  	(tag) =	ssettag $0x0;
	lr =	simm.s32 $0x1  }
0x2: {  	[smem:$0x3F9D] =	sst lr;
	_ =	strace $0xD0000000  }
0x3: {  	_ = 	snop  }
0x4: {  	_ = 	snop  }
0x5: {  	_ = 	snop  }
0x6: {  	_ = 	snop  }
0x7: {  	_ = 	snop  }
__scs_overlays_trampoline_lowered:
0x8: {  	[smem:$0x3FAC] =	sst s0  }
0x9: {  	[smem:$0x3FAD] =	sst s1  }
0xa: {  	[smem:$0x3FAE] =	sst s2  }
0xb: {  	[smem:$0x3FAF] =	sst s3  }
0xc: {  	[smem:$0x3FB0] =	sst s4  }
0xd: {  	[smem:$0x3FB1] =	sst s5  }
0xe: {  	[smem:$0x3FB2] =	sst s6  }
0xf: {  	[smem:$0x3FB3] =	sst s7  }
0x10: {  	[smem:$0x3FB4] =	sst s8  }
0x11: {  	[smem:$0x3FB5] =	sst s9;
	s0 =	simm.s32 @!p0 $0x0  }
0x12: {  	s1 =	sld [smem:$0x3F9B];
	s0 =	simm.s32 @p0 $0x1  }
0x13: {  	[smem:$0x3FB6] =	sst s0;
	s0 =	simm.s32 @!p1 $0x0  }
0x14: {  	s2 =	sld [smem:$0x3F9A];
	s0 =	simm.s32 @p1 $0x1  }
0x15: {  	[smem:$0x3FB7] =	sst s0;
	s0 =	simm.s32 @!p2 $0x0  }
0x16: {  	s3 =	sld [smem:$0x3FDB];
	s0 =	simm.s32 @p2 $0x1  }
0x17: {  	s4 =	simm.s32 $0x1BF5;
	[smem:$0x3FB9] =	sst s0  }
0x18: {  	s0 =	sld [smem:$0x3F9C];
	_ =	swait.ge [sflag:s4], $0x0  }
0x19: {  	s7 =	sld [smem:$0x3F9D]  }
0x1a: {  	s8 =	sadd.s32 $0xFFFFE003, lr  }
0x1b: {  	s9 =	sadd.s32 $0xFFFFFEF7, lr;
	s5 =	simm.s32 $0xFFFFFFFF;
	p2 =	slt.u32 s8, $0xFFFFF086  }
0x1c: {  	p1 =	slt.u32 s9, $0xF7A;
	s5 =	simm.s32 @!p2 $0x0  }
0x1d: {  	s5 =	simm.s32 @p1 $0x1;
	p0 =	seq.s32 s7, s2  }
0x1e: {  	s7 =	smul.u32 @!p0 $0xF7A, s2;
	p2 =	seq.s32 @!p0 s5, $0x0  }
0x1f: {  	s9 =	smul.u32 $0xF7A, s1;
	s8 =	simm.s32 @!p0 $0x1BF5;
	p2 =	por !p2, p0  }
0x20: {  	[sflag:s8] =	ssyncset.s32 @!p0 $0xFFFFF086;
	s6 =	sadd.s32 @!p0 s3, s7;
	s7 =	simm.s32 @!p0 $0x108  }
0x21: {  	s3 =	sadd.s32 s3, s9;
	s6 =	sadd.s32 @!p0 $0x88, s6;
	s7 =	simm.s32 @p2 $0x1082  }
0x22: {  	[simem:s7], [sflag:s8] =	dma.local @!p0 [hbm:s6], $0xF7A  }
0x23: {  	s9 =	sor.u32 $0xD0000000, s2;
	s6 =	simm.s32 $0x108;
	_ =	swait.ge @!p0 [sflag:s8], $0x0  }
0x24: {  	s3 =	sadd.s32 $0x88, s3;
	s6 =	simm.s32 @!p1 $0x1082;
	[sflag:s4] =	ssyncset.s32 $0xFFFFF086  }
0x25: {  	[simem:s6], [sflag:s4] =	dma.local [hbm:s3], $0xF7A  }
0x26: {  	[smem:$0x3F9D] =	sst s1;
	(tag) =	ssettag s2;
	_ =	strace s9  }
0x27: {  	s1 =	sld [smem:$0x3FAD]  }
0x28: {  	s2 =	sld [smem:$0x3FAE]  }
0x29: {  	s4 =	sld [smem:$0x3FB0]  }
0x2a: {  	p0 =	seq.s32 s5, $0x0;
	s5 =	sld [smem:$0x3FB1]  }
0x2b: {  	s6 =	sld [smem:$0x3FB2]  }
0x2c: {  	s7 =	sld [smem:$0x3FB3]  }
0x2d: {  	s3 =	simm.s32 $0x108;
	s8 =	sld [smem:$0x3FB4]  }
0x2e: {  	s3 =	simm.s32 @!p0 $0x1082;
	s9 =	sld [smem:$0x3FB5]  }
0x2f: {  	lr =	sadd.s32 s0, s3;
	s0 =	sld [smem:$0x3FAC]  }
0x30: {  	s3 =	sld [smem:$0x3FAF]  }
0x31: {  	[smem:$0x3FB8] =	sst s10  }
0x32: {  	s10 =	sld [smem:$0x3FB6];
	_ =	sdelay $0x3  }
0x33: {  	p0 =	seq.s32 s10, $0x1;
	s10 =	sld [smem:$0x3FB8];
	_ =	sdelay $0x3  }
0x34: {  	[smem:$0x3FB8] =	sst s10  }
0x35: {  	s10 =	sld [smem:$0x3FB7];
	_ =	sdelay $0x3  }
0x36: {  	p1 =	seq.s32 s10, $0x1;
	s10 =	sld [smem:$0x3FB8];
	_ =	sdelay $0x3  }
0x37: {  	[smem:$0x3FB8] =	sst s10  }
0x38: {  	s10 =	sld [smem:$0x3FB9]  }
0x39: {  	_ = 	snop;
	(pc) =	sbr.ind lr, $3  }
0x3a: {  	_ = 	snop  }
0x3b: {  	_ = 	snop  }
0x3c: {  	p2 =	seq.s32 s10, $0x1;
	s10 =	sld [smem:$0x3FB8]  }
0x3d: {  	_ =	shalt  }
0x3e: {  	_ =	shalt  }
0x3f: {  	_ =	shalt  }
0x40: {  	_ =	shalt  }
0x41: {  	_ =	shalt  }
0x42: {  	_ =	shalt  }
0x43: {  	_ =	shalt  }
0x44: {  	_ =	shalt  }
0x45: {  	_ =	shalt  }
0x46: {  	_ =	shalt  }
0x47: {  	_ =	shalt  }
0x48: {  	_ =	shalt  }
0x49: {  	_ =	shalt  }
0x4a: {  	_ =	shalt  }
0x4b: {  	_ =	shalt  }
0x4c: {  	_ =	shalt  }
0x4d: {  	_ =	shalt  }
0x4e: {  	_ =	shalt  }
0x4f: {  	_ =	shalt  }
0x50: {  	_ =	shalt  }
0x51: {  	_ =	shalt  }
0x52: {  	_ =	shalt  }
0x53: {  	_ =	shalt  }
0x54: {  	_ =	shalt  }
0x55: {  	_ =	shalt  }
0x56: {  	_ =	shalt  }
0x57: {  	_ =	shalt  }
0x58: {  	_ =	shalt  }
0x59: {  	_ =	shalt  }
0x5a: {  	_ =	shalt  }
0x5b: {  	_ =	shalt  }
0x5c: {  	_ =	shalt  }
0x5d: {  	_ =	shalt  }
0x5e: {  	_ =	shalt  }
0x5f: {  	_ =	shalt  }
0x60: {  	_ =	shalt  }
0x61: {  	_ =	shalt  }
0x62: {  	_ =	shalt  }
0x63: {  	_ =	shalt  }
0x64: {  	_ =	shalt  }
0x65: {  	_ =	shalt  }
0x66: {  	_ =	shalt  }
0x67: {  	_ =	shalt  }
0x68: {  	_ =	shalt  }
0x69: {  	_ =	shalt  }
0x6a: {  	_ =	shalt  }
0x6b: {  	_ =	shalt  }
0x6c: {  	_ =	shalt  }
0x6d: {  	_ =	shalt  }
0x6e: {  	_ =	shalt  }
0x6f: {  	_ =	shalt  }
0x70: {  	_ =	shalt  }
0x71: {  	_ =	shalt  }
0x72: {  	_ =	shalt  }
0x73: {  	_ =	shalt  }
0x74: {  	_ =	shalt  }
0x75: {  	_ =	shalt  }
0x76: {  	_ =	shalt  }
0x77: {  	_ =	shalt  }
0x78: {  	_ =	shalt  }
0x79: {  	_ =	shalt  }
0x7a: {  	_ =	shalt  }
0x7b: {  	_ =	shalt  }
0x7c: {  	_ =	shalt  }
0x7d: {  	_ =	shalt  }
0x7e: {  	_ =	shalt  }
0x7f: {  	_ =	shalt  }
0x80: {  	_ =	shalt  }
0x81: {  	_ =	shalt  }
0x82: {  	_ =	shalt  }
0x83: {  	_ =	shalt  }
0x84: {  	_ =	shalt  }
0x85: {  	_ =	shalt  }
0x86: {  	_ =	shalt  }
0x87: {  	_ =	shalt  }
.Lfunc_end0:
.L_simem_size_0:
called_computation_lowered:
.L_overlay_start_0:
0x88: {  	s2 =	sld [smem:$0x3FD9]  }
0x89: {  	s3 =	sld [smem:$0x3FFE];
	_ =	sdelay $0x1  }
0x8a: {  	s1 =	srdreg.scid  }
0x8b: {  	s0 =	sand.u32 $0x1, s1  }
0x8c: {  	s17 =	sshll.u32 s0, $0xA;
	s2 =	sadd.s32 s3, s2  }
0x8d: {  	s2 =	sadd.s32 s2, s17  }
0x8e: {  	[smem:$0x3FC4] =	sst s2  }
0x8f: {  	_ = 	snop  }
0x90: {  	s2 =	sld [smem:$0x3FD0];
	(tm) =	ssettm $0x1  }
0x91: {  	s18 =	sld [smem:$0x3FFB];
	_ =	sdelay $0x3  }
0x92: {  	_ =	strace s18  }
0x93: {  	s3 =	sld [smem:$0x3FFC];
	_ =	sdelay $0x3  }
0x94: {  	_ =	strace s3  }
0x95: {  	s3 =	sld [smem:$0x3FFD];
	_ =	sdelay $0x3  }
0x96: {  	_ =	strace s3  }
0x97: {  	_ =	strace $0x8FFFFFFF  }
0x98: {  	s19 =	sld [smem:$0x3FDB];
	_ =	sdelay $0x1  }
0x99: {  	s4 =	simm.s32 $_scs_section_size  }
0x9a: {  	s5 =	simm.s32 $_size__tile_overlayer_lowered;
	s6 =	simm.s32 $_tile_overlayer_lowered  }
0x9b: {  	s22 =	simm.s32 $0x1BFF;
	s21 =	sshll.u32 s6, $0x1;
	s3 =	sadd.s32 s4, s19  }
0x9c: {  	s7 =	simm.s32 $0x0;
	s20 =	sshll.u32 s5, $0x1;
	s5 =	sadd.s32 s21, s3  }
0x9d: {  	[timem:s7], [sflag:s22] =	dma.local [hbm:s5], s20  }
0x9e: {  	_ =	swait.ge [sflag:s22], s20  }
0x9f: {  	s4 =	ssub.s32 $0x0, s20;
	[sflag:s22] =	ssyncset.done $0x0  }
0xa0: {  	[sflag:s22] =	ssyncadd.s32 s4;
	_ =	sdelay $0x1  }
0xa1: {  	s23 =	simm.s32 $0x1B8B  }
0xa2: {  	_ =	swait.ge [sflag:s23], $0x1  }
0xa3: {  	[sflag:s23] =	ssyncset.done $0x0  }
0xa4: {  	s25 =	simm.s32 $0x1B8E;
	s24 =	sld [smem:$0x3FFE];
	[sflag:s23] =	ssyncadd.s32 $0xFFFFFFFF  }
0xa5: {  	s26 =	simm.s32 $execute0_lowered;
	[smem:$0x3FD2] =	sst s25  }
0xa6: {  	s5 =	sshll.u32 s26, $0x1;
	_ =	strace $0x80000046;
	[dreg:$0x1] =	wrdreg $0xFFFFFFFF  }
0xa7: {  	s28 =	simm.s32 $_size_execute0_lowered;
	s3 =	sadd.s32 s3, s5;
	[dreg:$0x0] =	wrdreg $0x0  }
0xa8: {  	s5 =	sshll.u32 s28, $0x1;
	[dreg:$0x2] =	wrdreg s3  }
0xa9: {  	[dreg:$0x3] =	wrdreg s5  }
0xaa: {  	[dreg:$0x4] =	wrdreg $0xC0  }
0xab: {  	_ =	task [dreg:s7], $0x5FFFF  }
0xac: {  	[dreg:$0x1] =	wrdreg $0xFFFFFFFF  }
0xad: {  	[dreg:$0x0] =	wrdreg $0x60  }
0xae: {  	[dreg:$0x2] =	wrdreg s2  }
0xaf: {  	[dreg:$0x3] =	wrdreg s24  }
0xb0: {  	[dreg:$0x4] =	wrdreg $0x9  }
0xb1: {  	_ =	task.clear_ibuf [dreg:s7], $0x5FFFF;
	_ =	strace $0x90000046  }
0xb2: {  	s29 =	simm.s32 $0x9;
	_ =	strace $0x80000048  }
0xb3: {  	_ =	swait.ge [sflag:s29], $0x1  }
0xb4: {  	[sflag:s29] =	ssyncadd.s32 $0xFFFFFFFF  }
0xb5: {  	_ =	strace $0x90000048  }
0xb6: {  	_ =	sfence  }
0xb7: {  	s30 =	sld [smem:$0x0];
	_ =	sdelay $0x2  }
0xb8: {  	s31 =	sshll.u32 s1, $0xD;
	s1 =	sshrl.u32 s1, $0x2  }
0xb9: {  	s3 =	sand.u32 $0x4000, s31;
	s1 =	sadd.s32 s1, s30  }
0xba: {  	s0 =	sor.u32 s3, s0;
	s1 =	sshll.u32 s1, $0x11  }
0xbb: {  	s0 =	sor.u32 s1, s0  }
0xbc: {  	s0 =	sadd.s32 $0x8F2B, s0  }
0xbd: {  	[sflag:s0] =	ssyncadd.remote.s32 $0x1  }
0xbe: {  	_ =	sfence.sel $0xFFFF  }
0xbf: {  	[dreg:$0x0] =	wrdreg $0xFFFFFFFF;
	(pc) =	sbr.abs _section_cstart, $3  }
0xc0: {  	[dreg:$0x1] =	wrdreg $0xFFFFFFFF  }
0xc1: {  	_ =	task.clear_ibuf [dreg:s7], $0x2FFFF;
	_ =	strace $0x9FFFFFFF  }
0xc2: {  	(tm) =	ssettm $0x7FFFFFFF  }
0xc3: {  	_ =	shalt  }
tec
execute0_lowered:
.L_overlay_start_1:
0x0: {  	(tag) =	ssettag $0x1  }
0x1: {  	s1 =	stileid.u32  }
0x2: {  	p0 =	sgt.u32 s1, $0x7  }
.Ltmp0:
0x3: {  	_ = 	snop;
	(pc) =	sbr.rel @p0 .LBB2_3-.Ltmp0, $4  }
0x4: {  	_ = 	snop  }
0x5: {  	s0 =	rddreg [dreg:$0x0];
	s2 =	simm.s32 $0x0  }
0x6: {  	[smem:$0x7FF] =	sst s2  }
0x7: {  	s5 =	rddreg [dreg:$0x1];
	_ =	strace $0x80000047  }
0x8: {  	s3 =	srdreg.scid  }
0x9: {  	s1 =	stileid.u32;
	s3 =	sand.u32 $0x1, s3  }
0xa: {  	s4 =	sshll.u32 s1, $0x2;
	s6 =	sshll.u32 s3, $0x1  }
0xb: {  	s5 =	sadd.s32 $0x800, s5;
	s28 =	simm.s32 $0xD80;
	s4 =	sor.u32 s6, s4  }
0xc: {  	s29 =	simm.s32 $0xE00;
	s6 =	sadd.s32 $0x20, s4;
	s1 =	sadd.s32 s5, s4  }
0xd: {  	s8 =	sor.u32 $0x40, s4;
	s7 =	sadd.s32 s0, s6;
	[dreg:$0x12] =	wrdreg s1  }
0xe: {  	s9 =	sadd.s32 $0x60, s4;
	s13 =	sadd.s32 s0, s8;
	[dreg:$0x3] =	wrdreg s7  }
0xf: {  	s10 =	sor.u32 $0x80, s4;
	s14 =	sadd.s32 s0, s9;
	[dreg:$0x4] =	wrdreg s13  }
0x10: {  	s11 =	sadd.s32 $0xA0, s4;
	s15 =	sadd.s32 s0, s10;
	[dreg:$0x5] =	wrdreg s14  }
0x11: {  	s12 =	sor.u32 $0xC0, s4;
	s16 =	sadd.s32 s0, s11;
	[dreg:$0x6] =	wrdreg s15  }
0x12: {  	s30 =	simm.s32 $0xE80;
	s17 =	sadd.s32 s0, s12;
	[dreg:$0x7] =	wrdreg s16  }
0x13: {  	s31 =	simm.s32 $0xF00;
	s6 =	sadd.s32 s5, s6;
	[dreg:$0x8] =	wrdreg s17  }
0x14: {  	s3 =	ssub.s32 $0x2, s3;
	s8 =	sadd.s32 s5, s8;
	[dreg:$0x13] =	wrdreg s6  }
0x15: {  	s9 =	sadd.s32 s5, s9;
	s10 =	sadd.s32 s5, s10;
	[dreg:$0x14] =	wrdreg s8  }
0x16: {  	s11 =	sadd.s32 s5, s11;
	s12 =	sadd.s32 s5, s12;
	[dreg:$0x15] =	wrdreg s9  }
0x17: {  	s13 =	sadd.s32 $0xE0, s4;
	s14 =	sor.u32 $0x100, s4;
	[dreg:$0x16] =	wrdreg s10  }
0x18: {  	s15 =	sadd.s32 $0x120, s4;
	s16 =	sor.u32 $0x140, s4;
	[dreg:$0x17] =	wrdreg s11  }
0x19: {  	s17 =	sadd.s32 $0x160, s4;
	[dreg:$0x18] =	wrdreg s12;
	s18 =	sadd.s32 s0, s13  }
0x1a: {  	s6 =	simm.s32 $0x300;
	s19 =	sadd.s32 s0, s14;
	[dreg:$0x9] =	wrdreg s18  }
0x1b: {  	s7 =	simm.s32 $0x380;
	s20 =	sadd.s32 s0, s15;
	[dreg:$0xa] =	wrdreg s19  }
0x1c: {  	s8 =	simm.s32 $0x400;
	s21 =	sadd.s32 s0, s16;
	[dreg:$0xb] =	wrdreg s20  }
0x1d: {  	s9 =	simm.s32 $0x480;
	s22 =	sadd.s32 s0, s17;
	[dreg:$0xc] =	wrdreg s21  }
0x1e: {  	s10 =	simm.s32 $0x500;
	s13 =	sadd.s32 s5, s13;
	[dreg:$0xd] =	wrdreg s22  }
0x1f: {  	s11 =	simm.s32 $0x580;
	s14 =	sadd.s32 s5, s14;
	[dreg:$0x19] =	wrdreg s13  }
0x20: {  	s12 =	simm.s32 $0x600;
	s15 =	sadd.s32 s5, s15;
	[dreg:$0x1a] =	wrdreg s14  }
0x21: {  	s16 =	sadd.s32 s5, s16;
	s17 =	sadd.s32 s5, s17;
	[dreg:$0x1b] =	wrdreg s15  }
0x22: {  	s18 =	sor.u32 $0x180, s4;
	s19 =	sadd.s32 $0x1A0, s4;
	[dreg:$0x1c] =	wrdreg s16  }
0x23: {  	s20 =	sor.u32 $0x1C0, s4;
	[dreg:$0x1d] =	wrdreg s17;
	s22 =	simm.s32 $0x80  }
0x24: {  	s21 =	sadd.s32 $0x1E0, s4;
	s23 =	sadd.s32 s0, s18;
	[smem:$0x7FA] =	sst s22  }
0x25: {  	s13 =	simm.s32 $0x680;
	s24 =	sadd.s32 s0, s19;
	[dreg:$0xe] =	wrdreg s23  }
0x26: {  	s14 =	simm.s32 $0x700;
	s25 =	sadd.s32 s0, s20;
	[dreg:$0xf] =	wrdreg s24  }
0x27: {  	s15 =	simm.s32 $0x780;
	s26 =	sadd.s32 s0, s21;
	[dreg:$0x10] =	wrdreg s25  }
0x28: {  	s16 =	simm.s32 $0x800;
	s18 =	sadd.s32 s5, s18;
	[dreg:$0x11] =	wrdreg s26  }
0x29: {  	s17 =	simm.s32 $0x880;
	s19 =	sadd.s32 s5, s19;
	[dreg:$0x1e] =	wrdreg s18  }
0x2a: {  	s20 =	sadd.s32 s5, s20;
	s5 =	sadd.s32 s5, s21;
	[dreg:$0x1f] =	wrdreg s19  }
0x2b: {  	s21 =	sadd.s32 s0, s4;
	s4 =	simm.s32 $0x1;
	[smem:$0x7F7] =	sst s20  }
0x2c: {  	s22 =	simm.s32 $0xB00;
	s0 =	simm.s32 $0xF80;
	[smem:$0x7F8] =	sst s5  }
0x2d: {  	[smem:$0x7F9] =	sst s21;
	s23 =	simm.s32 $0x100;
	s24 =	sshrl.u32 s3, $0x1  }
0x2e: {  	s25 =	simm.s32 $0x180;
	s26 =	simm.s32 $0x200;
	s18 =	simm.s32 $0x900  }
0x2f: {  	s19 =	simm.s32 $0x980;
	s20 =	simm.s32 $0xA00;
	[smem:$0x7FB] =	sst s23  }
0x30: {  	s21 =	simm.s32 $0xA80;
	s3 =	ssub.s32 s3, s24;
	[smem:$0x7FC] =	sst s25  }
0x31: {  	[smem:$0x7FD] =	sst s26;
	s23 =	simm.s32 $0xB80;
	s24 =	simm.s32 $0xC00  }
0x32: {  	v0 =	vimm.s32 $0x0;
	v1 =	vimm.s32 $0xFFFFFFFF;
	s25 =	simm.s32 $0xC80;
	s26 =	simm.s32 $0xD00;
	s3 =	smax.u32 s3, $0x1  }
.LBB2_2:
0x33: {  	s1 =	sld [smem:$0x7F9];
	_ =	sdelay $0x2  }
0x34: {  	[tilespmem:s2], [sflag:$0x1] =	stream.linear.gather [hbm4b:s1+s2], $0x10, $0x38;
	[tilespmem:$0x1000] =	vst v63  }
0x35: {  	_ =	swait.ge [sflag:s4], $0x10  }
0x36: {  	s5 =	sld [smem:$0x7FA]  }
0x37: {  	[sflag:s4] =	ssyncset.done $0x0  }
0x38: {  	s1 =	rddreg [dreg:$0x3];
	[sflag:s4] =	ssyncadd.s32 $0xFFFFFFF0  }
0x39: {  	[tilespmem:s5], [sflag:$0x1] =	stream.linear.gather [hbm4b:s1+s2], $0x10, $0x38;
	[tilespmem:$0x1000] =	vst v63  }
0x3a: {  	_ =	swait.ge [sflag:s4], $0x10  }
0x3b: {  	s5 =	sld [smem:$0x7FB]  }
0x3c: {  	[sflag:s4] =	ssyncset.done $0x0  }
0x3d: {  	s1 =	rddreg [dreg:$0x4];
	[sflag:s4] =	ssyncadd.s32 $0xFFFFFFF0  }
0x3e: {  	[tilespmem:s5], [sflag:$0x1] =	stream.linear.gather [hbm4b:s1+s2], $0x10, $0x38;
	[tilespmem:$0x1000] =	vst v63  }
0x3f: {  	_ =	swait.ge [sflag:s4], $0x10  }
0x40: {  	s5 =	sld [smem:$0x7FC]  }
0x41: {  	[sflag:s4] =	ssyncset.done $0x0  }
0x42: {  	s1 =	rddreg [dreg:$0x5];
	[sflag:s4] =	ssyncadd.s32 $0xFFFFFFF0  }
0x43: {  	[tilespmem:s5], [sflag:$0x1] =	stream.linear.gather [hbm4b:s1+s2], $0x10, $0x38;
	[tilespmem:$0x1000] =	vst v63  }
0x44: {  	_ =	swait.ge [sflag:s4], $0x10  }
0x45: {  	s5 =	sld [smem:$0x7FD]  }
0x46: {  	[sflag:s4] =	ssyncset.done $0x0  }
0x47: {  	s1 =	rddreg [dreg:$0x6];
	[sflag:s4] =	ssyncadd.s32 $0xFFFFFFF0  }
0x48: {  	[tilespmem:s5], [sflag:$0x1] =	stream.linear.gather [hbm4b:s1+s2], $0x10, $0x38;
	[tilespmem:$0x1000] =	vst v63  }
0x49: {  	_ =	swait.ge [sflag:s4], $0x10  }
0x4a: {  	[sflag:s4] =	ssyncset.done $0x0  }
0x4b: {  	s5 =	simm.s32 $0x280;
	s1 =	rddreg [dreg:$0x7];
	[sflag:s4] =	ssyncadd.s32 $0xFFFFFFF0  }
0x4c: {  	[tilespmem:s5], [sflag:$0x1] =	stream.linear.gather [hbm4b:s1+s2], $0x10, $0x38;
	[tilespmem:$0x1000] =	vst v63  }
0x4d: {  	_ =	swait.ge [sflag:s4], $0x10  }
0x4e: {  	[sflag:s4] =	ssyncset.done $0x0  }
0x4f: {  	s5 =	rddreg [dreg:$0x8];
	[sflag:s4] =	ssyncadd.s32 $0xFFFFFFF0  }
0x50: {  	[tilespmem:s6], [sflag:$0x1] =	stream.linear.gather [hbm4b:s5+s2], $0x10, $0x38;
	[tilespmem:$0x1000] =	vst v63  }
0x51: {  	_ =	swait.ge [sflag:s4], $0x10  }
0x52: {  	[sflag:s4] =	ssyncset.done $0x0  }
0x53: {  	s5 =	rddreg [dreg:$0x9];
	[sflag:s4] =	ssyncadd.s32 $0xFFFFFFF0  }
0x54: {  	[tilespmem:s7], [sflag:$0x1] =	stream.linear.gather [hbm4b:s5+s2], $0x10, $0x38;
	[tilespmem:$0x1000] =	vst v63  }
0x55: {  	_ =	swait.ge [sflag:s4], $0x10  }
0x56: {  	[sflag:s4] =	ssyncset.done $0x0  }
0x57: {  	s5 =	rddreg [dreg:$0xa];
	[sflag:s4] =	ssyncadd.s32 $0xFFFFFFF0  }
0x58: {  	[tilespmem:s8], [sflag:$0x1] =	stream.linear.gather [hbm4b:s5+s2], $0x10, $0x38;
	[tilespmem:$0x1000] =	vst v63  }
0x59: {  	_ =	swait.ge [sflag:s4], $0x10  }
0x5a: {  	[sflag:s4] =	ssyncset.done $0x0  }
0x5b: {  	s5 =	rddreg [dreg:$0xb];
	[sflag:s4] =	ssyncadd.s32 $0xFFFFFFF0  }
0x5c: {  	[tilespmem:s9], [sflag:$0x1] =	stream.linear.gather [hbm4b:s5+s2], $0x10, $0x38;
	[tilespmem:$0x1000] =	vst v63  }
0x5d: {  	_ =	swait.ge [sflag:s4], $0x10  }
0x5e: {  	[sflag:s4] =	ssyncset.done $0x0  }
0x5f: {  	s5 =	rddreg [dreg:$0xc];
	[sflag:s4] =	ssyncadd.s32 $0xFFFFFFF0  }
0x60: {  	[tilespmem:s10], [sflag:$0x1] =	stream.linear.gather [hbm4b:s5+s2], $0x10, $0x38;
	[tilespmem:$0x1000] =	vst v63  }
0x61: {  	_ =	swait.ge [sflag:s4], $0x10  }
0x62: {  	[sflag:s4] =	ssyncset.done $0x0  }
0x63: {  	s5 =	rddreg [dreg:$0xd];
	[sflag:s4] =	ssyncadd.s32 $0xFFFFFFF0  }
0x64: {  	[tilespmem:s11], [sflag:$0x1] =	stream.linear.gather [hbm4b:s5+s2], $0x10, $0x38;
	[tilespmem:$0x1000] =	vst v63  }
0x65: {  	_ =	swait.ge [sflag:s4], $0x10  }
0x66: {  	[sflag:s4] =	ssyncset.done $0x0  }
0x67: {  	s5 =	rddreg [dreg:$0xe];
	[sflag:s4] =	ssyncadd.s32 $0xFFFFFFF0  }
0x68: {  	[tilespmem:s12], [sflag:$0x1] =	stream.linear.gather [hbm4b:s5+s2], $0x10, $0x38;
	[tilespmem:$0x1000] =	vst v63  }
0x69: {  	_ =	swait.ge [sflag:s4], $0x10  }
0x6a: {  	[sflag:s4] =	ssyncset.done $0x0  }
0x6b: {  	s5 =	rddreg [dreg:$0xf];
	[sflag:s4] =	ssyncadd.s32 $0xFFFFFFF0  }
0x6c: {  	[tilespmem:s13], [sflag:$0x1] =	stream.linear.gather [hbm4b:s5+s2], $0x10, $0x38;
	[tilespmem:$0x1000] =	vst v63  }
0x6d: {  	_ =	swait.ge [sflag:s4], $0x10  }
0x6e: {  	[sflag:s4] =	ssyncset.done $0x0  }
0x6f: {  	s5 =	rddreg [dreg:$0x10];
	[sflag:s4] =	ssyncadd.s32 $0xFFFFFFF0  }
0x70: {  	[tilespmem:s14], [sflag:$0x1] =	stream.linear.gather [hbm4b:s5+s2], $0x10, $0x38;
	[tilespmem:$0x1000] =	vst v63  }
0x71: {  	_ =	swait.ge [sflag:s4], $0x10  }
0x72: {  	[sflag:s4] =	ssyncset.done $0x0  }
0x73: {  	s5 =	rddreg [dreg:$0x11];
	[sflag:s4] =	ssyncadd.s32 $0xFFFFFFF0  }
0x74: {  	[tilespmem:s15], [sflag:$0x1] =	stream.linear.gather [hbm4b:s5+s2], $0x10, $0x38;
	[tilespmem:$0x1000] =	vst v63  }
0x75: {  	_ =	swait.ge [sflag:s4], $0x10  }
0x76: {  	[sflag:s4] =	ssyncset.done $0x0  }
0x77: {  	[sflag:s4] =	ssyncadd.s32 $0xFFFFFFF0  }
0x78: {  	v2 =	vld [tilespmem:$0x0];
	_ =	sdelay $0x2  }
0x79: {  	v3 =	vld [tilespmem:$0x80];
	_ =	sdelay $0x1  }
0x7a: {  	vm0 =	vgt.f32 v2, $-3.402823470e+38  }
0x7b: {  	vm0 =	vmneg vm0  }
0x7c: {  	v4 =	vimm.s32 $0x0;
	v48 =	vld [tilespmem:$0x100];
	v2 =	vsel vm0, $0xFF7FFFFF, v2  }
0x7d: {  	v4 =	vsel vm0, $0xFFFFFFFF, v4;
	vm0 =	vgt.f32 v3, v2  }
0x7e: {  	vm5 =	vgt.f32 v3, $-3.402823470e+38;
	vm1 =	vmneg vm0  }
0x7f: {  	vm0 =	vmand vm5, vm1  }
0x80: {  	v5 =	vimm.s32 $0x0;
	v6 =	vld [tilespmem:$0x180];
	v50 =	vnsel vm0, $0xFF7FFFFF, v3;
	v3 =	vsel vm1, v2, v3  }
0x81: {  	v49 =	vimm.s32 $0x0;
	v2 =	vsel vm1, v50, v2;
	vm6 =	vgt.f32 v48, v3  }
0x82: {  	v5 =	vsel vm1, $0xFFFFFFFF, v5;
	vm10 =	vmneg vm6;
	vm7 =	vgt.f32 v48, v2  }
0x83: {  	[tilespmem:$0x1FF20] =	vst v5;
	v5 =	vsel vm0, $0xFFFFFFFF, v49;
	vm0 =	vmand vm10, vm7  }
0x84: {  	[tilespmem:$0x1FF00] =	vst v4;
	v4 =	vsel vm10, v3, v48;
	v2 =	vsel vm0, v48, v2  }
0x85: {  	v52 =	vld [tilespmem:$0x200];
	vm8 =	vgt.f32 v6, v4;
	v2 =	vsel vm10, v2, v3  }
0x86: {  	v51 =	vimm.s32 $0x0;
	vm8 =	vmneg vm8;
	vm9 =	vgt.f32 v6, v2  }
0x87: {  	[tilespmem:$0x1FF10] =	vst v5;
	v5 =	vsel vm0, $0xFFFFFFFF, v51;
	v3 =	vimm.s32 $0x0;
	vm0 =	vmand vm8, vm9  }
0x88: {  	v3 =	vsel vm0, $0xFFFFFFFF, v3  }
0x89: {  	v53 =	vld [tilespmem:$0x280];
	v2 =	vsel vm0, v6, v2;
	[tilespmem:$0x1FF40] =	vst v3;
	v3 =	vsel vm8, v4, v6  }
0x8a: {  	v2 =	vsel vm8, v2, v4;
	vm11 =	vgt.f32 v52, v3  }
0x8b: {  	vm12 =	vgt.f32 v52, v2;
	vm7 =	vmneg vm11  }
0x8c: {  	vm0 =	vmand vm7, vm12  }
0x8d: {  	v55 =	vsel vm7, v3, v52;
	v2 =	vsel vm0, v52, v2  }
0x8e: {  	v56 =	vld [tilespmem:$0x300];
	vm13 =	vgt.f32 v53, v55;
	v2 =	vsel vm7, v2, v3  }
0x8f: {  	v54 =	vimm.s32 $0x0;
	vm9 =	vmneg vm13;
	vm14 =	vgt.f32 v53, v2  }
0x90: {  	v4 =	vsel vm0, $0xFFFFFFFF, v54;
	v3 =	vimm.s32 $0x0;
	vm0 =	vmand vm9, vm14  }
0x91: {  	v3 =	vsel vm0, $0xFFFFFFFF, v3  }
0x92: {  	v57 =	vld [tilespmem:$0x380];
	v2 =	vsel vm0, v53, v2;
	[tilespmem:$0x1FF60] =	vst v3;
	v3 =	vsel vm9, v55, v53  }
0x93: {  	v2 =	vsel vm9, v2, v55;
	vm15 =	vgt.f32 v56, v3  }
0x94: {  	vm4 =	vgt.f32 v56, v2;
	vm11 =	vmneg vm15  }
0x95: {  	vm0 =	vmand vm11, vm4  }
0x96: {  	v59 =	vsel vm11, v3, v56;
	v2 =	vsel vm0, v56, v2  }
0x97: {  	v60 =	vld [tilespmem:$0x400];
	vm5 =	vgt.f32 v57, v59;
	v2 =	vsel vm11, v2, v3  }
0x98: {  	v58 =	vimm.s32 $0x0;
	vm13 =	vmneg vm5;
	vm6 =	vgt.f32 v57, v2  }
0x99: {  	[tilespmem:$0x1FF50] =	vst v4;
	v4 =	vsel vm0, $0xFFFFFFFF, v58;
	v3 =	vimm.s32 $0x0;
	vm0 =	vmand vm13, vm6  }
0x9a: {  	v3 =	vsel vm0, $0xFFFFFFFF, v3  }
0x9b: {  	v61 =	vld [tilespmem:$0x480];
	v2 =	vsel vm0, v57, v2;
	[tilespmem:$0x1FF80] =	vst v3;
	v3 =	vsel vm13, v59, v57  }
0x9c: {  	v2 =	vsel vm13, v2, v59;
	vm12 =	vgt.f32 v60, v3  }
0x9d: {  	vm14 =	vgt.f32 v60, v2;
	vm15 =	vmneg vm12  }
0x9e: {  	vm0 =	vmand vm15, vm14  }
0x9f: {  	v63 =	vsel vm15, v3, v60;
	v2 =	vsel vm0, v60, v2  }
0xa0: {  	v9 =	vld [tilespmem:$0x500];
	vm4 =	vgt.f32 v61, v63;
	v2 =	vsel vm15, v2, v3  }
0xa1: {  	v62 =	vimm.s32 $0x0;
	vm6 =	vmneg vm4;
	vm5 =	vgt.f32 v61, v2  }
0xa2: {  	[tilespmem:$0x1FF70] =	vst v4;
	v4 =	vsel vm0, $0xFFFFFFFF, v62;
	v3 =	vimm.s32 $0x0;
	vm0 =	vmand vm6, vm5  }
0xa3: {  	v3 =	vsel vm0, $0xFFFFFFFF, v3  }
0xa4: {  	v10 =	vld [tilespmem:$0x580];
	v2 =	vsel vm0, v61, v2;
	[tilespmem:$0x1FFA0] =	vst v3;
	v3 =	vsel vm6, v63, v61  }
0xa5: {  	v2 =	vsel vm6, v2, v63;
	vm12 =	vgt.f32 v9, v3  }
0xa6: {  	vm14 =	vgt.f32 v9, v2;
	vm5 =	vmneg vm12  }
0xa7: {  	vm0 =	vmand vm5, vm14  }
0xa8: {  	v12 =	vsel vm5, v3, v9;
	v2 =	vsel vm0, v9, v2  }
0xa9: {  	v13 =	vld [tilespmem:$0x600];
	vm4 =	vgt.f32 v10, v12;
	v2 =	vsel vm5, v2, v3  }
0xaa: {  	v11 =	vimm.s32 $0x0;
	vm4 =	vmneg vm4;
	vm12 =	vgt.f32 v10, v2  }
0xab: {  	[tilespmem:$0x1FF90] =	vst v4;
	v4 =	vsel vm0, $0xFFFFFFFF, v11;
	v3 =	vimm.s32 $0x0;
	vm0 =	vmand vm4, vm12  }
0xac: {  	v3 =	vsel vm0, $0xFFFFFFFF, v3  }
0xad: {  	v14 =	vld [tilespmem:$0x680];
	v2 =	vsel vm0, v10, v2;
	[tilespmem:$0x1FFC0] =	vst v3;
	v3 =	vsel vm4, v12, v10  }
0xae: {  	v2 =	vsel vm4, v2, v12;
	vm14 =	vgt.f32 v13, v3  }
0xaf: {  	vm12 =	vgt.f32 v13, v2;
	vm3 =	vmneg vm14  }
0xb0: {  	vm0 =	vmand vm3, vm12  }
0xb1: {  	v16 =	vsel vm3, v3, v13;
	v2 =	vsel vm0, v13, v2  }
0xb2: {  	v17 =	vld [tilespmem:$0x700];
	vm14 =	vgt.f32 v14, v16;
	v2 =	vsel vm3, v2, v3  }
0xb3: {  	v15 =	vimm.s32 $0x0;
	vm2 =	vmneg vm14;
	vm12 =	vgt.f32 v14, v2  }
0xb4: {  	[tilespmem:$0x1FFB0] =	vst v4;
	v4 =	vsel vm0, $0xFFFFFFFF, v15;
	v3 =	vimm.s32 $0x0;
	vm0 =	vmand vm2, vm12  }
0xb5: {  	v3 =	vsel vm0, $0xFFFFFFFF, v3  }
0xb6: {  	v2 =	vsel vm0, v14, v2;
	[tilespmem:$0x1FFE0] =	vst v3;
	v3 =	vsel vm2, v16, v14  }
0xb7: {  	v2 =	vsel vm2, v2, v16;
	vm14 =	vgt.f32 v17, v3  }
0xb8: {  	vm12 =	vgt.f32 v17, v2;
	vm1 =	vmneg vm14  }
0xb9: {  	vm0 =	vmand vm1, vm12  }
0xba: {  	v18 =	vld [tilespmem:$0x780];
	v2 =	vsel vm0, v17, v2  }
0xbb: {  	v20 =	vsel vm1, v3, v17;
	v2 =	vsel vm1, v2, v3;
	v3 =	vld [tilespmem:$0x1FF00]  }
0xbc: {  	v21 =	vld [tilespmem:$0x1FF10]  }
0xbd: {  	v7 =	vld [tilespmem:$0x1FF20];
	[tilespmem:$0x1FF30] =	vst v5  }
0xbe: {  	v19 =	vimm.s32 $0x0;
	v22 =	vld [tilespmem:$0x1FF30]  }
0xbf: {  	[tilespmem:$0x1FFD0] =	vst v4;
	v4 =	vsel vm0, $0xFFFFFFFF, v19;
	vm14 =	vgt.f32 v18, v20  }
0xc0: {  	v24 =	vld [tilespmem:$0x1FF40];
	vm0 =	vmneg vm14;
	vm14 =	vgt.f32 v18, v2;
	vm12 =	vnez.u8 v3  }
0xc1: {  	vm14 =	vmand vm0, vm14;
	v3 =	vsel vm12, $0xFFFFFFFF, v0;
	vm12 =	vnez.u8 v21  }
0xc2: {  	v25 =	vld [tilespmem:$0x1FF50];
	v2 =	vsel vm14, v18, v2;
	v5 =	vsel vm12, $0x1, v1;
	vm12 =	vnez.u8 v7  }
0xc3: {  	v5 =	vsel vm12, v5, v3;
	v3 =	vnsel vm12, $0x1, v3;
	vm12 =	vnez.u8 v22  }
0xc4: {  	v26 =	vld [tilespmem:$0x1FF60];
	[tilespmem:$0x1FFF0] =	vst v4;
	v4 =	vsel vm0, v20, v18;
	v2 =	vsel vm0, v2, v20;
	v5 =	vsel vm12, $0x2, v5  }
0xc5: {  	v2 =	vsub.f32 v2, v4;
	vm12 =	vnez.u8 v24;
	v23 =	vsel vm10, v5, v3  }
0xc6: {  	v27 =	vld [tilespmem:$0x1FF70];
	v3 =	vnsel vm10, $0x2, v3;
	v4 =	vsel vm12, $0x3, v23  }
0xc7: {  	v2 =	vmul.f32 $1.442695020e+00, v2;
	vm12 =	vnez.u8 v25;
	v4 =	vsel vm8, v4, v3  }
0xc8: {  	v28 =	vld [tilespmem:$0x1FF80];
	v3 =	vnsel vm8, $0x3, v3;
	v4 =	vsel vm12, $0x4, v4  }
0xc9: {  	(erf) = vpow2.f32 v2;
	vm10 =	vnez.u8 v26;
	v2 =	vsel vm7, v4, v3  }
0xca: {  	v29 =	vld [tilespmem:$0x1FF90];
	v3 =	vnsel vm7, $0x4, v3;
	v2 =	vsel vm10, $0x5, v2  }
0xcb: {  	vm12 =	vnez.u8 v27;
	v2 =	vsel vm9, v2, v3  }
0xcc: {  	v30 =	vld [tilespmem:$0x1FFA0];
	v3 =	vnsel vm9, $0x5, v3;
	v2 =	vsel vm12, $0x6, v2  }
0xcd: {  	vm9 =	vnez.u8 v28;
	v2 =	vsel vm11, v2, v3  }
0xce: {  	v33 =	vld [tilespmem:$0x1FFB0];
	v3 =	vnsel vm11, $0x6, v3;
	v2 =	vsel vm9, $0x7, v2  }
0xcf: {  	vm10 =	vnez.u8 v29;
	v2 =	vsel vm13, v2, v3  }
0xd0: {  	v34 =	vld [tilespmem:$0x1FFC0];
	v3 =	vnsel vm13, $0x7, v3;
	v2 =	vsel vm10, $0x8, v2  }
0xd1: {  	vm11 =	vnez.u8 v30;
	v2 =	vsel vm15, v2, v3  }
0xd2: {  	v35 =	vld [tilespmem:$0x1FFD0];
	v3 =	vnsel vm15, $0x8, v3;
	v2 =	vsel vm11, $0x9, v2  }
0xd3: {  	vm12 =	vnez.u8 v33;
	v31 =	vpop (erf);
	v2 =	vsel vm6, v2, v3  }
0xd4: {  	v36 =	vld [tilespmem:$0x1FFE0];
	v32 =	vadd.f32 $1.000000000e+00, v31;
	v3 =	vnsel vm6, $0x9, v3;
	v2 =	vsel vm12, $0xA, v2  }
0xd5: {  	vm13 =	vnez.u8 v34;
	v2 =	vsel vm5, v2, v3  }
0xd6: {  	v37 =	vld [tilespmem:$0x1FFF0];
	(erf) = vrcp.f32 v32;
	v3 =	vnsel vm5, $0xA, v3;
	v2 =	vsel vm13, $0xB, v2  }
0xd7: {  	vm15 =	vnez.u8 v35;
	v2 =	vsel vm4, v2, v3  }
0xd8: {  	v3 =	vnsel vm4, $0xB, v3;
	v2 =	vsel vm15, $0xC, v2  }
0xd9: {  	vm7 =	vnez.u8 v36;
	v2 =	vsel vm3, v2, v3  }
0xda: {  	v3 =	vnsel vm3, $0xC, v3;
	v2 =	vsel vm7, $0xD, v2  }
0xdb: {  	vm8 =	vnez.u8 v37;
	v2 =	vsel vm2, v2, v3  }
0xdc: {  	v3 =	vnsel vm2, $0xD, v3;
	v2 =	vsel vm8, $0xE, v2  }
0xdd: {  	v2 =	vsel vm1, v2, v3  }
0xde: {  	v3 =	vnsel vm1, $0xE, v3;
	v2 =	vsel vm14, $0xF, v2  }
0xdf: {  	v38 =	vpop (erf);
	v2 =	vsel vm0, v2, v3;
	v3 =	vnsel vm0, $0xF, v3  }
0xe0: {  	v4 =	vmul.f32 v38, v31;
	vm0 =	veq.s32 v3, $0x0;
	vm9 =	veq.s32 v2, $0x0  }
0xe1: {  	vm10 =	veq.s32 v3, $0x1;
	vm11 =	veq.s32 v2, $0x1;
	vm12 =	veq.s32 v3, $0x2  }
0xe2: {  	vm13 =	veq.s32 v2, $0x2;
	vm14 =	veq.s32 v3, $0x3;
	vm15 =	veq.s32 v2, $0x3  }
0xe3: {  	vm4 =	veq.s32 v3, $0x4;
	vm5 =	veq.s32 v2, $0x4;
	vm6 =	veq.s32 v3, $0x5  }
0xe4: {  	vm7 =	veq.s32 v2, $0x5;
	vm8 =	veq.s32 v3, $0x6;
	v39 =	vnsel vm0, $0x0, v38  }
0xe5: {  	v40 =	vnsel vm9, $0x0, v4;
	v41 =	vnsel vm10, $0x0, v38;
	v8 =	vnsel vm11, $0x0, v4  }
0xe6: {  	v42 =	vnsel vm12, $0x0, v38;
	v9 =	vnsel vm13, $0x0, v4;
	v43 =	vnsel vm14, $0x0, v38  }
0xe7: {  	v10 =	vnsel vm15, $0x0, v4;
	v44 =	vnsel vm4, $0x0, v38;
	v11 =	vnsel vm5, $0x0, v4  }
0xe8: {  	v45 =	vnsel vm6, $0x0, v38;
	v12 =	vnsel vm7, $0x0, v4;
	vm9 =	veq.s32 v2, $0x6  }
0xe9: {  	v46 =	vnsel vm8, $0x0, v38;
	vm10 =	veq.s32 v3, $0x7;
	vm11 =	veq.s32 v2, $0x7  }
0xea: {  	vm12 =	veq.s32 v3, $0x8;
	vm13 =	veq.s32 v2, $0x8;
	vm14 =	veq.s32 v3, $0x9  }
0xeb: {  	vm15 =	veq.s32 v2, $0x9;
	vm4 =	veq.s32 v3, $0xA;
	vm5 =	veq.s32 v2, $0xA  }
0xec: {  	vm6 =	veq.s32 v3, $0xB;
	v6 =	vadd.f32 v40, v39;
	v7 =	vadd.f32 v8, v41  }
0xed: {  	vm7 =	veq.s32 v2, $0xB;
	v8 =	vadd.f32 v9, v42;
	v9 =	vadd.f32 v10, v43  }
0xee: {  	vm8 =	veq.s32 v3, $0xC;
	v10 =	vadd.f32 v11, v44;
	v11 =	vadd.f32 v12, v45;
	[tilespmem:$0x800] =	vst v6  }
0xef: {  	v13 =	vnsel vm9, $0x0, v4;
	v47 =	vnsel vm10, $0x0, v38;
	v14 =	vnsel vm11, $0x0, v4;
	[tilespmem:$0x880] =	vst v7  }
0xf0: {  	v49 =	vnsel vm12, $0x0, v38;
	v50 =	vnsel vm13, $0x0, v4;
	v51 =	vnsel vm14, $0x0, v38;
	[tilespmem:$0x900] =	vst v8  }
0xf1: {  	v52 =	vnsel vm15, $0x0, v4;
	v53 =	vnsel vm4, $0x0, v38;
	v54 =	vnsel vm5, $0x0, v4;
	[tilespmem:$0x980] =	vst v9  }
0xf2: {  	v55 =	vnsel vm6, $0x0, v38;
	v56 =	vnsel vm7, $0x0, v4;
	v12 =	vadd.f32 v13, v46;
	[tilespmem:$0xA00] =	vst v10  }
0xf3: {  	vm9 =	veq.s32 v2, $0xC;
	v58 =	vnsel vm8, $0x0, v38;
	v48 =	vadd.f32 v14, v47;
	[tilespmem:$0xA80] =	vst v11  }
0xf4: {  	vm10 =	veq.s32 v3, $0xD;
	vm11 =	veq.s32 v2, $0xD;
	v57 =	vadd.f32 v56, v55;
	[tilespmem:$0xB00] =	vst v12  }
0xf5: {  	vm12 =	veq.s32 v3, $0xE;
	vm13 =	veq.s32 v2, $0xE;
	v7 =	vadd.f32 v50, v49;
	[tilespmem:$0xB80] =	vst v48  }
0xf6: {  	vm14 =	veq.s32 v3, $0xF;
	vm15 =	veq.s32 v2, $0xF;
	v8 =	vadd.f32 v52, v51;
	[tilespmem:$0xD80] =	vst v57  }
0xf7: {  	v59 =	vnsel vm9, $0x0, v4;
	v62 =	vnsel vm11, $0x0, v4;
	v9 =	vadd.f32 v54, v53;
	[tilespmem:$0xC00] =	vst v7  }
0xf8: {  	v63 =	vnsel vm12, $0x0, v38;
	v3 =	vnsel vm13, $0x0, v4;
	v60 =	vadd.f32 v59, v58;
	[tilespmem:$0xC80] =	vst v8  }
0xf9: {  	v4 =	vnsel vm15, $0x0, v4;
	v2 =	vadd.f32 v3, v63;
	v3 =	vnsel vm14, $0x0, v38;
	[tilespmem:$0xD00] =	vst v9  }
0xfa: {  	v61 =	vnsel vm10, $0x0, v38;
	v3 =	vadd.f32 v4, v3;
	[tilespmem:$0xE00] =	vst v60  }
0xfb: {  	v8 =	vadd.f32 v62, v61;
	[tilespmem:$0xF00] =	vst v2  }
0xfc: {  	[tilespmem:$0xF80] =	vst v3  }
0xfd: {  	s5 =	rddreg [dreg:$0x12];
	[tilespmem:$0xE80] =	vst v8  }
0xfe: {  	[hbm4b:s5+s2] =	stream.linear.scatter [tilespmem:s16], [sflag:$0x1], $0x10, $0x38;
	[tilespmem:$0x1000] =	vst v63  }
0xff: {  	_ =	swait.ge [sflag:s4], $0x10  }
0x100: {  	[sflag:s4] =	ssyncset.done $0x0  }
0x101: {  	s5 =	rddreg [dreg:$0x13];
	[sflag:s4] =	ssyncadd.s32 $0xFFFFFFF0  }
0x102: {  	[hbm4b:s5+s2] =	stream.linear.scatter [tilespmem:s17], [sflag:$0x1], $0x10, $0x38;
	[tilespmem:$0x1000] =	vst v63  }
0x103: {  	_ =	swait.ge [sflag:s4], $0x10  }
0x104: {  	[sflag:s4] =	ssyncset.done $0x0  }
0x105: {  	s5 =	rddreg [dreg:$0x14];
	[sflag:s4] =	ssyncadd.s32 $0xFFFFFFF0  }
0x106: {  	[hbm4b:s5+s2] =	stream.linear.scatter [tilespmem:s18], [sflag:$0x1], $0x10, $0x38;
	[tilespmem:$0x1000] =	vst v63  }
0x107: {  	_ =	swait.ge [sflag:s4], $0x10  }
0x108: {  	[sflag:s4] =	ssyncset.done $0x0  }
0x109: {  	s5 =	rddreg [dreg:$0x15];
	[sflag:s4] =	ssyncadd.s32 $0xFFFFFFF0  }
0x10a: {  	[hbm4b:s5+s2] =	stream.linear.scatter [tilespmem:s19], [sflag:$0x1], $0x10, $0x38;
	[tilespmem:$0x1000] =	vst v63  }
0x10b: {  	_ =	swait.ge [sflag:s4], $0x10  }
0x10c: {  	[sflag:s4] =	ssyncset.done $0x0  }
0x10d: {  	s5 =	rddreg [dreg:$0x16];
	[sflag:s4] =	ssyncadd.s32 $0xFFFFFFF0  }
0x10e: {  	[hbm4b:s5+s2] =	stream.linear.scatter [tilespmem:s20], [sflag:$0x1], $0x10, $0x38;
	[tilespmem:$0x1000] =	vst v63  }
0x10f: {  	_ =	swait.ge [sflag:s4], $0x10  }
0x110: {  	[sflag:s4] =	ssyncset.done $0x0  }
0x111: {  	s5 =	rddreg [dreg:$0x17];
	[sflag:s4] =	ssyncadd.s32 $0xFFFFFFF0  }
0x112: {  	[hbm4b:s5+s2] =	stream.linear.scatter [tilespmem:s21], [sflag:$0x1], $0x10, $0x38;
	[tilespmem:$0x1000] =	vst v63  }
0x113: {  	_ =	swait.ge [sflag:s4], $0x10  }
0x114: {  	[sflag:s4] =	ssyncset.done $0x0  }
0x115: {  	s5 =	rddreg [dreg:$0x18];
	[sflag:s4] =	ssyncadd.s32 $0xFFFFFFF0  }
0x116: {  	[hbm4b:s5+s2] =	stream.linear.scatter [tilespmem:s22], [sflag:$0x1], $0x10, $0x38;
	[tilespmem:$0x1000] =	vst v63  }
0x117: {  	_ =	swait.ge [sflag:s4], $0x10  }
0x118: {  	[sflag:s4] =	ssyncset.done $0x0  }
0x119: {  	s5 =	rddreg [dreg:$0x19];
	[sflag:s4] =	ssyncadd.s32 $0xFFFFFFF0  }
0x11a: {  	[hbm4b:s5+s2] =	stream.linear.scatter [tilespmem:s23], [sflag:$0x1], $0x10, $0x38;
	[tilespmem:$0x1000] =	vst v63  }
0x11b: {  	_ =	swait.ge [sflag:s4], $0x10  }
0x11c: {  	[sflag:s4] =	ssyncset.done $0x0  }
0x11d: {  	s5 =	rddreg [dreg:$0x1a];
	[sflag:s4] =	ssyncadd.s32 $0xFFFFFFF0  }
0x11e: {  	[hbm4b:s5+s2] =	stream.linear.scatter [tilespmem:s24], [sflag:$0x1], $0x10, $0x38;
	[tilespmem:$0x1000] =	vst v63  }
0x11f: {  	_ =	swait.ge [sflag:s4], $0x10  }
0x120: {  	[sflag:s4] =	ssyncset.done $0x0  }
0x121: {  	s5 =	rddreg [dreg:$0x1b];
	[sflag:s4] =	ssyncadd.s32 $0xFFFFFFF0  }
0x122: {  	[hbm4b:s5+s2] =	stream.linear.scatter [tilespmem:s25], [sflag:$0x1], $0x10, $0x38;
	[tilespmem:$0x1000] =	vst v63  }
0x123: {  	_ =	swait.ge [sflag:s4], $0x10  }
0x124: {  	[sflag:s4] =	ssyncset.done $0x0  }
0x125: {  	s5 =	rddreg [dreg:$0x1c];
	[sflag:s4] =	ssyncadd.s32 $0xFFFFFFF0  }
0x126: {  	[hbm4b:s5+s2] =	stream.linear.scatter [tilespmem:s26], [sflag:$0x1], $0x10, $0x38;
	[tilespmem:$0x1000] =	vst v63  }
0x127: {  	_ =	swait.ge [sflag:s4], $0x10  }
0x128: {  	[sflag:s4] =	ssyncset.done $0x0  }
0x129: {  	s5 =	rddreg [dreg:$0x1d];
	[sflag:s4] =	ssyncadd.s32 $0xFFFFFFF0  }
0x12a: {  	[hbm4b:s5+s2] =	stream.linear.scatter [tilespmem:s28], [sflag:$0x1], $0x10, $0x38;
	[tilespmem:$0x1000] =	vst v63  }
0x12b: {  	_ =	swait.ge [sflag:s4], $0x10  }
0x12c: {  	[sflag:s4] =	ssyncset.done $0x0  }
0x12d: {  	s5 =	rddreg [dreg:$0x1e];
	[sflag:s4] =	ssyncadd.s32 $0xFFFFFFF0  }
0x12e: {  	[hbm4b:s5+s2] =	stream.linear.scatter [tilespmem:s29], [sflag:$0x1], $0x10, $0x38;
	[tilespmem:$0x1000] =	vst v63  }
0x12f: {  	_ =	swait.ge [sflag:s4], $0x10  }
0x130: {  	[sflag:s4] =	ssyncset.done $0x0  }
0x131: {  	s5 =	rddreg [dreg:$0x1f];
	[sflag:s4] =	ssyncadd.s32 $0xFFFFFFF0  }
0x132: {  	[hbm4b:s5+s2] =	stream.linear.scatter [tilespmem:s30], [sflag:$0x1], $0x10, $0x38;
	[tilespmem:$0x1000] =	vst v63  }
0x133: {  	_ =	swait.ge [sflag:s4], $0x10  }
0x134: {  	s5 =	sld [smem:$0x7F7]  }
0x135: {  	[sflag:s4] =	ssyncset.done $0x0  }
0x136: {  	[sflag:s4] =	ssyncadd.s32 $0xFFFFFFF0  }
0x137: {  	[hbm4b:s5+s2] =	stream.linear.scatter [tilespmem:s31], [sflag:$0x1], $0x10, $0x38;
	[tilespmem:$0x1000] =	vst v63  }
0x138: {  	_ =	swait.ge [sflag:s4], $0x10  }
0x139: {  	s5 =	sld [smem:$0x7F8]  }
0x13a: {  	p0 =	sne.s32 s3, $0x1;
	[sflag:s4] =	ssyncset.done $0x0  }
.Ltmp1:
0x13b: {  	[sflag:s4] =	ssyncadd.s32 $0xFFFFFFF0;
	(pc) =	sbr.rel @p0 .LBB2_2-.Ltmp1, $4  }
0x13c: {  	[hbm4b:s5+s2] =	stream.linear.scatter [tilespmem:s0], [sflag:$0x1], $0x10, $0x38;
	[tilespmem:$0x1000] =	vst v63  }
0x13d: {  	_ =	swait.ge [sflag:s4], $0x10  }
0x13e: {  	[sflag:s4] =	ssyncset.done $0x0  }
0x13f: {  	s3 =	sadd.s32 $0xFFFFFFFF, s3;
	[sflag:s4] =	ssyncadd.s32 $0xFFFFFFF0  }
.LBB2_3:
0x140: {  	_ =	sfence.sel $0x180000  }
0x141: {  	[bflag:$0x0] =	sbarrier.arrive $0xFFFF  }
0x142: {  	_ =	strace $0x90000047  }
0x143: {  	s0 =	stileid.u32;
	[bflag:$0x2] =	sbarrier.arrive $0xFFFF  }
0x144: {  	p0 =	sne.s32 s0, $0x0;
	s0 =	rddreg [dreg:$0x2]  }
0x145: {  	s0 =	sadd.s32 @!p0 $0x100000, s0  }
0x146: {  	[sflag:s0] =	ssyncadd.tile.s32 @!p0 $0x1;
	_ =	shalt  }
.Lfunc_end2:
_tile_overlayer_lowered:
.L_overlay_start_2:
0x147: {  	(tag) =	ssettag $0x2  }
0x148: {  	s0 =	rddreg [dreg:$0x0];
	s2 =	stileid.u32  }
0x149: {  	s1 =	rddreg [dreg:$0x1];
	p0 =	sne.s32 s2, $0x0  }
0x14a: {  	s3 =	rddreg [dreg:$0x2];
	[bflag:$0x3] =	sbarrier.arrive $0xFFFF;
	s2 =	simm.s32 @!p0 $0x1C01  }
0x14b: {  	[timem:s3], [sflag:s2] =	dma.local @!p0 [hbm:s0], s1  }
0x14c: {  	s0 =	simm.s32 @!p0 $0x1  }
0x14d: {  	_ =	swait.ge @!p0 [sflag:s0], s1  }
0x14e: {  	s1 =	ssub.s32 @!p0 $0x0, s1;
	[sflag:s0] =	ssyncset.done @!p0 $0x0  }
0x14f: {  	[sflag:s0] =	ssyncadd.s32 @!p0 s1  }
0x150: {  	[bflag:$0x3] =	sbarrier.arrive $0xFFFF  }
0x151: {  	_ =	shalt  }

</sc_bundles>
